<compile_context>
chip_gen: v7x
topology: tpu7x:2x2x1
jax: 0.10.2.dev20260603
libtpu: 0.0.44.dev20260713+nightly
codegen_flags: <defaults>
</compile_context>

<pallas_src>
import jax
import jax.numpy as jnp
from jax import lax
from jax.experimental import pallas as pl
from jax.experimental.pallas import tpu as pltpu
from jax.experimental.pallas import tpu_sc as plsc

_N = 10000
_E = 320000
_D = 128
_H = 128
_C = 10
_G = 64

_NC, _NS, _L = 2, 16, 16
_NW = _NC * _NS
_NP = 10240
_EPW = _E // _NW
_K = 80
_NCH = _EPW // _K
_RPT = _NP // _NS
_BN = 2048
_GRID = _NP // _BN



_DEG_NB = 5


def _sc_deg_body(dst2_hbm, out_hbm, idx_v, ones_v, zero_v, hist_sh, sem):
    cid = lax.axis_index("c")
    sid = lax.axis_index("s")
    wid = cid * _NS + sid
    z16 = jnp.zeros((_L,), jnp.float32)
    o16 = jnp.ones((_L,), jnp.float32)
    for j in range(_K // _L):
        ones_v[pl.ds(j * _L, _L)] = o16
        zero_v[pl.ds(j * _L, _L)] = z16
    zcps = [pltpu.async_copy(
        zero_v, hist_sh.at[pl.ds(sid * _RPT + t * _K, _K)], sem)
        for t in range(_RPT // _K)]
    pltpu.sync_copy(dst2_hbm.at[wid], idx_v)
    for cp in zcps:
        cp.wait()
    plsc.subcore_barrier()

    def body(gi, carry):
        cps = []
        for b in range(_DEG_NB):
            c = gi * _DEG_NB + b
            cps.append(pltpu.async_copy(
                ones_v, hist_sh.at[idx_v.at[c]], sem, add=True))
        for cp in cps:
            cp.wait()
        return carry

    lax.fori_loop(0, _NCH // _DEG_NB, body, 0)
    plsc.subcore_barrier()
    pltpu.sync_copy(hist_sh.at[pl.ds(sid * _RPT, _RPT)],
                    out_hbm.at[cid, pl.ds(sid * _RPT, _RPT)])


def _build_deg():
    mesh = plsc.VectorSubcoreMesh(core_axis_name="c", subcore_axis_name="s")
    return pl.kernel(
        _sc_deg_body,
        out_type=jax.ShapeDtypeStruct((_NC, _NP), jnp.float32),
        mesh=mesh,
        scratch_types=[
            pltpu.VMEM((_NCH, _K), jnp.int32),
            pltpu.VMEM((_K,), jnp.float32),
            pltpu.VMEM((_K,), jnp.float32),
            pltpu.VMEM_SHARED((_NP,), jnp.float32),
            pltpu.SemaphoreType.DMA,
        ],
    )


def _sc_scatter_body(g_hbm, src_hbm, dst2_hbm, out_hbm,
                     sidx_v, didx_v, rows_v, acc_sh, gsem):
    cid = lax.axis_index("c")
    sid = lax.axis_index("s")
    wid = cid * _NS + sid
    z16 = jnp.zeros((_L,), jnp.float32)

    def zrow(i, carry):
        for j in range(_H // _L):
            rows_v[0, i, pl.ds(j * _L, _L)] = z16
        return carry

    lax.fori_loop(0, _K, zrow, 0)
    zcps = [pltpu.async_copy(
        rows_v.at[0], acc_sh.at[pl.ds(sid * _RPT + t * _K, _K)], gsem)
        for t in range(_RPT // _K)]
    pltpu.sync_copy(src_hbm.at[pl.ds(wid * _EPW, _EPW)], sidx_v)
    pltpu.sync_copy(dst2_hbm.at[wid], didx_v)
    for cp in zcps:
        cp.wait()
    plsc.subcore_barrier()

    def fire_gather(c, b):
        pltpu.async_copy(g_hbm.at[sidx_v.at[pl.ds(c * _K, _K)]], rows_v.at[b], gsem)

    def wait_gather(b):
        pltpu.make_async_copy(g_hbm.at[sidx_v.at[pl.ds(0, _K)]], rows_v.at[b], gsem).wait()

    def scatter_sync(c, b):
        pltpu.sync_copy(rows_v.at[b], acc_sh.at[didx_v.at[c]], add=True)

    fire_gather(0, 0)
    fire_gather(1, 1)

    def body(gi, carry):
        for b in range(2):
            c = gi * 2 + b
            wait_gather(b)
            scatter_sync(c, b)

            @pl.when(c + 2 < _NCH)
            def _():
                fire_gather(c + 2, b)
        return carry

    lax.fori_loop(0, _NCH // 2, body, 0)
    wait_gather(0)
    scatter_sync(_NCH - 1, 0)
    plsc.subcore_barrier()
    pltpu.sync_copy(acc_sh.at[pl.ds(sid * _RPT, _RPT)],
                    out_hbm.at[cid, pl.ds(sid * _RPT, _RPT)])


def _build_scatter():
    mesh = plsc.VectorSubcoreMesh(core_axis_name="c", subcore_axis_name="s")
    return pl.kernel(
        _sc_scatter_body,
        out_type=jax.ShapeDtypeStruct((_NC, _NP, _H), jnp.float32),
        mesh=mesh,
        scratch_types=[
            pltpu.VMEM((_EPW,), jnp.int32),
            pltpu.VMEM((_NCH, _K), jnp.int32),
            pltpu.VMEM((2, _K, _H), jnp.float32),
            pltpu.VMEM_SHARED((_NP, _H), jnp.float32),
            pltpu.SemaphoreType.DMA,
        ],
    )



def _dis_of(deg_blk):
    return lax.rsqrt(deg_blk[:, 0:1] + deg_blk[:, 1:2] + 1.0)


def _tca_body(deg_ref, x_ref, w_ref, g_ref):
    dis = _dis_of(deg_ref[...])
    h = jnp.dot(x_ref[...], w_ref[...], preferred_element_type=jnp.float32)
    g_ref[...] = h * dis


def _build_tca():
    return pl.pallas_call(
        _tca_body,
        grid=(_GRID,),
        in_specs=[
            pl.BlockSpec((_BN, 2), lambda i: (i, 0)),
            pl.BlockSpec((_BN, _D), lambda i: (i, 0)),
            pl.BlockSpec((_D, _H), lambda i: (0, 0)),
        ],
        out_specs=pl.BlockSpec((_BN, _H), lambda i: (i, 0)),
        out_shape=jax.ShapeDtypeStruct((_NP, _H), jnp.float32),
    )


def _tcb_body(acc_ref, g1_ref, deg_ref, b1_ref, w2_ref, g2_ref):
    dis = _dis_of(deg_ref[...])
    a = acc_ref[...].sum(axis=0)
    g1 = g1_ref[...]
    h1 = jnp.maximum(dis * (a + g1) + b1_ref[...], 0.0)
    g2_ref[...] = jnp.dot(h1, w2_ref[...],
                          preferred_element_type=jnp.float32) * dis


def _build_tcb():
    return pl.pallas_call(
        _tcb_body,
        grid=(_GRID,),
        in_specs=[
            pl.BlockSpec((_NC, _BN, _H), lambda i: (0, i, 0)),
            pl.BlockSpec((_BN, _H), lambda i: (i, 0)),
            pl.BlockSpec((_BN, 2), lambda i: (i, 0)),
            pl.BlockSpec((_H,), lambda i: (0,)),
            pl.BlockSpec((_H, _H), lambda i: (0, 0)),
        ],
        out_specs=pl.BlockSpec((_BN, _H), lambda i: (i, 0)),
        out_shape=jax.ShapeDtypeStruct((_NP, _H), jnp.float32),
    )


def _tcc_body(acc_ref, g2_ref, deg_ref, b2_ref, batch_ref, wl_ref, bl_ref,
              out_ref, pool_s, cnt_s):
    i = pl.program_id(0)

    @pl.when(i == 0)
    def _():
        pool_s[...] = jnp.zeros((_G, _H), jnp.float32)
        cnt_s[...] = jnp.zeros((_G, _H), jnp.float32)

    dis = _dis_of(deg_ref[...])
    a = acc_ref[...].sum(axis=0)
    h = dis * (a + g2_ref[...]) + b2_ref[...]
    rid = i * _BN + lax.broadcasted_iota(jnp.int32, (_BN, 1), 0)
    h = jnp.where(rid < _N, h, 0.0)
    bt = batch_ref[pl.ds(i, 1), :]
    oh = (lax.broadcasted_iota(jnp.int32, (_G, _BN), 0) == bt)
    oh = oh.astype(jnp.float32)
    pool_s[...] += jnp.dot(oh, h, preferred_element_type=jnp.float32)
    cnt_s[...] += jnp.dot(oh, jnp.ones((_BN, _H), jnp.float32),
                          preferred_element_type=jnp.float32)

    @pl.when(i == _GRID - 1)
    def _():
        mean = pool_s[...] / jnp.maximum(cnt_s[...], 1.0)
        out_ref[...] = jnp.dot(mean, wl_ref[...],
                               preferred_element_type=jnp.float32) + bl_ref[...]


def _build_tcc():
    return pl.pallas_call(
        _tcc_body,
        grid=(_GRID,),
        in_specs=[
            pl.BlockSpec((_NC, _BN, _H), lambda i: (0, i, 0)),
            pl.BlockSpec((_BN, _H), lambda i: (i, 0)),
            pl.BlockSpec((_BN, 2), lambda i: (i, 0)),
            pl.BlockSpec((_H,), lambda i: (0,)),
            pl.BlockSpec((_GRID, _BN), lambda i: (0, 0)),
            pl.BlockSpec((_H, _C), lambda i: (0, 0)),
            pl.BlockSpec((_C,), lambda i: (0,)),
        ],
        out_specs=pl.BlockSpec((_G, _C), lambda i: (0, 0)),
        out_shape=jax.ShapeDtypeStruct((_G, _C), jnp.float32),
        scratch_shapes=[
            pltpu.VMEM((_G, _H), jnp.float32),
            pltpu.VMEM((_G, _H), jnp.float32),
        ],
    )



def _pipeline(x, edge_index, batch, W1, b1, W2, b2, Wl, bl):
    deg_call = _build_deg()
    scat_call = _build_scatter()
    tca = _build_tca()
    tcb = _build_tcb()
    tcc = _build_tcc()

    src1 = edge_index[0]
    dst2 = edge_index[1].reshape(_NW, _NCH, _K)
    bp = jnp.full((_NP,), _G, jnp.int32).at[:_N].set(batch)
    bp = bp.reshape(_GRID, _BN)

    degT = deg_call(dst2).T
    g1 = tca(degT, x, W1)
    acc1 = scat_call(g1, src1, dst2)
    g2 = tcb(acc1, g1, degT, b1, W2)
    acc2 = scat_call(g2, src1, dst2)
    return tcc(acc2, g2, degT, b2, bp, Wl, bl)


def kernel(x, edge_index, batch, W1, b1, W2, b2, Wl, bl):
    return _pipeline(x, edge_index, batch, W1, b1, W2, b2, Wl, bl)

# --- scband reference (transcript-rebuilt; emitter-appended) ---
"""Pipeline reference for scband-gnn-19301583028903 (READ-ONLY COPY).

The authoritative reference and input builder live on the scoring server;
editing this copy changes nothing except your own understanding.
"""

import jax, jax.numpy as jnp
import numpy as np

N = 10000
E = 320000
D = 128
H = 128
C = 10
G = 64


def gcn_conv(x, src, dst, W, b, n):
    # GCNConv (PyG semantics): linear transform, add self-loops, symmetric normalization, scatter-add
    h = x @ W
    loop = jnp.arange(n, dtype=src.dtype)
    s = jnp.concatenate([src, loop])
    d = jnp.concatenate([dst, loop])
    deg = jax.ops.segment_sum(jnp.ones_like(s, dtype=jnp.float32), d, num_segments=n)
    deg_inv_sqrt = jax.lax.rsqrt(jnp.maximum(deg, 1.0))
    norm = deg_inv_sqrt[s] * deg_inv_sqrt[d]
    msg = h[s] * norm[:, None]
    out = jax.ops.segment_sum(msg, d, num_segments=n)
    return out + b


def setup_inputs(seed: int = 0) -> dict:
    key = jax.random.key(seed)
    ks = jax.random.split(key, 10)
    x = jax.random.normal(ks[0], (N, D), dtype=jnp.float32)
    edge_index = jax.random.randint(ks[1], (2, E), 0, N, dtype=jnp.int32)
    batch = jnp.sort(jax.random.randint(ks[2], (N,), 0, G, dtype=jnp.int32))
    W1 = jax.random.normal(ks[3], (D, H), dtype=jnp.float32) * 0.05
    b1 = jnp.zeros((H,), dtype=jnp.float32)
    W2 = jax.random.normal(ks[4], (H, H), dtype=jnp.float32) * 0.05
    b2 = jnp.zeros((H,), dtype=jnp.float32)
    Wl = jax.random.normal(ks[5], (H, C), dtype=jnp.float32) * 0.05
    bl = jnp.zeros((C,), dtype=jnp.float32)
    return {"x": x, "edge_index": edge_index, "batch": batch,
            "W1": W1, "b1": b1, "W2": W2, "b2": b2, "Wl": Wl, "bl": bl}


def reference(x, edge_index, batch, W1, b1, W2, b2, Wl, bl):
    src = edge_index[0]
    dst = edge_index[1]
    h = gcn_conv(x, src, dst, W1, b1, N)
    h = jax.nn.relu(h)
    h = gcn_conv(h, src, dst, W2, b2, N)
    # global_mean_pool over graph ids
    sums = jax.ops.segment_sum(h, batch, num_segments=G)
    counts = jax.ops.segment_sum(jnp.ones((N,), dtype=jnp.float32), batch, num_segments=G)
    pooled = sums / jnp.maximum(counts, 1.0)[:, None]
    # dropout p=0.5 is identity at inference
    out = pooled @ Wl + bl
    return out

if __name__ == "__main__":
    import jax
    _d = setup_inputs()
    print(jax.jit(kernel)(*tuple(_d.values())))

</pallas_src>

<mosaic_0001>
#map = affine_map<(d0, d1) -> (0, 0)>
#map1 = affine_map<(d0, d1) -> (0)>
#map2 = affine_map<(d0, d1) -> (0, 0, 0)>
module attributes {stable_mosaic.version = 14 : i64} {
  func.func @_sc_scatter_body(%arg0: i32, %arg1: i32, %arg2: memref<10240x128xf32, #tpu.memory_space<hbm>>, %arg3: memref<320000xi32, #tpu.memory_space<hbm>>, %arg4: memref<32x125x80xi32, #tpu.memory_space<hbm>>, %arg5: memref<2x10240x128xf32, #tpu.memory_space<hbm>>, %arg6: memref<10000xi32, #tpu.memory_space<vmem>>, %arg7: memref<125x80xi32, #tpu.memory_space<vmem>>, %arg8: memref<2x80x128xf32, #tpu.memory_space<vmem>>, %arg9: memref<10240x128xf32, #tpu.memory_space<vmem_shared>>, %arg10: memref<!tpu.dma_semaphore, #tpu.memory_space<semaphore_mem>>) attributes {dimension_semantics = [#tpu.dimension_semantics<core_parallel>, #tpu.dimension_semantics<subcore_parallel>], iteration_bounds = array<i64: 2, 16>, scalar_prefetch = 0 : i64, scratch_operands = 5 : i64, tpu.core_type = #tpu.core_type<sc_vector_subcore>, window_params = [{transform_indices = #map}, {transform_indices = #map1}, {transform_indices = #map2}, {transform_indices = #map2}]} {
    %mul3A = arith.constant 16 : i32
    %mul3A_0 = arith.muli %arg0, %mul3A : i32
    %add3A = arith.addi %mul3A_0, %arg1 : i32
    %broadcast_in_dim3A = arith.constant 0.000000e+00 : f32
    %broadcast_in_dim3A_1 = vector.broadcast %broadcast_in_dim3A : f32 to vector<16xf32>
    %scan3A = arith.constant 0 : i32
    %scan3A_2 = arith.constant 0 : i32
    %scan3A_3 = arith.constant 80 : i32
    %scan3A_4 = arith.addi %scan3A_2, %scan3A_3 : i32
    %scan3A_5 = arith.constant 1 : i32
    scf.for %scan3A_289 = %scan3A_2 to %scan3A_4 step %scan3A_5  : i32 {
      %swap3A = arith.constant 0 : i32
      %swap3A_290 = arith.index_cast %swap3A : i32 to index
      %swap3A_291 = arith.index_cast %scan3A_289 : i32 to index
      %swap3A_292 = arith.constant 0 : index
      %swap3A_293 = tpu.vector_load %arg8[%swap3A_290, %swap3A_291, %swap3A_292] {strides = array<i32>} : memref<2x80x128xf32, #tpu.memory_space<vmem>>, vector<1x1x16xf32>,
      %swap3A_294 = vector.shape_cast %swap3A_293 : vector<1x1x16xf32> to vector<16xf32>
      %swap3A_295 = vector.shape_cast %broadcast_in_dim3A_1 : vector<16xf32> to vector<1x1x16xf32>
      tpu.vector_store %arg8[%swap3A_290, %swap3A_291, %swap3A_292], %swap3A_295 {strides = array<i32>} : memref<2x80x128xf32, #tpu.memory_space<vmem>>, vector<1x1x16xf32>,
      %swap3A_296 = arith.constant 0 : i32
      %swap3A_297 = arith.index_cast %swap3A_296 : i32 to index
      %swap3A_298 = arith.index_cast %scan3A_289 : i32 to index
      %swap3A_299 = arith.constant 16 : index
      %swap3A_300 = tpu.vector_load %arg8[%swap3A_297, %swap3A_298, %swap3A_299] {strides = array<i32>} : memref<2x80x128xf32, #tpu.memory_space<vmem>>, vector<1x1x16xf32>,
      %swap3A_301 = vector.shape_cast %swap3A_300 : vector<1x1x16xf32> to vector<16xf32>
      %swap3A_302 = vector.shape_cast %broadcast_in_dim3A_1 : vector<16xf32> to vector<1x1x16xf32>
      tpu.vector_store %arg8[%swap3A_297, %swap3A_298, %swap3A_299], %swap3A_302 {strides = array<i32>} : memref<2x80x128xf32, #tpu.memory_space<vmem>>, vector<1x1x16xf32>,
      %swap3A_303 = arith.constant 0 : i32
      %swap3A_304 = arith.index_cast %swap3A_303 : i32 to index
      %swap3A_305 = arith.index_cast %scan3A_289 : i32 to index
      %swap3A_306 = arith.constant 32 : index
      %swap3A_307 = tpu.vector_load %arg8[%swap3A_304, %swap3A_305, %swap3A_306] {strides = array<i32>} : memref<2x80x128xf32, #tpu.memory_space<vmem>>, vector<1x1x16xf32>,
      %swap3A_308 = vector.shape_cast %swap3A_307 : vector<1x1x16xf32> to vector<16xf32>
      %swap3A_309 = vector.shape_cast %broadcast_in_dim3A_1 : vector<16xf32> to vector<1x1x16xf32>
      tpu.vector_store %arg8[%swap3A_304, %swap3A_305, %swap3A_306], %swap3A_309 {strides = array<i32>} : memref<2x80x128xf32, #tpu.memory_space<vmem>>, vector<1x1x16xf32>,
      %swap3A_310 = arith.constant 0 : i32
      %swap3A_311 = arith.index_cast %swap3A_310 : i32 to index
      %swap3A_312 = arith.index_cast %scan3A_289 : i32 to index
      %swap3A_313 = arith.constant 48 : index
      %swap3A_314 = tpu.vector_load %arg8[%swap3A_311, %swap3A_312, %swap3A_313] {strides = array<i32>} : memref<2x80x128xf32, #tpu.memory_space<vmem>>, vector<1x1x16xf32>,
      %swap3A_315 = vector.shape_cast %swap3A_314 : vector<1x1x16xf32> to vector<16xf32>
      %swap3A_316 = vector.shape_cast %broadcast_in_dim3A_1 : vector<16xf32> to vector<1x1x16xf32>
      tpu.vector_store %arg8[%swap3A_311, %swap3A_312, %swap3A_313], %swap3A_316 {strides = array<i32>} : memref<2x80x128xf32, #tpu.memory_space<vmem>>, vector<1x1x16xf32>,
      %swap3A_317 = arith.constant 0 : i32
      %swap3A_318 = arith.index_cast %swap3A_317 : i32 to index
      %swap3A_319 = arith.index_cast %scan3A_289 : i32 to index
      %swap3A_320 = arith.constant 64 : index
      %swap3A_321 = tpu.vector_load %arg8[%swap3A_318, %swap3A_319, %swap3A_320] {strides = array<i32>} : memref<2x80x128xf32, #tpu.memory_space<vmem>>, vector<1x1x16xf32>,
      %swap3A_322 = vector.shape_cast %swap3A_321 : vector<1x1x16xf32> to vector<16xf32>
      %swap3A_323 = vector.shape_cast %broadcast_in_dim3A_1 : vector<16xf32> to vector<1x1x16xf32>
      tpu.vector_store %arg8[%swap3A_318, %swap3A_319, %swap3A_320], %swap3A_323 {strides = array<i32>} : memref<2x80x128xf32, #tpu.memory_space<vmem>>, vector<1x1x16xf32>,
      %swap3A_324 = arith.constant 0 : i32
      %swap3A_325 = arith.index_cast %swap3A_324 : i32 to index
      %swap3A_326 = arith.index_cast %scan3A_289 : i32 to index
      %swap3A_327 = arith.constant 80 : index
      %swap3A_328 = tpu.vector_load %arg8[%swap3A_325, %swap3A_326, %swap3A_327] {strides = array<i32>} : memref<2x80x128xf32, #tpu.memory_space<vmem>>, vector<1x1x16xf32>,
      %swap3A_329 = vector.shape_cast %swap3A_328 : vector<1x1x16xf32> to vector<16xf32>
      %swap3A_330 = vector.shape_cast %broadcast_in_dim3A_1 : vector<16xf32> to vector<1x1x16xf32>
      tpu.vector_store %arg8[%swap3A_325, %swap3A_326, %swap3A_327], %swap3A_330 {strides = array<i32>} : memref<2x80x128xf32, #tpu.memory_space<vmem>>, vector<1x1x16xf32>,
      %swap3A_331 = arith.constant 0 : i32
      %swap3A_332 = arith.index_cast %swap3A_331 : i32 to index
      %swap3A_333 = arith.index_cast %scan3A_289 : i32 to index
      %swap3A_334 = arith.constant 96 : index
      %swap3A_335 = tpu.vector_load %arg8[%swap3A_332, %swap3A_333, %swap3A_334] {strides = array<i32>} : memref<2x80x128xf32, #tpu.memory_space<vmem>>, vector<1x1x16xf32>,
      %swap3A_336 = vector.shape_cast %swap3A_335 : vector<1x1x16xf32> to vector<16xf32>
      %swap3A_337 = vector.shape_cast %broadcast_in_dim3A_1 : vector<16xf32> to vector<1x1x16xf32>
      tpu.vector_store %arg8[%swap3A_332, %swap3A_333, %swap3A_334], %swap3A_337 {strides = array<i32>} : memref<2x80x128xf32, #tpu.memory_space<vmem>>, vector<1x1x16xf32>,
      %swap3A_338 = arith.constant 0 : i32
      %swap3A_339 = arith.index_cast %swap3A_338 : i32 to index
      %swap3A_340 = arith.index_cast %scan3A_289 : i32 to index
      %swap3A_341 = arith.constant 112 : index
      %swap3A_342 = tpu.vector_load %arg8[%swap3A_339, %swap3A_340, %swap3A_341] {strides = array<i32>} : memref<2x80x128xf32, #tpu.memory_space<vmem>>, vector<1x1x16xf32>,
      %swap3A_343 = vector.shape_cast %swap3A_342 : vector<1x1x16xf32> to vector<16xf32>
      %swap3A_344 = vector.shape_cast %broadcast_in_dim3A_1 : vector<16xf32> to vector<1x1x16xf32>
      tpu.vector_store %arg8[%swap3A_339, %swap3A_340, %swap3A_341], %swap3A_344 {strides = array<i32>} : memref<2x80x128xf32, #tpu.memory_space<vmem>>, vector<1x1x16xf32>,
    }
    %scan3A_6 = arith.constant 80 : i32
    %mul3A_7 = arith.constant 640 : i32
    %mul3A_8 = arith.muli %arg1, %mul3A_7 : i32
    %add3A_9 = arith.constant 0 : i32
    %add3A_10 = arith.addi %mul3A_8, %add3A_9 : i32
    %dma_start3A = arith.constant 0 : i32
    %dma_start3A_11 = arith.constant 0 : i32
    %dma_start3A_12 = arith.constant 0 : i32
    %dma_start3A_13 = tpu.memref_slice %arg8[%dma_start3A, %dma_start3A_11, %dma_start3A_12] : memref<2x80x128xf32, #tpu.memory_space<vmem>> -> memref<1x80x128xf32, #tpu.memory_space<vmem>>
    %dma_start3A_14 = tpu.memref_squeeze %dma_start3A_13 : memref<1x80x128xf32, #tpu.memory_space<vmem>> -> memref<80x128xf32, #tpu.memory_space<vmem>>
    %dma_start3A_15 = arith.constant 0 : i32
    %dma_start3A_16 = tpu.memref_slice %arg9[%add3A_10, %dma_start3A_15] : memref<10240x128xf32, #tpu.memory_space<vmem_shared>> -> memref<80x128xf32, #tpu.memory_space<vmem_shared>>
    %dma_start3A_17 = arith.constant 0 : i32
    %dma_start3A_18 = tpu.memref_slice %arg9[%add3A_10, %dma_start3A_17] : memref<10240x128xf32, #tpu.memory_space<vmem_shared>> -> memref<80x128xf32, #tpu.memory_space<vmem_shared>>
    %dma_start3A_19 = arith.constant 0 : i32
    %dma_start3A_20 = arith.constant 0 : i32
    %dma_start3A_21 = tpu.memref_slice %arg8[%dma_start3A, %dma_start3A_19, %dma_start3A_20] : memref<2x80x128xf32, #tpu.memory_space<vmem>> -> memref<1x80x128xf32, #tpu.memory_space<vmem>>
    %dma_start3A_22 = tpu.memref_squeeze %dma_start3A_21 : memref<1x80x128xf32, #tpu.memory_space<vmem>> -> memref<80x128xf32, #tpu.memory_space<vmem>>
    tpu.enqueue_dma source(%dma_start3A_22 : memref<80x128xf32, #tpu.memory_space<vmem>>) target(%dma_start3A_18 : memref<80x128xf32, #tpu.memory_space<vmem_shared>>) target_semaphore(%arg10 : memref<!tpu.dma_semaphore, #tpu.memory_space<semaphore_mem>>)
    %mul3A_23 = arith.constant 640 : i32
    %mul3A_24 = arith.muli %arg1, %mul3A_23 : i32
    %add3A_25 = arith.constant 80 : i32
    %add3A_26 = arith.addi %mul3A_24, %add3A_25 : i32
    %dma_start3A_27 = arith.constant 0 : i32
    %dma_start3A_28 = arith.constant 0 : i32
    %dma_start3A_29 = arith.constant 0 : i32
    %dma_start3A_30 = tpu.memref_slice %arg8[%dma_start3A_27, %dma_start3A_28, %dma_start3A_29] : memref<2x80x128xf32, #tpu.memory_space<vmem>> -> memref<1x80x128xf32, #tpu.memory_space<vmem>>
    %dma_start3A_31 = tpu.memref_squeeze %dma_start3A_30 : memref<1x80x128xf32, #tpu.memory_space<vmem>> -> memref<80x128xf32, #tpu.memory_space<vmem>>
    %dma_start3A_32 = arith.constant 0 : i32
    %dma_start3A_33 = tpu.memref_slice %arg9[%add3A_26, %dma_start3A_32] : memref<10240x128xf32, #tpu.memory_space<vmem_shared>> -> memref<80x128xf32, #tpu.memory_space<vmem_shared>>
    %dma_start3A_34 = arith.constant 0 : i32
    %dma_start3A_35 = tpu.memref_slice %arg9[%add3A_26, %dma_start3A_34] : memref<10240x128xf32, #tpu.memory_space<vmem_shared>> -> memref<80x128xf32, #tpu.memory_space<vmem_shared>>
    %dma_start3A_36 = arith.constant 0 : i32
    %dma_start3A_37 = arith.constant 0 : i32
    %dma_start3A_38 = tpu.memref_slice %arg8[%dma_start3A_27, %dma_start3A_36, %dma_start3A_37] : memref<2x80x128xf32, #tpu.memory_space<vmem>> -> memref<1x80x128xf32, #tpu.memory_space<vmem>>
    %dma_start3A_39 = tpu.memref_squeeze %dma_start3A_38 : memref<1x80x128xf32, #tpu.memory_space<vmem>> -> memref<80x128xf32, #tpu.memory_space<vmem>>
    tpu.enqueue_dma source(%dma_start3A_39 : memref<80x128xf32, #tpu.memory_space<vmem>>) target(%dma_start3A_35 : memref<80x128xf32, #tpu.memory_space<vmem_shared>>) target_semaphore(%arg10 : memref<!tpu.dma_semaphore, #tpu.memory_space<semaphore_mem>>)
    %mul3A_40 = arith.constant 640 : i32
    %mul3A_41 = arith.muli %arg1, %mul3A_40 : i32
    %add3A_42 = arith.constant 160 : i32
    %add3A_43 = arith.addi %mul3A_41, %add3A_42 : i32
    %dma_start3A_44 = arith.constant 0 : i32
    %dma_start3A_45 = arith.constant 0 : i32
    %dma_start3A_46 = arith.constant 0 : i32
    %dma_start3A_47 = tpu.memref_slice %arg8[%dma_start3A_44, %dma_start3A_45, %dma_start3A_46] : memref<2x80x128xf32, #tpu.memory_space<vmem>> -> memref<1x80x128xf32, #tpu.memory_space<vmem>>
    %dma_start3A_48 = tpu.memref_squeeze %dma_start3A_47 : memref<1x80x128xf32, #tpu.memory_space<vmem>> -> memref<80x128xf32, #tpu.memory_space<vmem>>
    %dma_start3A_49 = arith.constant 0 : i32
    %dma_start3A_50 = tpu.memref_slice %arg9[%add3A_43, %dma_start3A_49] : memref<10240x128xf32, #tpu.memory_space<vmem_shared>> -> memref<80x128xf32, #tpu.memory_space<vmem_shared>>
    %dma_start3A_51 = arith.constant 0 : i32
    %dma_start3A_52 = tpu.memref_slice %arg9[%add3A_43, %dma_start3A_51] : memref<10240x128xf32, #tpu.memory_space<vmem_shared>> -> memref<80x128xf32, #tpu.memory_space<vmem_shared>>
    %dma_start3A_53 = arith.constant 0 : i32
    %dma_start3A_54 = arith.constant 0 : i32
    %dma_start3A_55 = tpu.memref_slice %arg8[%dma_start3A_44, %dma_start3A_53, %dma_start3A_54] : memref<2x80x128xf32, #tpu.memory_space<vmem>> -> memref<1x80x128xf32, #tpu.memory_space<vmem>>
    %dma_start3A_56 = tpu.memref_squeeze %dma_start3A_55 : memref<1x80x128xf32, #tpu.memory_space<vmem>> -> memref<80x128xf32, #tpu.memory_space<vmem>>
    tpu.enqueue_dma source(%dma_start3A_56 : memref<80x128xf32, #tpu.memory_space<vmem>>) target(%dma_start3A_52 : memref<80x128xf32, #tpu.memory_space<vmem_shared>>) target_semaphore(%arg10 : memref<!tpu.dma_semaphore, #tpu.memory_space<semaphore_mem>>)
    %mul3A_57 = arith.constant 640 : i32
    %mul3A_58 = arith.muli %arg1, %mul3A_57 : i32
    %add3A_59 = arith.constant 240 : i32
    %add3A_60 = arith.addi %mul3A_58, %add3A_59 : i32
    %dma_start3A_61 = arith.constant 0 : i32
    %dma_start3A_62 = arith.constant 0 : i32
    %dma_start3A_63 = arith.constant 0 : i32
    %dma_start3A_64 = tpu.memref_slice %arg8[%dma_start3A_61, %dma_start3A_62, %dma_start3A_63] : memref<2x80x128xf32, #tpu.memory_space<vmem>> -> memref<1x80x128xf32, #tpu.memory_space<vmem>>
    %dma_start3A_65 = tpu.memref_squeeze %dma_start3A_64 : memref<1x80x128xf32, #tpu.memory_space<vmem>> -> memref<80x128xf32, #tpu.memory_space<vmem>>
    %dma_start3A_66 = arith.constant 0 : i32
    %dma_start3A_67 = tpu.memref_slice %arg9[%add3A_60, %dma_start3A_66] : memref<10240x128xf32, #tpu.memory_space<vmem_shared>> -> memref<80x128xf32, #tpu.memory_space<vmem_shared>>
    %dma_start3A_68 = arith.constant 0 : i32
    %dma_start3A_69 = tpu.memref_slice %arg9[%add3A_60, %dma_start3A_68] : memref<10240x128xf32, #tpu.memory_space<vmem_shared>> -> memref<80x128xf32, #tpu.memory_space<vmem_shared>>
    %dma_start3A_70 = arith.constant 0 : i32
    %dma_start3A_71 = arith.constant 0 : i32
    %dma_start3A_72 = tpu.memref_slice %arg8[%dma_start3A_61, %dma_start3A_70, %dma_start3A_71] : memref<2x80x128xf32, #tpu.memory_space<vmem>> -> memref<1x80x128xf32, #tpu.memory_space<vmem>>
    %dma_start3A_73 = tpu.memref_squeeze %dma_start3A_72 : memref<1x80x128xf32, #tpu.memory_space<vmem>> -> memref<80x128xf32, #tpu.memory_space<vmem>>
    tpu.enqueue_dma source(%dma_start3A_73 : memref<80x128xf32, #tpu.memory_space<vmem>>) target(%dma_start3A_69 : memref<80x128xf32, #tpu.memory_space<vmem_shared>>) target_semaphore(%arg10 : memref<!tpu.dma_semaphore, #tpu.memory_space<semaphore_mem>>)
    %mul3A_74 = arith.constant 640 : i32
    %mul3A_75 = arith.muli %arg1, %mul3A_74 : i32
    %add3A_76 = arith.constant 320 : i32
    %add3A_77 = arith.addi %mul3A_75, %add3A_76 : i32
    %dma_start3A_78 = arith.constant 0 : i32
    %dma_start3A_79 = arith.constant 0 : i32
    %dma_start3A_80 = arith.constant 0 : i32
    %dma_start3A_81 = tpu.memref_slice %arg8[%dma_start3A_78, %dma_start3A_79, %dma_start3A_80] : memref<2x80x128xf32, #tpu.memory_space<vmem>> -> memref<1x80x128xf32, #tpu.memory_space<vmem>>
    %dma_start3A_82 = tpu.memref_squeeze %dma_start3A_81 : memref<1x80x128xf32, #tpu.memory_space<vmem>> -> memref<80x128xf32, #tpu.memory_space<vmem>>
    %dma_start3A_83 = arith.constant 0 : i32
    %dma_start3A_84 = tpu.memref_slice %arg9[%add3A_77, %dma_start3A_83] : memref<10240x128xf32, #tpu.memory_space<vmem_shared>> -> memref<80x128xf32, #tpu.memory_space<vmem_shared>>
    %dma_start3A_85 = arith.constant 0 : i32
    %dma_start3A_86 = tpu.memref_slice %arg9[%add3A_77, %dma_start3A_85] : memref<10240x128xf32, #tpu.memory_space<vmem_shared>> -> memref<80x128xf32, #tpu.memory_space<vmem_shared>>
    %dma_start3A_87 = arith.constant 0 : i32
    %dma_start3A_88 = arith.constant 0 : i32
    %dma_start3A_89 = tpu.memref_slice %arg8[%dma_start3A_78, %dma_start3A_87, %dma_start3A_88] : memref<2x80x128xf32, #tpu.memory_space<vmem>> -> memref<1x80x128xf32, #tpu.memory_space<vmem>>
    %dma_start3A_90 = tpu.memref_squeeze %dma_start3A_89 : memref<1x80x128xf32, #tpu.memory_space<vmem>> -> memref<80x128xf32, #tpu.memory_space<vmem>>
    tpu.enqueue_dma source(%dma_start3A_90 : memref<80x128xf32, #tpu.memory_space<vmem>>) target(%dma_start3A_86 : memref<80x128xf32, #tpu.memory_space<vmem_shared>>) target_semaphore(%arg10 : memref<!tpu.dma_semaphore, #tpu.memory_space<semaphore_mem>>)
    %mul3A_91 = arith.constant 640 : i32
    %mul3A_92 = arith.muli %arg1, %mul3A_91 : i32
    %add3A_93 = arith.constant 400 : i32
    %add3A_94 = arith.addi %mul3A_92, %add3A_93 : i32
    %dma_start3A_95 = arith.constant 0 : i32
    %dma_start3A_96 = arith.constant 0 : i32
    %dma_start3A_97 = arith.constant 0 : i32
    %dma_start3A_98 = tpu.memref_slice %arg8[%dma_start3A_95, %dma_start3A_96, %dma_start3A_97] : memref<2x80x128xf32, #tpu.memory_space<vmem>> -> memref<1x80x128xf32, #tpu.memory_space<vmem>>
    %dma_start3A_99 = tpu.memref_squeeze %dma_start3A_98 : memref<1x80x128xf32, #tpu.memory_space<vmem>> -> memref<80x128xf32, #tpu.memory_space<vmem>>
    %dma_start3A_100 = arith.constant 0 : i32
    %dma_start3A_101 = tpu.memref_slice %arg9[%add3A_94, %dma_start3A_100] : memref<10240x128xf32, #tpu.memory_space<vmem_shared>> -> memref<80x128xf32, #tpu.memory_space<vmem_shared>>
    %dma_start3A_102 = arith.constant 0 : i32
    %dma_start3A_103 = tpu.memref_slice %arg9[%add3A_94, %dma_start3A_102] : memref<10240x128xf32, #tpu.memory_space<vmem_shared>> -> memref<80x128xf32, #tpu.memory_space<vmem_shared>>
    %dma_start3A_104 = arith.constant 0 : i32
    %dma_start3A_105 = arith.constant 0 : i32
    %dma_start3A_106 = tpu.memref_slice %arg8[%dma_start3A_95, %dma_start3A_104, %dma_start3A_105] : memref<2x80x128xf32, #tpu.memory_space<vmem>> -> memref<1x80x128xf32, #tpu.memory_space<vmem>>
    %dma_start3A_107 = tpu.memref_squeeze %dma_start3A_106 : memref<1x80x128xf32, #tpu.memory_space<vmem>> -> memref<80x128xf32, #tpu.memory_space<vmem>>
    tpu.enqueue_dma source(%dma_start3A_107 : memref<80x128xf32, #tpu.memory_space<vmem>>) target(%dma_start3A_103 : memref<80x128xf32, #tpu.memory_space<vmem_shared>>) target_semaphore(%arg10 : memref<!tpu.dma_semaphore, #tpu.memory_space<semaphore_mem>>)
    %mul3A_108 = arith.constant 640 : i32
    %mul3A_109 = arith.muli %arg1, %mul3A_108 : i32
    %add3A_110 = arith.constant 480 : i32
    %add3A_111 = arith.addi %mul3A_109, %add3A_110 : i32
    %dma_start3A_112 = arith.constant 0 : i32
    %dma_start3A_113 = arith.constant 0 : i32
    %dma_start3A_114 = arith.constant 0 : i32
    %dma_start3A_115 = tpu.memref_slice %arg8[%dma_start3A_112, %dma_start3A_113, %dma_start3A_114] : memref<2x80x128xf32, #tpu.memory_space<vmem>> -> memref<1x80x128xf32, #tpu.memory_space<vmem>>
    %dma_start3A_116 = tpu.memref_squeeze %dma_start3A_115 : memref<1x80x128xf32, #tpu.memory_space<vmem>> -> memref<80x128xf32, #tpu.memory_space<vmem>>
    %dma_start3A_117 = arith.constant 0 : i32
    %dma_start3A_118 = tpu.memref_slice %arg9[%add3A_111, %dma_start3A_117] : memref<10240x128xf32, #tpu.memory_space<vmem_shared>> -> memref<80x128xf32, #tpu.memory_space<vmem_shared>>
    %dma_start3A_119 = arith.constant 0 : i32
    %dma_start3A_120 = tpu.memref_slice %arg9[%add3A_111, %dma_start3A_119] : memref<10240x128xf32, #tpu.memory_space<vmem_shared>> -> memref<80x128xf32, #tpu.memory_space<vmem_shared>>
    %dma_start3A_121 = arith.constant 0 : i32
    %dma_start3A_122 = arith.constant 0 : i32
    %dma_start3A_123 = tpu.memref_slice %arg8[%dma_start3A_112, %dma_start3A_121, %dma_start3A_122] : memref<2x80x128xf32, #tpu.memory_space<vmem>> -> memref<1x80x128xf32, #tpu.memory_space<vmem>>
    %dma_start3A_124 = tpu.memref_squeeze %dma_start3A_123 : memref<1x80x128xf32, #tpu.memory_space<vmem>> -> memref<80x128xf32, #tpu.memory_space<vmem>>
    tpu.enqueue_dma source(%dma_start3A_124 : memref<80x128xf32, #tpu.memory_space<vmem>>) target(%dma_start3A_120 : memref<80x128xf32, #tpu.memory_space<vmem_shared>>) target_semaphore(%arg10 : memref<!tpu.dma_semaphore, #tpu.memory_space<semaphore_mem>>)
    %mul3A_125 = arith.constant 640 : i32
    %mul3A_126 = arith.muli %arg1, %mul3A_125 : i32
    %add3A_127 = arith.constant 560 : i32
    %add3A_128 = arith.addi %mul3A_126, %add3A_127 : i32
    %dma_start3A_129 = arith.constant 0 : i32
    %dma_start3A_130 = arith.constant 0 : i32
    %dma_start3A_131 = arith.constant 0 : i32
    %dma_start3A_132 = tpu.memref_slice %arg8[%dma_start3A_129, %dma_start3A_130, %dma_start3A_131] : memref<2x80x128xf32, #tpu.memory_space<vmem>> -> memref<1x80x128xf32, #tpu.memory_space<vmem>>
    %dma_start3A_133 = tpu.memref_squeeze %dma_start3A_132 : memref<1x80x128xf32, #tpu.memory_space<vmem>> -> memref<80x128xf32, #tpu.memory_space<vmem>>
    %dma_start3A_134 = arith.constant 0 : i32
    %dma_start3A_135 = tpu.memref_slice %arg9[%add3A_128, %dma_start3A_134] : memref<10240x128xf32, #tpu.memory_space<vmem_shared>> -> memref<80x128xf32, #tpu.memory_space<vmem_shared>>
    %dma_start3A_136 = arith.constant 0 : i32
    %dma_start3A_137 = tpu.memref_slice %arg9[%add3A_128, %dma_start3A_136] : memref<10240x128xf32, #tpu.memory_space<vmem_shared>> -> memref<80x128xf32, #tpu.memory_space<vmem_shared>>
    %dma_start3A_138 = arith.constant 0 : i32
    %dma_start3A_139 = arith.constant 0 : i32
    %dma_start3A_140 = tpu.memref_slice %arg8[%dma_start3A_129, %dma_start3A_138, %dma_start3A_139] : memref<2x80x128xf32, #tpu.memory_space<vmem>> -> memref<1x80x128xf32, #tpu.memory_space<vmem>>
    %dma_start3A_141 = tpu.memref_squeeze %dma_start3A_140 : memref<1x80x128xf32, #tpu.memory_space<vmem>> -> memref<80x128xf32, #tpu.memory_space<vmem>>
    tpu.enqueue_dma source(%dma_start3A_141 : memref<80x128xf32, #tpu.memory_space<vmem>>) target(%dma_start3A_137 : memref<80x128xf32, #tpu.memory_space<vmem_shared>>) target_semaphore(%arg10 : memref<!tpu.dma_semaphore, #tpu.memory_space<semaphore_mem>>)
    %mul3A_142 = arith.constant 10000 : i32
    %mul3A_143 = arith.muli %add3A, %mul3A_142 : i32
    "tpu.region"() ({
      %run_scoped3A_289 = tpu.sem_alloc : memref<!tpu.dma_semaphore, #tpu.memory_space<semaphore_mem>>
      %dma_start3A_290 = tpu.memref_slice %arg3[%mul3A_143] : memref<320000xi32, #tpu.memory_space<hbm>> -> memref<10000xi32, #tpu.memory_space<hbm>>
      %dma_start3A_291 = tpu.memref_slice %arg3[%mul3A_143] : memref<320000xi32, #tpu.memory_space<hbm>> -> memref<10000xi32, #tpu.memory_space<hbm>>
      tpu.enqueue_dma source(%dma_start3A_291 : memref<10000xi32, #tpu.memory_space<hbm>>) target(%arg6 : memref<10000xi32, #tpu.memory_space<vmem>>) target_semaphore(%run_scoped3A_289 : memref<!tpu.dma_semaphore, #tpu.memory_space<semaphore_mem>>)
      %dma_wait3A_292 = tpu.memref_slice %arg3[%mul3A_143] : memref<320000xi32, #tpu.memory_space<hbm>> -> memref<10000xi32, #tpu.memory_space<hbm>>
      %dma_wait3A_293 = tpu.memref_slice %arg3[%mul3A_143] : memref<320000xi32, #tpu.memory_space<hbm>> -> memref<10000xi32, #tpu.memory_space<hbm>>
      tpu.wait_dma2 semaphore(%run_scoped3A_289 : memref<!tpu.dma_semaphore, #tpu.memory_space<semaphore_mem>>) src(%dma_wait3A_293 : memref<10000xi32, #tpu.memory_space<hbm>>) dst(%arg6 : memref<10000xi32, #tpu.memory_space<vmem>>)
      tpu.yield
    }) : () -> ()
    "tpu.region"() ({
      %run_scoped3A_289 = tpu.sem_alloc : memref<!tpu.dma_semaphore, #tpu.memory_space<semaphore_mem>>
      %dma_start3A_290 = arith.constant 0 : i32
      %dma_start3A_291 = arith.constant 0 : i32
      %dma_start3A_292 = tpu.memref_slice %arg4[%add3A, %dma_start3A_290, %dma_start3A_291] : memref<32x125x80xi32, #tpu.memory_space<hbm>> -> memref<1x125x80xi32, #tpu.memory_space<hbm>>
      %dma_start3A_293 = tpu.memref_squeeze %dma_start3A_292 : memref<1x125x80xi32, #tpu.memory_space<hbm>> -> memref<125x80xi32, #tpu.memory_space<hbm>>
      %dma_start3A_294 = arith.constant 0 : i32
      %dma_start3A_295 = arith.constant 0 : i32
      %dma_start3A_296 = tpu.memref_slice %arg4[%add3A, %dma_start3A_294, %dma_start3A_295] : memref<32x125x80xi32, #tpu.memory_space<hbm>> -> memref<1x125x80xi32, #tpu.memory_space<hbm>>
      %dma_start3A_297 = tpu.memref_squeeze %dma_start3A_296 : memref<1x125x80xi32, #tpu.memory_space<hbm>> -> memref<125x80xi32, #tpu.memory_space<hbm>>
      tpu.enqueue_dma source(%dma_start3A_297 : memref<125x80xi32, #tpu.memory_space<hbm>>) target(%arg7 : memref<125x80xi32, #tpu.memory_space<vmem>>) target_semaphore(%run_scoped3A_289 : memref<!tpu.dma_semaphore, #tpu.memory_space<semaphore_mem>>)
      %dma_wait3A_298 = arith.constant 0 : i32
      %dma_wait3A_299 = arith.constant 0 : i32
      %dma_wait3A_300 = tpu.memref_slice %arg4[%add3A, %dma_wait3A_298, %dma_wait3A_299] : memref<32x125x80xi32, #tpu.memory_space<hbm>> -> memref<1x125x80xi32, #tpu.memory_space<hbm>>
      %dma_wait3A_301 = tpu.memref_squeeze %dma_wait3A_300 : memref<1x125x80xi32, #tpu.memory_space<hbm>> -> memref<125x80xi32, #tpu.memory_space<hbm>>
      %dma_wait3A_302 = arith.constant 0 : i32
      %dma_wait3A_303 = arith.constant 0 : i32
      %dma_wait3A_304 = tpu.memref_slice %arg4[%add3A, %dma_wait3A_302, %dma_wait3A_303] : memref<32x125x80xi32, #tpu.memory_space<hbm>> -> memref<1x125x80xi32, #tpu.memory_space<hbm>>
      %dma_wait3A_305 = tpu.memref_squeeze %dma_wait3A_304 : memref<1x125x80xi32, #tpu.memory_space<hbm>> -> memref<125x80xi32, #tpu.memory_space<hbm>>
      tpu.wait_dma2 semaphore(%run_scoped3A_289 : memref<!tpu.dma_semaphore, #tpu.memory_space<semaphore_mem>>) src(%dma_wait3A_305 : memref<125x80xi32, #tpu.memory_space<hbm>>) dst(%arg7 : memref<125x80xi32, #tpu.memory_space<vmem>>)
      tpu.yield
    }) : () -> ()
    %dma_wait3A = arith.constant 0 : i32
    %dma_wait3A_144 = arith.constant 0 : i32
    %dma_wait3A_145 = arith.constant 0 : i32
    %dma_wait3A_146 = tpu.memref_slice %arg8[%dma_wait3A, %dma_wait3A_144, %dma_wait3A_145] : memref<2x80x128xf32, #tpu.memory_space<vmem>> -> memref<1x80x128xf32, #tpu.memory_space<vmem>>
    %dma_wait3A_147 = tpu.memref_squeeze %dma_wait3A_146 : memref<1x80x128xf32, #tpu.memory_space<vmem>> -> memref<80x128xf32, #tpu.memory_space<vmem>>
    %dma_wait3A_148 = arith.constant 0 : i32
    %dma_wait3A_149 = tpu.memref_slice %arg9[%add3A_10, %dma_wait3A_148] : memref<10240x128xf32, #tpu.memory_space<vmem_shared>> -> memref<80x128xf32, #tpu.memory_space<vmem_shared>>
    %dma_wait3A_150 = arith.constant 0 : i32
    %dma_wait3A_151 = tpu.memref_slice %arg9[%add3A_10, %dma_wait3A_150] : memref<10240x128xf32, #tpu.memory_space<vmem_shared>> -> memref<80x128xf32, #tpu.memory_space<vmem_shared>>
    %dma_wait3A_152 = arith.constant 0 : i32
    %dma_wait3A_153 = arith.constant 0 : i32
    %dma_wait3A_154 = tpu.memref_slice %arg8[%dma_wait3A, %dma_wait3A_152, %dma_wait3A_153] : memref<2x80x128xf32, #tpu.memory_space<vmem>> -> memref<1x80x128xf32, #tpu.memory_space<vmem>>
    %dma_wait3A_155 = tpu.memref_squeeze %dma_wait3A_154 : memref<1x80x128xf32, #tpu.memory_space<vmem>> -> memref<80x128xf32, #tpu.memory_space<vmem>>
    tpu.wait_dma2 semaphore(%arg10 : memref<!tpu.dma_semaphore, #tpu.memory_space<semaphore_mem>>) src(%dma_wait3A_155 : memref<80x128xf32, #tpu.memory_space<vmem>>) dst(%dma_wait3A_151 : memref<80x128xf32, #tpu.memory_space<vmem_shared>>)
    %dma_wait3A_156 = arith.constant 0 : i32
    %dma_wait3A_157 = arith.constant 0 : i32
    %dma_wait3A_158 = arith.constant 0 : i32
    %dma_wait3A_159 = tpu.memref_slice %arg8[%dma_wait3A_156, %dma_wait3A_157, %dma_wait3A_158] : memref<2x80x128xf32, #tpu.memory_space<vmem>> -> memref<1x80x128xf32, #tpu.memory_space<vmem>>
    %dma_wait3A_160 = tpu.memref_squeeze %dma_wait3A_159 : memref<1x80x128xf32, #tpu.memory_space<vmem>> -> memref<80x128xf32, #tpu.memory_space<vmem>>
    %dma_wait3A_161 = arith.constant 0 : i32
    %dma_wait3A_162 = tpu.memref_slice %arg9[%add3A_26, %dma_wait3A_161] : memref<10240x128xf32, #tpu.memory_space<vmem_shared>> -> memref<80x128xf32, #tpu.memory_space<vmem_shared>>
    %dma_wait3A_163 = arith.constant 0 : i32
    %dma_wait3A_164 = tpu.memref_slice %arg9[%add3A_26, %dma_wait3A_163] : memref<10240x128xf32, #tpu.memory_space<vmem_shared>> -> memref<80x128xf32, #tpu.memory_space<vmem_shared>>
    %dma_wait3A_165 = arith.constant 0 : i32
    %dma_wait3A_166 = arith.constant 0 : i32
    %dma_wait3A_167 = tpu.memref_slice %arg8[%dma_wait3A_156, %dma_wait3A_165, %dma_wait3A_166] : memref<2x80x128xf32, #tpu.memory_space<vmem>> -> memref<1x80x128xf32, #tpu.memory_space<vmem>>
    %dma_wait3A_168 = tpu.memref_squeeze %dma_wait3A_167 : memref<1x80x128xf32, #tpu.memory_space<vmem>> -> memref<80x128xf32, #tpu.memory_space<vmem>>
    tpu.wait_dma2 semaphore(%arg10 : memref<!tpu.dma_semaphore, #tpu.memory_space<semaphore_mem>>) src(%dma_wait3A_168 : memref<80x128xf32, #tpu.memory_space<vmem>>) dst(%dma_wait3A_164 : memref<80x128xf32, #tpu.memory_space<vmem_shared>>)
    %dma_wait3A_169 = arith.constant 0 : i32
    %dma_wait3A_170 = arith.constant 0 : i32
    %dma_wait3A_171 = arith.constant 0 : i32
    %dma_wait3A_172 = tpu.memref_slice %arg8[%dma_wait3A_169, %dma_wait3A_170, %dma_wait3A_171] : memref<2x80x128xf32, #tpu.memory_space<vmem>> -> memref<1x80x128xf32, #tpu.memory_space<vmem>>
    %dma_wait3A_173 = tpu.memref_squeeze %dma_wait3A_172 : memref<1x80x128xf32, #tpu.memory_space<vmem>> -> memref<80x128xf32, #tpu.memory_space<vmem>>
    %dma_wait3A_174 = arith.constant 0 : i32
    %dma_wait3A_175 = tpu.memref_slice %arg9[%add3A_43, %dma_wait3A_174] : memref<10240x128xf32, #tpu.memory_space<vmem_shared>> -> memref<80x128xf32, #tpu.memory_space<vmem_shared>>
    %dma_wait3A_176 = arith.constant 0 : i32
    %dma_wait3A_177 = tpu.memref_slice %arg9[%add3A_43, %dma_wait3A_176] : memref<10240x128xf32, #tpu.memory_space<vmem_shared>> -> memref<80x128xf32, #tpu.memory_space<vmem_shared>>
    %dma_wait3A_178 = arith.constant 0 : i32
    %dma_wait3A_179 = arith.constant 0 : i32
    %dma_wait3A_180 = tpu.memref_slice %arg8[%dma_wait3A_169, %dma_wait3A_178, %dma_wait3A_179] : memref<2x80x128xf32, #tpu.memory_space<vmem>> -> memref<1x80x128xf32, #tpu.memory_space<vmem>>
    %dma_wait3A_181 = tpu.memref_squeeze %dma_wait3A_180 : memref<1x80x128xf32, #tpu.memory_space<vmem>> -> memref<80x128xf32, #tpu.memory_space<vmem>>
    tpu.wait_dma2 semaphore(%arg10 : memref<!tpu.dma_semaphore, #tpu.memory_space<semaphore_mem>>) src(%dma_wait3A_181 : memref<80x128xf32, #tpu.memory_space<vmem>>) dst(%dma_wait3A_177 : memref<80x128xf32, #tpu.memory_space<vmem_shared>>)
    %dma_wait3A_182 = arith.constant 0 : i32
    %dma_wait3A_183 = arith.constant 0 : i32
    %dma_wait3A_184 = arith.constant 0 : i32
    %dma_wait3A_185 = tpu.memref_slice %arg8[%dma_wait3A_182, %dma_wait3A_183, %dma_wait3A_184] : memref<2x80x128xf32, #tpu.memory_space<vmem>> -> memref<1x80x128xf32, #tpu.memory_space<vmem>>
    %dma_wait3A_186 = tpu.memref_squeeze %dma_wait3A_185 : memref<1x80x128xf32, #tpu.memory_space<vmem>> -> memref<80x128xf32, #tpu.memory_space<vmem>>
    %dma_wait3A_187 = arith.constant 0 : i32
    %dma_wait3A_188 = tpu.memref_slice %arg9[%add3A_60, %dma_wait3A_187] : memref<10240x128xf32, #tpu.memory_space<vmem_shared>> -> memref<80x128xf32, #tpu.memory_space<vmem_shared>>
    %dma_wait3A_189 = arith.constant 0 : i32
    %dma_wait3A_190 = tpu.memref_slice %arg9[%add3A_60, %dma_wait3A_189] : memref<10240x128xf32, #tpu.memory_space<vmem_shared>> -> memref<80x128xf32, #tpu.memory_space<vmem_shared>>
    %dma_wait3A_191 = arith.constant 0 : i32
    %dma_wait3A_192 = arith.constant 0 : i32
    %dma_wait3A_193 = tpu.memref_slice %arg8[%dma_wait3A_182, %dma_wait3A_191, %dma_wait3A_192] : memref<2x80x128xf32, #tpu.memory_space<vmem>> -> memref<1x80x128xf32, #tpu.memory_space<vmem>>
    %dma_wait3A_194 = tpu.memref_squeeze %dma_wait3A_193 : memref<1x80x128xf32, #tpu.memory_space<vmem>> -> memref<80x128xf32, #tpu.memory_space<vmem>>
    tpu.wait_dma2 semaphore(%arg10 : memref<!tpu.dma_semaphore, #tpu.memory_space<semaphore_mem>>) src(%dma_wait3A_194 : memref<80x128xf32, #tpu.memory_space<vmem>>) dst(%dma_wait3A_190 : memref<80x128xf32, #tpu.memory_space<vmem_shared>>)
    %dma_wait3A_195 = arith.constant 0 : i32
    %dma_wait3A_196 = arith.constant 0 : i32
    %dma_wait3A_197 = arith.constant 0 : i32
    %dma_wait3A_198 = tpu.memref_slice %arg8[%dma_wait3A_195, %dma_wait3A_196, %dma_wait3A_197] : memref<2x80x128xf32, #tpu.memory_space<vmem>> -> memref<1x80x128xf32, #tpu.memory_space<vmem>>
    %dma_wait3A_199 = tpu.memref_squeeze %dma_wait3A_198 : memref<1x80x128xf32, #tpu.memory_space<vmem>> -> memref<80x128xf32, #tpu.memory_space<vmem>>
    %dma_wait3A_200 = arith.constant 0 : i32
    %dma_wait3A_201 = tpu.memref_slice %arg9[%add3A_77, %dma_wait3A_200] : memref<10240x128xf32, #tpu.memory_space<vmem_shared>> -> memref<80x128xf32, #tpu.memory_space<vmem_shared>>
    %dma_wait3A_202 = arith.constant 0 : i32
    %dma_wait3A_203 = tpu.memref_slice %arg9[%add3A_77, %dma_wait3A_202] : memref<10240x128xf32, #tpu.memory_space<vmem_shared>> -> memref<80x128xf32, #tpu.memory_space<vmem_shared>>
    %dma_wait3A_204 = arith.constant 0 : i32
    %dma_wait3A_205 = arith.constant 0 : i32
    %dma_wait3A_206 = tpu.memref_slice %arg8[%dma_wait3A_195, %dma_wait3A_204, %dma_wait3A_205] : memref<2x80x128xf32, #tpu.memory_space<vmem>> -> memref<1x80x128xf32, #tpu.memory_space<vmem>>
    %dma_wait3A_207 = tpu.memref_squeeze %dma_wait3A_206 : memref<1x80x128xf32, #tpu.memory_space<vmem>> -> memref<80x128xf32, #tpu.memory_space<vmem>>
    tpu.wait_dma2 semaphore(%arg10 : memref<!tpu.dma_semaphore, #tpu.memory_space<semaphore_mem>>) src(%dma_wait3A_207 : memref<80x128xf32, #tpu.memory_space<vmem>>) dst(%dma_wait3A_203 : memref<80x128xf32, #tpu.memory_space<vmem_shared>>)
    %dma_wait3A_208 = arith.constant 0 : i32
    %dma_wait3A_209 = arith.constant 0 : i32
    %dma_wait3A_210 = arith.constant 0 : i32
    %dma_wait3A_211 = tpu.memref_slice %arg8[%dma_wait3A_208, %dma_wait3A_209, %dma_wait3A_210] : memref<2x80x128xf32, #tpu.memory_space<vmem>> -> memref<1x80x128xf32, #tpu.memory_space<vmem>>
    %dma_wait3A_212 = tpu.memref_squeeze %dma_wait3A_211 : memref<1x80x128xf32, #tpu.memory_space<vmem>> -> memref<80x128xf32, #tpu.memory_space<vmem>>
    %dma_wait3A_213 = arith.constant 0 : i32
    %dma_wait3A_214 = tpu.memref_slice %arg9[%add3A_94, %dma_wait3A_213] : memref<10240x128xf32, #tpu.memory_space<vmem_shared>> -> memref<80x128xf32, #tpu.memory_space<vmem_shared>>
    %dma_wait3A_215 = arith.constant 0 : i32
    %dma_wait3A_216 = tpu.memref_slice %arg9[%add3A_94, %dma_wait3A_215] : memref<10240x128xf32, #tpu.memory_space<vmem_shared>> -> memref<80x128xf32, #tpu.memory_space<vmem_shared>>
    %dma_wait3A_217 = arith.constant 0 : i32
    %dma_wait3A_218 = arith.constant 0 : i32
    %dma_wait3A_219 = tpu.memref_slice %arg8[%dma_wait3A_208, %dma_wait3A_217, %dma_wait3A_218] : memref<2x80x128xf32, #tpu.memory_space<vmem>> -> memref<1x80x128xf32, #tpu.memory_space<vmem>>
    %dma_wait3A_220 = tpu.memref_squeeze %dma_wait3A_219 : memref<1x80x128xf32, #tpu.memory_space<vmem>> -> memref<80x128xf32, #tpu.memory_space<vmem>>
    tpu.wait_dma2 semaphore(%arg10 : memref<!tpu.dma_semaphore, #tpu.memory_space<semaphore_mem>>) src(%dma_wait3A_220 : memref<80x128xf32, #tpu.memory_space<vmem>>) dst(%dma_wait3A_216 : memref<80x128xf32, #tpu.memory_space<vmem_shared>>)
    %dma_wait3A_221 = arith.constant 0 : i32
    %dma_wait3A_222 = arith.constant 0 : i32
    %dma_wait3A_223 = arith.constant 0 : i32
    %dma_wait3A_224 = tpu.memref_slice %arg8[%dma_wait3A_221, %dma_wait3A_222, %dma_wait3A_223] : memref<2x80x128xf32, #tpu.memory_space<vmem>> -> memref<1x80x128xf32, #tpu.memory_space<vmem>>
    %dma_wait3A_225 = tpu.memref_squeeze %dma_wait3A_224 : memref<1x80x128xf32, #tpu.memory_space<vmem>> -> memref<80x128xf32, #tpu.memory_space<vmem>>
    %dma_wait3A_226 = arith.constant 0 : i32
    %dma_wait3A_227 = tpu.memref_slice %arg9[%add3A_111, %dma_wait3A_226] : memref<10240x128xf32, #tpu.memory_space<vmem_shared>> -> memref<80x128xf32, #tpu.memory_space<vmem_shared>>
    %dma_wait3A_228 = arith.constant 0 : i32
    %dma_wait3A_229 = tpu.memref_slice %arg9[%add3A_111, %dma_wait3A_228] : memref<10240x128xf32, #tpu.memory_space<vmem_shared>> -> memref<80x128xf32, #tpu.memory_space<vmem_shared>>
    %dma_wait3A_230 = arith.constant 0 : i32
    %dma_wait3A_231 = arith.constant 0 : i32
    %dma_wait3A_232 = tpu.memref_slice %arg8[%dma_wait3A_221, %dma_wait3A_230, %dma_wait3A_231] : memref<2x80x128xf32, #tpu.memory_space<vmem>> -> memref<1x80x128xf32, #tpu.memory_space<vmem>>
    %dma_wait3A_233 = tpu.memref_squeeze %dma_wait3A_232 : memref<1x80x128xf32, #tpu.memory_space<vmem>> -> memref<80x128xf32, #tpu.memory_space<vmem>>
    tpu.wait_dma2 semaphore(%arg10 : memref<!tpu.dma_semaphore, #tpu.memory_space<semaphore_mem>>) src(%dma_wait3A_233 : memref<80x128xf32, #tpu.memory_space<vmem>>) dst(%dma_wait3A_229 : memref<80x128xf32, #tpu.memory_space<vmem_shared>>)
    %dma_wait3A_234 = arith.constant 0 : i32
    %dma_wait3A_235 = arith.constant 0 : i32
    %dma_wait3A_236 = arith.constant 0 : i32
    %dma_wait3A_237 = tpu.memref_slice %arg8[%dma_wait3A_234, %dma_wait3A_235, %dma_wait3A_236] : memref<2x80x128xf32, #tpu.memory_space<vmem>> -> memref<1x80x128xf32, #tpu.memory_space<vmem>>
    %dma_wait3A_238 = tpu.memref_squeeze %dma_wait3A_237 : memref<1x80x128xf32, #tpu.memory_space<vmem>> -> memref<80x128xf32, #tpu.memory_space<vmem>>
    %dma_wait3A_239 = arith.constant 0 : i32
    %dma_wait3A_240 = tpu.memref_slice %arg9[%add3A_128, %dma_wait3A_239] : memref<10240x128xf32, #tpu.memory_space<vmem_shared>> -> memref<80x128xf32, #tpu.memory_space<vmem_shared>>
    %dma_wait3A_241 = arith.constant 0 : i32
    %dma_wait3A_242 = tpu.memref_slice %arg9[%add3A_128, %dma_wait3A_241] : memref<10240x128xf32, #tpu.memory_space<vmem_shared>> -> memref<80x128xf32, #tpu.memory_space<vmem_shared>>
    %dma_wait3A_243 = arith.constant 0 : i32
    %dma_wait3A_244 = arith.constant 0 : i32
    %dma_wait3A_245 = tpu.memref_slice %arg8[%dma_wait3A_234, %dma_wait3A_243, %dma_wait3A_244] : memref<2x80x128xf32, #tpu.memory_space<vmem>> -> memref<1x80x128xf32, #tpu.memory_space<vmem>>
    %dma_wait3A_246 = tpu.memref_squeeze %dma_wait3A_245 : memref<1x80x128xf32, #tpu.memory_space<vmem>> -> memref<80x128xf32, #tpu.memory_space<vmem>>
    tpu.wait_dma2 semaphore(%arg10 : memref<!tpu.dma_semaphore, #tpu.memory_space<semaphore_mem>>) src(%dma_wait3A_246 : memref<80x128xf32, #tpu.memory_space<vmem>>) dst(%dma_wait3A_242 : memref<80x128xf32, #tpu.memory_space<vmem_shared>>)
    %barrier3A = arith.constant 0 : index
    tpu.barrier barrier_id(%barrier3A)
    %dma_start3A_247 = arith.constant 0 : i32
    %dma_start3A_248 = arith.constant 0 : i32
    %dma_start3A_249 = arith.constant 0 : i32
    %dma_start3A_250 = tpu.memref_slice %arg8[%dma_start3A_247, %dma_start3A_248, %dma_start3A_249] : memref<2x80x128xf32, #tpu.memory_space<vmem>> -> memref<1x80x128xf32, #tpu.memory_space<vmem>>
    %dma_start3A_251 = tpu.memref_squeeze %dma_start3A_250 : memref<1x80x128xf32, #tpu.memory_space<vmem>> -> memref<80x128xf32, #tpu.memory_space<vmem>>
    %dma_start3A_252 = arith.constant 0 : i32
    %dma_start3A_253 = tpu.memref_slice %arg6[%dma_start3A_252] : memref<10000xi32, #tpu.memory_space<vmem>> -> memref<80xi32, #tpu.memory_space<vmem>>
    %dma_start3A_254 = arith.constant 0 : i32
    %dma_start3A_255 = arith.constant 0 : i32
    %dma_start3A_256 = tpu.memref_slice %arg2[%dma_start3A_254, %dma_start3A_255] : memref<10240x128xf32, #tpu.memory_space<hbm>> -> memref<10240x128xf32, #tpu.memory_space<hbm>>
    tpu.enqueue_indirect_dma source(%dma_start3A_256 : memref<10240x128xf32, #tpu.memory_space<hbm>>) target(%dma_start3A_251 : memref<80x128xf32, #tpu.memory_space<vmem>>) offsets(%dma_start3A_253 : memref<80xi32, #tpu.memory_space<vmem>>) semaphore(%arg10 : memref<!tpu.dma_semaphore, #tpu.memory_space<semaphore_mem>>)
    %dma_start3A_257 = arith.constant 1 : i32
    %dma_start3A_258 = arith.constant 0 : i32
    %dma_start3A_259 = arith.constant 0 : i32
    %dma_start3A_260 = tpu.memref_slice %arg8[%dma_start3A_257, %dma_start3A_258, %dma_start3A_259] : memref<2x80x128xf32, #tpu.memory_space<vmem>> -> memref<1x80x128xf32, #tpu.memory_space<vmem>>
    %dma_start3A_261 = tpu.memref_squeeze %dma_start3A_260 : memref<1x80x128xf32, #tpu.memory_space<vmem>> -> memref<80x128xf32, #tpu.memory_space<vmem>>
    %dma_start3A_262 = arith.constant 80 : i32
    %dma_start3A_263 = tpu.memref_slice %arg6[%dma_start3A_262] : memref<10000xi32, #tpu.memory_space<vmem>> -> memref<80xi32, #tpu.memory_space<vmem>>
    %dma_start3A_264 = arith.constant 0 : i32
    %dma_start3A_265 = arith.constant 0 : i32
    %dma_start3A_266 = tpu.memref_slice %arg2[%dma_start3A_264, %dma_start3A_265] : memref<10240x128xf32, #tpu.memory_space<hbm>> -> memref<10240x128xf32, #tpu.memory_space<hbm>>
    tpu.enqueue_indirect_dma source(%dma_start3A_266 : memref<10240x128xf32, #tpu.memory_space<hbm>>) target(%dma_start3A_261 : memref<80x128xf32, #tpu.memory_space<vmem>>) offsets(%dma_start3A_263 : memref<80xi32, #tpu.memory_space<vmem>>) semaphore(%arg10 : memref<!tpu.dma_semaphore, #tpu.memory_space<semaphore_mem>>)
    %scan3A_267 = arith.constant 0 : i32
    %scan3A_268 = arith.constant 0 : i32
    %scan3A_269 = arith.constant 62 : i32
    %scan3A_270 = arith.addi %scan3A_268, %scan3A_269 : i32
    %scan3A_271 = arith.constant 1 : i32
    scf.for %scan3A_289 = %scan3A_268 to %scan3A_270 step %scan3A_271  : i32 {
      %mul3A_290 = arith.constant 2 : i32
      %mul3A_291 = arith.muli %scan3A_289, %mul3A_290 : i32
      %add3A_292 = arith.constant 0 : i32
      %add3A_293 = arith.addi %mul3A_291, %add3A_292 : i32
      %dma_wait3A_294 = arith.constant 0 : i32
      %dma_wait3A_295 = arith.constant 0 : i32
      %dma_wait3A_296 = arith.constant 0 : i32
      %dma_wait3A_297 = tpu.memref_slice %arg8[%dma_wait3A_294, %dma_wait3A_295, %dma_wait3A_296] : memref<2x80x128xf32, #tpu.memory_space<vmem>> -> memref<1x80x128xf32, #tpu.memory_space<vmem>>
      %dma_wait3A_298 = tpu.memref_squeeze %dma_wait3A_297 : memref<1x80x128xf32, #tpu.memory_space<vmem>> -> memref<80x128xf32, #tpu.memory_space<vmem>>
      %dma_wait3A_299 = arith.constant 0 : i32
      %dma_wait3A_300 = tpu.memref_slice %arg6[%dma_wait3A_299] : memref<10000xi32, #tpu.memory_space<vmem>> -> memref<80xi32, #tpu.memory_space<vmem>>
      %dma_wait3A_301 = arith.constant 0 : i32
      %dma_wait3A_302 = arith.constant 0 : i32
      %dma_wait3A_303 = tpu.memref_slice %arg2[%dma_wait3A_301, %dma_wait3A_302] : memref<10240x128xf32, #tpu.memory_space<hbm>> -> memref<10240x128xf32, #tpu.memory_space<hbm>>
      tpu.wait_indirect_dma semaphore(%arg10 : memref<!tpu.dma_semaphore, #tpu.memory_space<semaphore_mem>>) src(%dma_wait3A_303 : memref<10240x128xf32, #tpu.memory_space<hbm>>) dst(%dma_wait3A_298 : memref<80x128xf32, #tpu.memory_space<vmem>>)
      %run_scoped3A_304 = arith.constant 0 : i32
      "tpu.region"() ({
        %run_scoped3A_331 = tpu.sem_alloc : memref<!tpu.dma_semaphore, #tpu.memory_space<semaphore_mem>>
        %dma_start3A_332 = arith.constant 0 : i32
        %dma_start3A_333 = arith.constant 0 : i32
        %dma_start3A_334 = tpu.memref_slice %arg8[%run_scoped3A_304, %dma_start3A_332, %dma_start3A_333] : memref<2x80x128xf32, #tpu.memory_space<vmem>> -> memref<1x80x128xf32, #tpu.memory_space<vmem>>
        %dma_start3A_335 = tpu.memref_squeeze %dma_start3A_334 : memref<1x80x128xf32, #tpu.memory_space<vmem>> -> memref<80x128xf32, #tpu.memory_space<vmem>>
        %dma_start3A_336 = arith.constant 0 : i32
        %dma_start3A_337 = tpu.memref_slice %arg7[%add3A_293, %dma_start3A_336] : memref<125x80xi32, #tpu.memory_space<vmem>> -> memref<1x80xi32, #tpu.memory_space<vmem>>
        %dma_start3A_338 = tpu.memref_squeeze %dma_start3A_337 : memref<1x80xi32, #tpu.memory_space<vmem>> -> memref<80xi32, #tpu.memory_space<vmem>>
        %dma_start3A_339 = arith.constant 0 : i32
        %dma_start3A_340 = arith.constant 0 : i32
        %dma_start3A_341 = tpu.memref_slice %arg9[%dma_start3A_339, %dma_start3A_340] : memref<10240x128xf32, #tpu.memory_space<vmem_shared>> -> memref<10240x128xf32, #tpu.memory_space<vmem_shared>>
        tpu.enqueue_indirect_dma source(%dma_start3A_335 : memref<80x128xf32, #tpu.memory_space<vmem>>) target(%dma_start3A_341 : memref<10240x128xf32, #tpu.memory_space<vmem_shared>>) offsets(%dma_start3A_338 : memref<80xi32, #tpu.memory_space<vmem>>) semaphore(%run_scoped3A_331 : memref<!tpu.dma_semaphore, #tpu.memory_space<semaphore_mem>>) {add = true}
        %dma_wait3A_342 = arith.constant 0 : i32
        %dma_wait3A_343 = arith.constant 0 : i32
        %dma_wait3A_344 = tpu.memref_slice %arg8[%run_scoped3A_304, %dma_wait3A_342, %dma_wait3A_343] : memref<2x80x128xf32, #tpu.memory_space<vmem>> -> memref<1x80x128xf32, #tpu.memory_space<vmem>>
        %dma_wait3A_345 = tpu.memref_squeeze %dma_wait3A_344 : memref<1x80x128xf32, #tpu.memory_space<vmem>> -> memref<80x128xf32, #tpu.memory_space<vmem>>
        %dma_wait3A_346 = arith.constant 0 : i32
        %dma_wait3A_347 = tpu.memref_slice %arg7[%add3A_293, %dma_wait3A_346] : memref<125x80xi32, #tpu.memory_space<vmem>> -> memref<1x80xi32, #tpu.memory_space<vmem>>
        %dma_wait3A_348 = tpu.memref_squeeze %dma_wait3A_347 : memref<1x80xi32, #tpu.memory_space<vmem>> -> memref<80xi32, #tpu.memory_space<vmem>>
        %dma_wait3A_349 = arith.constant 0 : i32
        %dma_wait3A_350 = arith.constant 0 : i32
        %dma_wait3A_351 = tpu.memref_slice %arg9[%dma_wait3A_349, %dma_wait3A_350] : memref<10240x128xf32, #tpu.memory_space<vmem_shared>> -> memref<10240x128xf32, #tpu.memory_space<vmem_shared>>
        tpu.wait_indirect_dma semaphore(%run_scoped3A_331 : memref<!tpu.dma_semaphore, #tpu.memory_space<semaphore_mem>>) src(%dma_wait3A_345 : memref<80x128xf32, #tpu.memory_space<vmem>>) dst(%dma_wait3A_351 : memref<10240x128xf32, #tpu.memory_space<vmem_shared>>)
        tpu.yield
      }) : () -> ()
      %add3A_305 = arith.constant 2 : i32
      %add3A_306 = arith.addi %add3A_293, %add3A_305 : i32
      %lt3A = arith.constant 125 : i32
      %lt3A_307 = arith.cmpi slt, %add3A_306, %lt3A : i32
      %convert_element_type3A = arith.extui %lt3A_307 : i1 to i32
      %cond3A = arith.constant 0 : i32
      %cond3A_308 = arith.cmpi ne, %convert_element_type3A, %cond3A : i32
      scf.if %cond3A_308 {
        %add3A_331 = arith.constant 2 : i32
        %add3A_332 = arith.addi %add3A_293, %add3A_331 : i32
        %mul3A_333 = arith.constant 80 : i32
        %mul3A_334 = arith.muli %add3A_332, %mul3A_333 : i32
        %dma_start3A_335 = arith.constant 0 : i32
        %dma_start3A_336 = arith.constant 0 : i32
        %dma_start3A_337 = arith.constant 0 : i32
        %dma_start3A_338 = tpu.memref_slice %arg8[%dma_start3A_335, %dma_start3A_336, %dma_start3A_337] : memref<2x80x128xf32, #tpu.memory_space<vmem>> -> memref<1x80x128xf32, #tpu.memory_space<vmem>>
        %dma_start3A_339 = tpu.memref_squeeze %dma_start3A_338 : memref<1x80x128xf32, #tpu.memory_space<vmem>> -> memref<80x128xf32, #tpu.memory_space<vmem>>
        %dma_start3A_340 = tpu.memref_slice %arg6[%mul3A_334] : memref<10000xi32, #tpu.memory_space<vmem>> -> memref<80xi32, #tpu.memory_space<vmem>>
        %dma_start3A_341 = arith.constant 0 : i32
        %dma_start3A_342 = arith.constant 0 : i32
        %dma_start3A_343 = tpu.memref_slice %arg2[%dma_start3A_341, %dma_start3A_342] : memref<10240x128xf32, #tpu.memory_space<hbm>> -> memref<10240x128xf32, #tpu.memory_space<hbm>>
        tpu.enqueue_indirect_dma source(%dma_start3A_343 : memref<10240x128xf32, #tpu.memory_space<hbm>>) target(%dma_start3A_339 : memref<80x128xf32, #tpu.memory_space<vmem>>) offsets(%dma_start3A_340 : memref<80xi32, #tpu.memory_space<vmem>>) semaphore(%arg10 : memref<!tpu.dma_semaphore, #tpu.memory_space<semaphore_mem>>)
      } else {
      }
      %mul3A_309 = arith.constant 2 : i32
      %mul3A_310 = arith.muli %scan3A_289, %mul3A_309 : i32
      %add3A_311 = arith.constant 1 : i32
      %add3A_312 = arith.addi %mul3A_310, %add3A_311 : i32
      %dma_wait3A_313 = arith.constant 1 : i32
      %dma_wait3A_314 = arith.constant 0 : i32
      %dma_wait3A_315 = arith.constant 0 : i32
      %dma_wait3A_316 = tpu.memref_slice %arg8[%dma_wait3A_313, %dma_wait3A_314, %dma_wait3A_315] : memref<2x80x128xf32, #tpu.memory_space<vmem>> -> memref<1x80x128xf32, #tpu.memory_space<vmem>>
      %dma_wait3A_317 = tpu.memref_squeeze %dma_wait3A_316 : memref<1x80x128xf32, #tpu.memory_space<vmem>> -> memref<80x128xf32, #tpu.memory_space<vmem>>
      %dma_wait3A_318 = arith.constant 0 : i32
      %dma_wait3A_319 = tpu.memref_slice %arg6[%dma_wait3A_318] : memref<10000xi32, #tpu.memory_space<vmem>> -> memref<80xi32, #tpu.memory_space<vmem>>
      %dma_wait3A_320 = arith.constant 0 : i32
      %dma_wait3A_321 = arith.constant 0 : i32
      %dma_wait3A_322 = tpu.memref_slice %arg2[%dma_wait3A_320, %dma_wait3A_321] : memref<10240x128xf32, #tpu.memory_space<hbm>> -> memref<10240x128xf32, #tpu.memory_space<hbm>>
      tpu.wait_indirect_dma semaphore(%arg10 : memref<!tpu.dma_semaphore, #tpu.memory_space<semaphore_mem>>) src(%dma_wait3A_322 : memref<10240x128xf32, #tpu.memory_space<hbm>>) dst(%dma_wait3A_317 : memref<80x128xf32, #tpu.memory_space<vmem>>)
      %run_scoped3A_323 = arith.constant 1 : i32
      "tpu.region"() ({
        %run_scoped3A_331 = tpu.sem_alloc : memref<!tpu.dma_semaphore, #tpu.memory_space<semaphore_mem>>
        %dma_start3A_332 = arith.constant 0 : i32
        %dma_start3A_333 = arith.constant 0 : i32
        %dma_start3A_334 = tpu.memref_slice %arg8[%run_scoped3A_323, %dma_start3A_332, %dma_start3A_333] : memref<2x80x128xf32, #tpu.memory_space<vmem>> -> memref<1x80x128xf32, #tpu.memory_space<vmem>>
        %dma_start3A_335 = tpu.memref_squeeze %dma_start3A_334 : memref<1x80x128xf32, #tpu.memory_space<vmem>> -> memref<80x128xf32, #tpu.memory_space<vmem>>
        %dma_start3A_336 = arith.constant 0 : i32
        %dma_start3A_337 = tpu.memref_slice %arg7[%add3A_312, %dma_start3A_336] : memref<125x80xi32, #tpu.memory_space<vmem>> -> memref<1x80xi32, #tpu.memory_space<vmem>>
        %dma_start3A_338 = tpu.memref_squeeze %dma_start3A_337 : memref<1x80xi32, #tpu.memory_space<vmem>> -> memref<80xi32, #tpu.memory_space<vmem>>
        %dma_start3A_339 = arith.constant 0 : i32
        %dma_start3A_340 = arith.constant 0 : i32
        %dma_start3A_341 = tpu.memref_slice %arg9[%dma_start3A_339, %dma_start3A_340] : memref<10240x128xf32, #tpu.memory_space<vmem_shared>> -> memref<10240x128xf32, #tpu.memory_space<vmem_shared>>
        tpu.enqueue_indirect_dma source(%dma_start3A_335 : memref<80x128xf32, #tpu.memory_space<vmem>>) target(%dma_start3A_341 : memref<10240x128xf32, #tpu.memory_space<vmem_shared>>) offsets(%dma_start3A_338 : memref<80xi32, #tpu.memory_space<vmem>>) semaphore(%run_scoped3A_331 : memref<!tpu.dma_semaphore, #tpu.memory_space<semaphore_mem>>) {add = true}
        %dma_wait3A_342 = arith.constant 0 : i32
        %dma_wait3A_343 = arith.constant 0 : i32
        %dma_wait3A_344 = tpu.memref_slice %arg8[%run_scoped3A_323, %dma_wait3A_342, %dma_wait3A_343] : memref<2x80x128xf32, #tpu.memory_space<vmem>> -> memref<1x80x128xf32, #tpu.memory_space<vmem>>
        %dma_wait3A_345 = tpu.memref_squeeze %dma_wait3A_344 : memref<1x80x128xf32, #tpu.memory_space<vmem>> -> memref<80x128xf32, #tpu.memory_space<vmem>>
        %dma_wait3A_346 = arith.constant 0 : i32
        %dma_wait3A_347 = tpu.memref_slice %arg7[%add3A_312, %dma_wait3A_346] : memref<125x80xi32, #tpu.memory_space<vmem>> -> memref<1x80xi32, #tpu.memory_space<vmem>>
        %dma_wait3A_348 = tpu.memref_squeeze %dma_wait3A_347 : memref<1x80xi32, #tpu.memory_space<vmem>> -> memref<80xi32, #tpu.memory_space<vmem>>
        %dma_wait3A_349 = arith.constant 0 : i32
        %dma_wait3A_350 = arith.constant 0 : i32
        %dma_wait3A_351 = tpu.memref_slice %arg9[%dma_wait3A_349, %dma_wait3A_350] : memref<10240x128xf32, #tpu.memory_space<vmem_shared>> -> memref<10240x128xf32, #tpu.memory_space<vmem_shared>>
        tpu.wait_indirect_dma semaphore(%run_scoped3A_331 : memref<!tpu.dma_semaphore, #tpu.memory_space<semaphore_mem>>) src(%dma_wait3A_345 : memref<80x128xf32, #tpu.memory_space<vmem>>) dst(%dma_wait3A_351 : memref<10240x128xf32, #tpu.memory_space<vmem_shared>>)
        tpu.yield
      }) : () -> ()
      %add3A_324 = arith.constant 2 : i32
      %add3A_325 = arith.addi %add3A_312, %add3A_324 : i32
      %lt3A_326 = arith.constant 125 : i32
      %lt3A_327 = arith.cmpi slt, %add3A_325, %lt3A_326 : i32
      %convert_element_type3A_328 = arith.extui %lt3A_327 : i1 to i32
      %cond3A_329 = arith.constant 0 : i32
      %cond3A_330 = arith.cmpi ne, %convert_element_type3A_328, %cond3A_329 : i32
      scf.if %cond3A_330 {
        %add3A_331 = arith.constant 2 : i32
        %add3A_332 = arith.addi %add3A_312, %add3A_331 : i32
        %mul3A_333 = arith.constant 80 : i32
        %mul3A_334 = arith.muli %add3A_332, %mul3A_333 : i32
        %dma_start3A_335 = arith.constant 1 : i32
        %dma_start3A_336 = arith.constant 0 : i32
        %dma_start3A_337 = arith.constant 0 : i32
        %dma_start3A_338 = tpu.memref_slice %arg8[%dma_start3A_335, %dma_start3A_336, %dma_start3A_337] : memref<2x80x128xf32, #tpu.memory_space<vmem>> -> memref<1x80x128xf32, #tpu.memory_space<vmem>>
        %dma_start3A_339 = tpu.memref_squeeze %dma_start3A_338 : memref<1x80x128xf32, #tpu.memory_space<vmem>> -> memref<80x128xf32, #tpu.memory_space<vmem>>
        %dma_start3A_340 = tpu.memref_slice %arg6[%mul3A_334] : memref<10000xi32, #tpu.memory_space<vmem>> -> memref<80xi32, #tpu.memory_space<vmem>>
        %dma_start3A_341 = arith.constant 0 : i32
        %dma_start3A_342 = arith.constant 0 : i32
        %dma_start3A_343 = tpu.memref_slice %arg2[%dma_start3A_341, %dma_start3A_342] : memref<10240x128xf32, #tpu.memory_space<hbm>> -> memref<10240x128xf32, #tpu.memory_space<hbm>>
        tpu.enqueue_indirect_dma source(%dma_start3A_343 : memref<10240x128xf32, #tpu.memory_space<hbm>>) target(%dma_start3A_339 : memref<80x128xf32, #tpu.memory_space<vmem>>) offsets(%dma_start3A_340 : memref<80xi32, #tpu.memory_space<vmem>>) semaphore(%arg10 : memref<!tpu.dma_semaphore, #tpu.memory_space<semaphore_mem>>)
      } else {
      }
    }
    %scan3A_272 = arith.constant 62 : i32
    %dma_wait3A_273 = arith.constant 0 : i32
    %dma_wait3A_274 = arith.constant 0 : i32
    %dma_wait3A_275 = arith.constant 0 : i32
    %dma_wait3A_276 = tpu.memref_slice %arg8[%dma_wait3A_273, %dma_wait3A_274, %dma_wait3A_275] : memref<2x80x128xf32, #tpu.memory_space<vmem>> -> memref<1x80x128xf32, #tpu.memory_space<vmem>>
    %dma_wait3A_277 = tpu.memref_squeeze %dma_wait3A_276 : memref<1x80x128xf32, #tpu.memory_space<vmem>> -> memref<80x128xf32, #tpu.memory_space<vmem>>
    %dma_wait3A_278 = arith.constant 0 : i32
    %dma_wait3A_279 = tpu.memref_slice %arg6[%dma_wait3A_278] : memref<10000xi32, #tpu.memory_space<vmem>> -> memref<80xi32, #tpu.memory_space<vmem>>
    %dma_wait3A_280 = arith.constant 0 : i32
    %dma_wait3A_281 = arith.constant 0 : i32
    %dma_wait3A_282 = tpu.memref_slice %arg2[%dma_wait3A_280, %dma_wait3A_281] : memref<10240x128xf32, #tpu.memory_space<hbm>> -> memref<10240x128xf32, #tpu.memory_space<hbm>>
    tpu.wait_indirect_dma semaphore(%arg10 : memref<!tpu.dma_semaphore, #tpu.memory_space<semaphore_mem>>) src(%dma_wait3A_282 : memref<10240x128xf32, #tpu.memory_space<hbm>>) dst(%dma_wait3A_277 : memref<80x128xf32, #tpu.memory_space<vmem>>)
    %run_scoped3A = arith.constant 0 : i32
    %run_scoped3A_283 = arith.constant 124 : i32
    "tpu.region"() ({
      %run_scoped3A_289 = tpu.sem_alloc : memref<!tpu.dma_semaphore, #tpu.memory_space<semaphore_mem>>
      %dma_start3A_290 = arith.constant 0 : i32
      %dma_start3A_291 = arith.constant 0 : i32
      %dma_start3A_292 = tpu.memref_slice %arg8[%run_scoped3A, %dma_start3A_290, %dma_start3A_291] : memref<2x80x128xf32, #tpu.memory_space<vmem>> -> memref<1x80x128xf32, #tpu.memory_space<vmem>>
      %dma_start3A_293 = tpu.memref_squeeze %dma_start3A_292 : memref<1x80x128xf32, #tpu.memory_space<vmem>> -> memref<80x128xf32, #tpu.memory_space<vmem>>
      %dma_start3A_294 = arith.constant 0 : i32
      %dma_start3A_295 = tpu.memref_slice %arg7[%run_scoped3A_283, %dma_start3A_294] : memref<125x80xi32, #tpu.memory_space<vmem>> -> memref<1x80xi32, #tpu.memory_space<vmem>>
      %dma_start3A_296 = tpu.memref_squeeze %dma_start3A_295 : memref<1x80xi32, #tpu.memory_space<vmem>> -> memref<80xi32, #tpu.memory_space<vmem>>
      %dma_start3A_297 = arith.constant 0 : i32
      %dma_start3A_298 = arith.constant 0 : i32
      %dma_start3A_299 = tpu.memref_slice %arg9[%dma_start3A_297, %dma_start3A_298] : memref<10240x128xf32, #tpu.memory_space<vmem_shared>> -> memref<10240x128xf32, #tpu.memory_space<vmem_shared>>
      tpu.enqueue_indirect_dma source(%dma_start3A_293 : memref<80x128xf32, #tpu.memory_space<vmem>>) target(%dma_start3A_299 : memref<10240x128xf32, #tpu.memory_space<vmem_shared>>) offsets(%dma_start3A_296 : memref<80xi32, #tpu.memory_space<vmem>>) semaphore(%run_scoped3A_289 : memref<!tpu.dma_semaphore, #tpu.memory_space<semaphore_mem>>) {add = true}
      %dma_wait3A_300 = arith.constant 0 : i32
      %dma_wait3A_301 = arith.constant 0 : i32
      %dma_wait3A_302 = tpu.memref_slice %arg8[%run_scoped3A, %dma_wait3A_300, %dma_wait3A_301] : memref<2x80x128xf32, #tpu.memory_space<vmem>> -> memref<1x80x128xf32, #tpu.memory_space<vmem>>
      %dma_wait3A_303 = tpu.memref_squeeze %dma_wait3A_302 : memref<1x80x128xf32, #tpu.memory_space<vmem>> -> memref<80x128xf32, #tpu.memory_space<vmem>>
      %dma_wait3A_304 = arith.constant 0 : i32
      %dma_wait3A_305 = tpu.memref_slice %arg7[%run_scoped3A_283, %dma_wait3A_304] : memref<125x80xi32, #tpu.memory_space<vmem>> -> memref<1x80xi32, #tpu.memory_space<vmem>>
      %dma_wait3A_306 = tpu.memref_squeeze %dma_wait3A_305 : memref<1x80xi32, #tpu.memory_space<vmem>> -> memref<80xi32, #tpu.memory_space<vmem>>
      %dma_wait3A_307 = arith.constant 0 : i32
      %dma_wait3A_308 = arith.constant 0 : i32
      %dma_wait3A_309 = tpu.memref_slice %arg9[%dma_wait3A_307, %dma_wait3A_308] : memref<10240x128xf32, #tpu.memory_space<vmem_shared>> -> memref<10240x128xf32, #tpu.memory_space<vmem_shared>>
      tpu.wait_indirect_dma semaphore(%run_scoped3A_289 : memref<!tpu.dma_semaphore, #tpu.memory_space<semaphore_mem>>) src(%dma_wait3A_303 : memref<80x128xf32, #tpu.memory_space<vmem>>) dst(%dma_wait3A_309 : memref<10240x128xf32, #tpu.memory_space<vmem_shared>>)
      tpu.yield
    }) : () -> ()
    %barrier3A_284 = arith.constant 0 : index
    tpu.barrier barrier_id(%barrier3A_284)
    %mul3A_285 = arith.constant 640 : i32
    %mul3A_286 = arith.muli %arg1, %mul3A_285 : i32
    %mul3A_287 = arith.constant 640 : i32
    %mul3A_288 = arith.muli %arg1, %mul3A_287 : i32
    "tpu.region"() ({
      %run_scoped3A_289 = tpu.sem_alloc : memref<!tpu.dma_semaphore, #tpu.memory_space<semaphore_mem>>
      %dma_start3A_290 = arith.constant 0 : i32
      %dma_start3A_291 = tpu.memref_slice %arg5[%arg0, %mul3A_288, %dma_start3A_290] : memref<2x10240x128xf32, #tpu.memory_space<hbm>> -> memref<1x640x128xf32, #tpu.memory_space<hbm>>
      %dma_start3A_292 = tpu.memref_squeeze %dma_start3A_291 : memref<1x640x128xf32, #tpu.memory_space<hbm>> -> memref<640x128xf32, #tpu.memory_space<hbm>>
      %dma_start3A_293 = arith.constant 0 : i32
      %dma_start3A_294 = tpu.memref_slice %arg9[%mul3A_286, %dma_start3A_293] : memref<10240x128xf32, #tpu.memory_space<vmem_shared>> -> memref<640x128xf32, #tpu.memory_space<vmem_shared>>
      tpu.enqueue_dma source(%dma_start3A_294 : memref<640x128xf32, #tpu.memory_space<vmem_shared>>) target(%dma_start3A_292 : memref<640x128xf32, #tpu.memory_space<hbm>>) target_semaphore(%run_scoped3A_289 : memref<!tpu.dma_semaphore, #tpu.memory_space<semaphore_mem>>)
      %dma_wait3A_295 = arith.constant 0 : i32
      %dma_wait3A_296 = tpu.memref_slice %arg5[%arg0, %mul3A_288, %dma_wait3A_295] : memref<2x10240x128xf32, #tpu.memory_space<hbm>> -> memref<1x640x128xf32, #tpu.memory_space<hbm>>
      %dma_wait3A_297 = tpu.memref_squeeze %dma_wait3A_296 : memref<1x640x128xf32, #tpu.memory_space<hbm>> -> memref<640x128xf32, #tpu.memory_space<hbm>>
      %dma_wait3A_298 = arith.constant 0 : i32
      %dma_wait3A_299 = tpu.memref_slice %arg9[%mul3A_286, %dma_wait3A_298] : memref<10240x128xf32, #tpu.memory_space<vmem_shared>> -> memref<640x128xf32, #tpu.memory_space<vmem_shared>>
      tpu.wait_dma2 semaphore(%run_scoped3A_289 : memref<!tpu.dma_semaphore, #tpu.memory_space<semaphore_mem>>) src(%dma_wait3A_299 : memref<640x128xf32, #tpu.memory_space<vmem_shared>>) dst(%dma_wait3A_297 : memref<640x128xf32, #tpu.memory_space<hbm>>)
      tpu.yield
    }) : () -> ()
    return
  }
}

#map = affine_map<(d0, d1) -> (0, 0)>
#map1 = affine_map<(d0, d1) -> (0)>
#map2 = affine_map<(d0, d1) -> (0, 0, 0)>
module attributes {stable_mosaic.version = 14 : i64} {
  func.func @_sc_scatter_body(%arg0: i32, %arg1: i32, %arg2: memref<10240x128xf32, #tpu.memory_space<hbm>>, %arg3: memref<320000xi32, #tpu.memory_space<hbm>>, %arg4: memref<32x125x80xi32, #tpu.memory_space<hbm>>, %arg5: memref<2x10240x128xf32, #tpu.memory_space<hbm>>, %arg6: memref<10000xi32, #tpu.memory_space<vmem>>, %arg7: memref<125x80xi32, #tpu.memory_space<vmem>>, %arg8: memref<2x80x128xf32, #tpu.memory_space<vmem>>, %arg9: memref<10240x128xf32, #tpu.memory_space<vmem_shared>>, %arg10: memref<!tpu.dma_semaphore, #tpu.memory_space<semaphore_mem>>) attributes {dimension_semantics = [#tpu.dimension_semantics<core_parallel>, #tpu.dimension_semantics<subcore_parallel>], iteration_bounds = array<i64: 2, 16>, scalar_prefetch = 0 : i64, scratch_operands = 5 : i64, tpu.core_type = #tpu.core_type<sc_vector_subcore>, window_params = [{transform_indices = #map}, {transform_indices = #map1}, {transform_indices = #map2}, {transform_indices = #map2}]} {
    %mul3A = arith.constant 16 : i32
    %mul3A_0 = arith.muli %arg0, %mul3A : i32
    %add3A = arith.addi %mul3A_0, %arg1 : i32
    %broadcast_in_dim3A = arith.constant 0.000000e+00 : f32
    %broadcast_in_dim3A_1 = vector.broadcast %broadcast_in_dim3A : f32 to vector<16xf32>
    %scan3A = arith.constant 0 : i32
    %scan3A_2 = arith.constant 0 : i32
    %scan3A_3 = arith.constant 80 : i32
    %scan3A_4 = arith.addi %scan3A_2, %scan3A_3 : i32
    %scan3A_5 = arith.constant 1 : i32
    scf.for %scan3A_289 = %scan3A_2 to %scan3A_4 step %scan3A_5  : i32 {
      %swap3A = arith.constant 0 : i32
      %swap3A_290 = arith.index_cast %swap3A : i32 to index
      %swap3A_291 = arith.index_cast %scan3A_289 : i32 to index
      %swap3A_292 = arith.constant 0 : index
      %swap3A_293 = tpu.vector_load %arg8[%swap3A_290, %swap3A_291, %swap3A_292] {strides = array<i32>} : memref<2x80x128xf32, #tpu.memory_space<vmem>>, vector<1x1x16xf32>,
      %swap3A_294 = vector.shape_cast %swap3A_293 : vector<1x1x16xf32> to vector<16xf32>
      %swap3A_295 = vector.shape_cast %broadcast_in_dim3A_1 : vector<16xf32> to vector<1x1x16xf32>
      tpu.vector_store %arg8[%swap3A_290, %swap3A_291, %swap3A_292], %swap3A_295 {strides = array<i32>} : memref<2x80x128xf32, #tpu.memory_space<vmem>>, vector<1x1x16xf32>,
      %swap3A_296 = arith.constant 0 : i32
      %swap3A_297 = arith.index_cast %swap3A_296 : i32 to index
      %swap3A_298 = arith.index_cast %scan3A_289 : i32 to index
      %swap3A_299 = arith.constant 16 : index
      %swap3A_300 = tpu.vector_load %arg8[%swap3A_297, %swap3A_298, %swap3A_299] {strides = array<i32>} : memref<2x80x128xf32, #tpu.memory_space<vmem>>, vector<1x1x16xf32>,
      %swap3A_301 = vector.shape_cast %swap3A_300 : vector<1x1x16xf32> to vector<16xf32>
      %swap3A_302 = vector.shape_cast %broadcast_in_dim3A_1 : vector<16xf32> to vector<1x1x16xf32>
      tpu.vector_store %arg8[%swap3A_297, %swap3A_298, %swap3A_299], %swap3A_302 {strides = array<i32>} : memref<2x80x128xf32, #tpu.memory_space<vmem>>, vector<1x1x16xf32>,
      %swap3A_303 = arith.constant 0 : i32
      %swap3A_304 = arith.index_cast %swap3A_303 : i32 to index
      %swap3A_305 = arith.index_cast %scan3A_289 : i32 to index
      %swap3A_306 = arith.constant 32 : index
      %swap3A_307 = tpu.vector_load %arg8[%swap3A_304, %swap3A_305, %swap3A_306] {strides = array<i32>} : memref<2x80x128xf32, #tpu.memory_space<vmem>>, vector<1x1x16xf32>,
      %swap3A_308 = vector.shape_cast %swap3A_307 : vector<1x1x16xf32> to vector<16xf32>
      %swap3A_309 = vector.shape_cast %broadcast_in_dim3A_1 : vector<16xf32> to vector<1x1x16xf32>
      tpu.vector_store %arg8[%swap3A_304, %swap3A_305, %swap3A_306], %swap3A_309 {strides = array<i32>} : memref<2x80x128xf32, #tpu.memory_space<vmem>>, vector<1x1x16xf32>,
      %swap3A_310 = arith.constant 0 : i32
      %swap3A_311 = arith.index_cast %swap3A_310 : i32 to index
      %swap3A_312 = arith.index_cast %scan3A_289 : i32 to index
      %swap3A_313 = arith.constant 48 : index
      %swap3A_314 = tpu.vector_load %arg8[%swap3A_311, %swap3A_312, %swap3A_313] {strides = array<i32>} : memref<2x80x128xf32, #tpu.memory_space<vmem>>, vector<1x1x16xf32>,
      %swap3A_315 = vector.shape_cast %swap3A_314 : vector<1x1x16xf32> to vector<16xf32>
      %swap3A_316 = vector.shape_cast %broadcast_in_dim3A_1 : vector<16xf32> to vector<1x1x16xf32>
      tpu.vector_store %arg8[%swap3A_311, %swap3A_312, %swap3A_313], %swap3A_316 {strides = array<i32>} : memref<2x80x128xf32, #tpu.memory_space<vmem>>, vector<1x1x16xf32>,
      %swap3A_317 = arith.constant 0 : i32
      %swap3A_318 = arith.index_cast %swap3A_317 : i32 to index
      %swap3A_319 = arith.index_cast %scan3A_289 : i32 to index
      %swap3A_320 = arith.constant 64 : index
      %swap3A_321 = tpu.vector_load %arg8[%swap3A_318, %swap3A_319, %swap3A_320] {strides = array<i32>} : memref<2x80x128xf32, #tpu.memory_space<vmem>>, vector<1x1x16xf32>,
      %swap3A_322 = vector.shape_cast %swap3A_321 : vector<1x1x16xf32> to vector<16xf32>
      %swap3A_323 = vector.shape_cast %broadcast_in_dim3A_1 : vector<16xf32> to vector<1x1x16xf32>
      tpu.vector_store %arg8[%swap3A_318, %swap3A_319, %swap3A_320], %swap3A_323 {strides = array<i32>} : memref<2x80x128xf32, #tpu.memory_space<vmem>>, vector<1x1x16xf32>,
      %swap3A_324 = arith.constant 0 : i32
      %swap3A_325 = arith.index_cast %swap3A_324 : i32 to index
      %swap3A_326 = arith.index_cast %scan3A_289 : i32 to index
      %swap3A_327 = arith.constant 80 : index
      %swap3A_328 = tpu.vector_load %arg8[%swap3A_325, %swap3A_326, %swap3A_327] {strides = array<i32>} : memref<2x80x128xf32, #tpu.memory_space<vmem>>, vector<1x1x16xf32>,
      %swap3A_329 = vector.shape_cast %swap3A_328 : vector<1x1x16xf32> to vector<16xf32>
      %swap3A_330 = vector.shape_cast %broadcast_in_dim3A_1 : vector<16xf32> to vector<1x1x16xf32>
      tpu.vector_store %arg8[%swap3A_325, %swap3A_326, %swap3A_327], %swap3A_330 {strides = array<i32>} : memref<2x80x128xf32, #tpu.memory_space<vmem>>, vector<1x1x16xf32>,
      %swap3A_331 = arith.constant 0 : i32
      %swap3A_332 = arith.index_cast %swap3A_331 : i32 to index
      %swap3A_333 = arith.index_cast %scan3A_289 : i32 to index
      %swap3A_334 = arith.constant 96 : index
      %swap3A_335 = tpu.vector_load %arg8[%swap3A_332, %swap3A_333, %swap3A_334] {strides = array<i32>} : memref<2x80x128xf32, #tpu.memory_space<vmem>>, vector<1x1x16xf32>,
      %swap3A_336 = vector.shape_cast %swap3A_335 : vector<1x1x16xf32> to vector<16xf32>
      %swap3A_337 = vector.shape_cast %broadcast_in_dim3A_1 : vector<16xf32> to vector<1x1x16xf32>
      tpu.vector_store %arg8[%swap3A_332, %swap3A_333, %swap3A_334], %swap3A_337 {strides = array<i32>} : memref<2x80x128xf32, #tpu.memory_space<vmem>>, vector<1x1x16xf32>,
      %swap3A_338 = arith.constant 0 : i32
      %swap3A_339 = arith.index_cast %swap3A_338 : i32 to index
      %swap3A_340 = arith.index_cast %scan3A_289 : i32 to index
      %swap3A_341 = arith.constant 112 : index
      %swap3A_342 = tpu.vector_load %arg8[%swap3A_339, %swap3A_340, %swap3A_341] {strides = array<i32>} : memref<2x80x128xf32, #tpu.memory_space<vmem>>, vector<1x1x16xf32>,
      %swap3A_343 = vector.shape_cast %swap3A_342 : vector<1x1x16xf32> to vector<16xf32>
      %swap3A_344 = vector.shape_cast %broadcast_in_dim3A_1 : vector<16xf32> to vector<1x1x16xf32>
      tpu.vector_store %arg8[%swap3A_339, %swap3A_340, %swap3A_341], %swap3A_344 {strides = array<i32>} : memref<2x80x128xf32, #tpu.memory_space<vmem>>, vector<1x1x16xf32>,
    }
    %scan3A_6 = arith.constant 80 : i32
    %mul3A_7 = arith.constant 640 : i32
    %mul3A_8 = arith.muli %arg1, %mul3A_7 : i32
    %add3A_9 = arith.constant 0 : i32
    %add3A_10 = arith.addi %mul3A_8, %add3A_9 : i32
    %dma_start3A = arith.constant 0 : i32
    %dma_start3A_11 = arith.constant 0 : i32
    %dma_start3A_12 = arith.constant 0 : i32
    %dma_start3A_13 = tpu.memref_slice %arg8[%dma_start3A, %dma_start3A_11, %dma_start3A_12] : memref<2x80x128xf32, #tpu.memory_space<vmem>> -> memref<1x80x128xf32, #tpu.memory_space<vmem>>
    %dma_start3A_14 = tpu.memref_squeeze %dma_start3A_13 : memref<1x80x128xf32, #tpu.memory_space<vmem>> -> memref<80x128xf32, #tpu.memory_space<vmem>>
    %dma_start3A_15 = arith.constant 0 : i32
    %dma_start3A_16 = tpu.memref_slice %arg9[%add3A_10, %dma_start3A_15] : memref<10240x128xf32, #tpu.memory_space<vmem_shared>> -> memref<80x128xf32, #tpu.memory_space<vmem_shared>>
    %dma_start3A_17 = arith.constant 0 : i32
    %dma_start3A_18 = tpu.memref_slice %arg9[%add3A_10, %dma_start3A_17] : memref<10240x128xf32, #tpu.memory_space<vmem_shared>> -> memref<80x128xf32, #tpu.memory_space<vmem_shared>>
    %dma_start3A_19 = arith.constant 0 : i32
    %dma_start3A_20 = arith.constant 0 : i32
    %dma_start3A_21 = tpu.memref_slice %arg8[%dma_start3A, %dma_start3A_19, %dma_start3A_20] : memref<2x80x128xf32, #tpu.memory_space<vmem>> -> memref<1x80x128xf32, #tpu.memory_space<vmem>>
    %dma_start3A_22 = tpu.memref_squeeze %dma_start3A_21 : memref<1x80x128xf32, #tpu.memory_space<vmem>> -> memref<80x128xf32, #tpu.memory_space<vmem>>
    tpu.enqueue_dma source(%dma_start3A_22 : memref<80x128xf32, #tpu.memory_space<vmem>>) target(%dma_start3A_18 : memref<80x128xf32, #tpu.memory_space<vmem_shared>>) target_semaphore(%arg10 : memref<!tpu.dma_semaphore, #tpu.memory_space<semaphore_mem>>)
    %mul3A_23 = arith.constant 640 : i32
    %mul3A_24 = arith.muli %arg1, %mul3A_23 : i32
    %add3A_25 = arith.constant 80 : i32
    %add3A_26 = arith.addi %mul3A_24, %add3A_25 : i32
    %dma_start3A_27 = arith.constant 0 : i32
    %dma_start3A_28 = arith.constant 0 : i32
    %dma_start3A_29 = arith.constant 0 : i32
    %dma_start3A_30 = tpu.memref_slice %arg8[%dma_start3A_27, %dma_start3A_28, %dma_start3A_29] : memref<2x80x128xf32, #tpu.memory_space<vmem>> -> memref<1x80x128xf32, #tpu.memory_space<vmem>>
    %dma_start3A_31 = tpu.memref_squeeze %dma_start3A_30 : memref<1x80x128xf32, #tpu.memory_space<vmem>> -> memref<80x128xf32, #tpu.memory_space<vmem>>
    %dma_start3A_32 = arith.constant 0 : i32
    %dma_start3A_33 = tpu.memref_slice %arg9[%add3A_26, %dma_start3A_32] : memref<10240x128xf32, #tpu.memory_space<vmem_shared>> -> memref<80x128xf32, #tpu.memory_space<vmem_shared>>
    %dma_start3A_34 = arith.constant 0 : i32
    %dma_start3A_35 = tpu.memref_slice %arg9[%add3A_26, %dma_start3A_34] : memref<10240x128xf32, #tpu.memory_space<vmem_shared>> -> memref<80x128xf32, #tpu.memory_space<vmem_shared>>
    %dma_start3A_36 = arith.constant 0 : i32
    %dma_start3A_37 = arith.constant 0 : i32
    %dma_start3A_38 = tpu.memref_slice %arg8[%dma_start3A_27, %dma_start3A_36, %dma_start3A_37] : memref<2x80x128xf32, #tpu.memory_space<vmem>> -> memref<1x80x128xf32, #tpu.memory_space<vmem>>
    %dma_start3A_39 = tpu.memref_squeeze %dma_start3A_38 : memref<1x80x128xf32, #tpu.memory_space<vmem>> -> memref<80x128xf32, #tpu.memory_space<vmem>>
    tpu.enqueue_dma source(%dma_start3A_39 : memref<80x128xf32, #tpu.memory_space<vmem>>) target(%dma_start3A_35 : memref<80x128xf32, #tpu.memory_space<vmem_shared>>) target_semaphore(%arg10 : memref<!tpu.dma_semaphore, #tpu.memory_space<semaphore_mem>>)
    %mul3A_40 = arith.constant 640 : i32
    %mul3A_41 = arith.muli %arg1, %mul3A_40 : i32
    %add3A_42 = arith.constant 160 : i32
    %add3A_43 = arith.addi %mul3A_41, %add3A_42 : i32
    %dma_start3A_44 = arith.constant 0 : i32
    %dma_start3A_45 = arith.constant 0 : i32
    %dma_start3A_46 = arith.constant 0 : i32
    %dma_start3A_47 = tpu.memref_slice %arg8[%dma_start3A_44, %dma_start3A_45, %dma_start3A_46] : memref<2x80x128xf32, #tpu.memory_space<vmem>> -> memref<1x80x128xf32, #tpu.memory_space<vmem>>
    %dma_start3A_48 = tpu.memref_squeeze %dma_start3A_47 : memref<1x80x128xf32, #tpu.memory_space<vmem>> -> memref<80x128xf32, #tpu.memory_space<vmem>>
    %dma_start3A_49 = arith.constant 0 : i32
    %dma_start3A_50 = tpu.memref_slice %arg9[%add3A_43, %dma_start3A_49] : memref<10240x128xf32, #tpu.memory_space<vmem_shared>> -> memref<80x128xf32, #tpu.memory_space<vmem_shared>>
    %dma_start3A_51 = arith.constant 0 : i32
    %dma_start3A_52 = tpu.memref_slice %arg9[%add3A_43, %dma_start3A_51] : memref<10240x128xf32, #tpu.memory_space<vmem_shared>> -> memref<80x128xf32, #tpu.memory_space<vmem_shared>>
    %dma_start3A_53 = arith.constant 0 : i32
    %dma_start3A_54 = arith.constant 0 : i32
    %dma_start3A_55 = tpu.memref_slice %arg8[%dma_start3A_44, %dma_start3A_53, %dma_start3A_54] : memref<2x80x128xf32, #tpu.memory_space<vmem>> -> memref<1x80x128xf32, #tpu.memory_space<vmem>>
    %dma_start3A_56 = tpu.memref_squeeze %dma_start3A_55 : memref<1x80x128xf32, #tpu.memory_space<vmem>> -> memref<80x128xf32, #tpu.memory_space<vmem>>
    tpu.enqueue_dma source(%dma_start3A_56 : memref<80x128xf32, #tpu.memory_space<vmem>>) target(%dma_start3A_52 : memref<80x128xf32, #tpu.memory_space<vmem_shared>>) target_semaphore(%arg10 : memref<!tpu.dma_semaphore, #tpu.memory_space<semaphore_mem>>)
    %mul3A_57 = arith.constant 640 : i32
    %mul3A_58 = arith.muli %arg1, %mul3A_57 : i32
    %add3A_59 = arith.constant 240 : i32
    %add3A_60 = arith.addi %mul3A_58, %add3A_59 : i32
    %dma_start3A_61 = arith.constant 0 : i32
    %dma_start3A_62 = arith.constant 0 : i32
    %dma_start3A_63 = arith.constant 0 : i32
    %dma_start3A_64 = tpu.memref_slice %arg8[%dma_start3A_61, %dma_start3A_62, %dma_start3A_63] : memref<2x80x128xf32, #tpu.memory_space<vmem>> -> memref<1x80x128xf32, #tpu.memory_space<vmem>>
    %dma_start3A_65 = tpu.memref_squeeze %dma_start3A_64 : memref<1x80x128xf32, #tpu.memory_space<vmem>> -> memref<80x128xf32, #tpu.memory_space<vmem>>
    %dma_start3A_66 = arith.constant 0 : i32
    %dma_start3A_67 = tpu.memref_slice %arg9[%add3A_60, %dma_start3A_66] : memref<10240x128xf32, #tpu.memory_space<vmem_shared>> -> memref<80x128xf32, #tpu.memory_space<vmem_shared>>
    %dma_start3A_68 = arith.constant 0 : i32
    %dma_start3A_69 = tpu.memref_slice %arg9[%add3A_60, %dma_start3A_68] : memref<10240x128xf32, #tpu.memory_space<vmem_shared>> -> memref<80x128xf32, #tpu.memory_space<vmem_shared>>
    %dma_start3A_70 = arith.constant 0 : i32
    %dma_start3A_71 = arith.constant 0 : i32
    %dma_start3A_72 = tpu.memref_slice %arg8[%dma_start3A_61, %dma_start3A_70, %dma_start3A_71] : memref<2x80x128xf32, #tpu.memory_space<vmem>> -> memref<1x80x128xf32, #tpu.memory_space<vmem>>
    %dma_start3A_73 = tpu.memref_squeeze %dma_start3A_72 : memref<1x80x128xf32, #tpu.memory_space<vmem>> -> memref<80x128xf32, #tpu.memory_space<vmem>>
    tpu.enqueue_dma source(%dma_start3A_73 : memref<80x128xf32, #tpu.memory_space<vmem>>) target(%dma_start3A_69 : memref<80x128xf32, #tpu.memory_space<vmem_shared>>) target_semaphore(%arg10 : memref<!tpu.dma_semaphore, #tpu.memory_space<semaphore_mem>>)
    %mul3A_74 = arith.constant 640 : i32
    %mul3A_75 = arith.muli %arg1, %mul3A_74 : i32
    %add3A_76 = arith.constant 320 : i32
    %add3A_77 = arith.addi %mul3A_75, %add3A_76 : i32
    %dma_start3A_78 = arith.constant 0 : i32
    %dma_start3A_79 = arith.constant 0 : i32
    %dma_start3A_80 = arith.constant 0 : i32
    %dma_start3A_81 = tpu.memref_slice %arg8[%dma_start3A_78, %dma_start3A_79, %dma_start3A_80] : memref<2x80x128xf32, #tpu.memory_space<vmem>> -> memref<1x80x128xf32, #tpu.memory_space<vmem>>
    %dma_start3A_82 = tpu.memref_squeeze %dma_start3A_81 : memref<1x80x128xf32, #tpu.memory_space<vmem>> -> memref<80x128xf32, #tpu.memory_space<vmem>>
    %dma_start3A_83 = arith.constant 0 : i32
    %dma_start3A_84 = tpu.memref_slice %arg9[%add3A_77, %dma_start3A_83] : memref<10240x128xf32, #tpu.memory_space<vmem_shared>> -> memref<80x128xf32, #tpu.memory_space<vmem_shared>>
    %dma_start3A_85 = arith.constant 0 : i32
    %dma_start3A_86 = tpu.memref_slice %arg9[%add3A_77, %dma_start3A_85] : memref<10240x128xf32, #tpu.memory_space<vmem_shared>> -> memref<80x128xf32, #tpu.memory_space<vmem_shared>>
    %dma_start3A_87 = arith.constant 0 : i32
    %dma_start3A_88 = arith.constant 0 : i32
    %dma_start3A_89 = tpu.memref_slice %arg8[%dma_start3A_78, %dma_start3A_87, %dma_start3A_88] : memref<2x80x128xf32, #tpu.memory_space<vmem>> -> memref<1x80x128xf32, #tpu.memory_space<vmem>>
    %dma_start3A_90 = tpu.memref_squeeze %dma_start3A_89 : memref<1x80x128xf32, #tpu.memory_space<vmem>> -> memref<80x128xf32, #tpu.memory_space<vmem>>
    tpu.enqueue_dma source(%dma_start3A_90 : memref<80x128xf32, #tpu.memory_space<vmem>>) target(%dma_start3A_86 : memref<80x128xf32, #tpu.memory_space<vmem_shared>>) target_semaphore(%arg10 : memref<!tpu.dma_semaphore, #tpu.memory_space<semaphore_mem>>)
    %mul3A_91 = arith.constant 640 : i32
    %mul3A_92 = arith.muli %arg1, %mul3A_91 : i32
    %add3A_93 = arith.constant 400 : i32
    %add3A_94 = arith.addi %mul3A_92, %add3A_93 : i32
    %dma_start3A_95 = arith.constant 0 : i32
    %dma_start3A_96 = arith.constant 0 : i32
    %dma_start3A_97 = arith.constant 0 : i32
    %dma_start3A_98 = tpu.memref_slice %arg8[%dma_start3A_95, %dma_start3A_96, %dma_start3A_97] : memref<2x80x128xf32, #tpu.memory_space<vmem>> -> memref<1x80x128xf32, #tpu.memory_space<vmem>>
    %dma_start3A_99 = tpu.memref_squeeze %dma_start3A_98 : memref<1x80x128xf32, #tpu.memory_space<vmem>> -> memref<80x128xf32, #tpu.memory_space<vmem>>
    %dma_start3A_100 = arith.constant 0 : i32
    %dma_start3A_101 = tpu.memref_slice %arg9[%add3A_94, %dma_start3A_100] : memref<10240x128xf32, #tpu.memory_space<vmem_shared>> -> memref<80x128xf32, #tpu.memory_space<vmem_shared>>
    %dma_start3A_102 = arith.constant 0 : i32
    %dma_start3A_103 = tpu.memref_slice %arg9[%add3A_94, %dma_start3A_102] : memref<10240x128xf32, #tpu.memory_space<vmem_shared>> -> memref<80x128xf32, #tpu.memory_space<vmem_shared>>
    %dma_start3A_104 = arith.constant 0 : i32
    %dma_start3A_105 = arith.constant 0 : i32
    %dma_start3A_106 = tpu.memref_slice %arg8[%dma_start3A_95, %dma_start3A_104, %dma_start3A_105] : memref<2x80x128xf32, #tpu.memory_space<vmem>> -> memref<1x80x128xf32, #tpu.memory_space<vmem>>
    %dma_start3A_107 = tpu.memref_squeeze %dma_start3A_106 : memref<1x80x128xf32, #tpu.memory_space<vmem>> -> memref<80x128xf32, #tpu.memory_space<vmem>>
    tpu.enqueue_dma source(%dma_start3A_107 : memref<80x128xf32, #tpu.memory_space<vmem>>) target(%dma_start3A_103 : memref<80x128xf32, #tpu.memory_space<vmem_shared>>) target_semaphore(%arg10 : memref<!tpu.dma_semaphore, #tpu.memory_space<semaphore_mem>>)
    %mul3A_108 = arith.constant 640 : i32
    %mul3A_109 = arith.muli %arg1, %mul3A_108 : i32
    %add3A_110 = arith.constant 480 : i32
    %add3A_111 = arith.addi %mul3A_109, %add3A_110 : i32
    %dma_start3A_112 = arith.constant 0 : i32
    %dma_start3A_113 = arith.constant 0 : i32
    %dma_start3A_114 = arith.constant 0 : i32
    %dma_start3A_115 = tpu.memref_slice %arg8[%dma_start3A_112, %dma_start3A_113, %dma_start3A_114] : memref<2x80x128xf32, #tpu.memory_space<vmem>> -> memref<1x80x128xf32, #tpu.memory_space<vmem>>
    %dma_start3A_116 = tpu.memref_squeeze %dma_start3A_115 : memref<1x80x128xf32, #tpu.memory_space<vmem>> -> memref<80x128xf32, #tpu.memory_space<vmem>>
    %dma_start3A_117 = arith.constant 0 : i32
    %dma_start3A_118 = tpu.memref_slice %arg9[%add3A_111, %dma_start3A_117] : memref<10240x128xf32, #tpu.memory_space<vmem_shared>> -> memref<80x128xf32, #tpu.memory_space<vmem_shared>>
    %dma_start3A_119 = arith.constant 0 : i32
    %dma_start3A_120 = tpu.memref_slice %arg9[%add3A_111, %dma_start3A_119] : memref<10240x128xf32, #tpu.memory_space<vmem_shared>> -> memref<80x128xf32, #tpu.memory_space<vmem_shared>>
    %dma_start3A_121 = arith.constant 0 : i32
    %dma_start3A_122 = arith.constant 0 : i32
    %dma_start3A_123 = tpu.memref_slice %arg8[%dma_start3A_112, %dma_start3A_121, %dma_start3A_122] : memref<2x80x128xf32, #tpu.memory_space<vmem>> -> memref<1x80x128xf32, #tpu.memory_space<vmem>>
    %dma_start3A_124 = tpu.memref_squeeze %dma_start3A_123 : memref<1x80x128xf32, #tpu.memory_space<vmem>> -> memref<80x128xf32, #tpu.memory_space<vmem>>
    tpu.enqueue_dma source(%dma_start3A_124 : memref<80x128xf32, #tpu.memory_space<vmem>>) target(%dma_start3A_120 : memref<80x128xf32, #tpu.memory_space<vmem_shared>>) target_semaphore(%arg10 : memref<!tpu.dma_semaphore, #tpu.memory_space<semaphore_mem>>)
    %mul3A_125 = arith.constant 640 : i32
    %mul3A_126 = arith.muli %arg1, %mul3A_125 : i32
    %add3A_127 = arith.constant 560 : i32
    %add3A_128 = arith.addi %mul3A_126, %add3A_127 : i32
    %dma_start3A_129 = arith.constant 0 : i32
    %dma_start3A_130 = arith.constant 0 : i32
    %dma_start3A_131 = arith.constant 0 : i32
    %dma_start3A_132 = tpu.memref_slice %arg8[%dma_start3A_129, %dma_start3A_130, %dma_start3A_131] : memref<2x80x128xf32, #tpu.memory_space<vmem>> -> memref<1x80x128xf32, #tpu.memory_space<vmem>>
    %dma_start3A_133 = tpu.memref_squeeze %dma_start3A_132 : memref<1x80x128xf32, #tpu.memory_space<vmem>> -> memref<80x128xf32, #tpu.memory_space<vmem>>
    %dma_start3A_134 = arith.constant 0 : i32
    %dma_start3A_135 = tpu.memref_slice %arg9[%add3A_128, %dma_start3A_134] : memref<10240x128xf32, #tpu.memory_space<vmem_shared>> -> memref<80x128xf32, #tpu.memory_space<vmem_shared>>
    %dma_start3A_136 = arith.constant 0 : i32
    %dma_start3A_137 = tpu.memref_slice %arg9[%add3A_128, %dma_start3A_136] : memref<10240x128xf32, #tpu.memory_space<vmem_shared>> -> memref<80x128xf32, #tpu.memory_space<vmem_shared>>
    %dma_start3A_138 = arith.constant 0 : i32
    %dma_start3A_139 = arith.constant 0 : i32
    %dma_start3A_140 = tpu.memref_slice %arg8[%dma_start3A_129, %dma_start3A_138, %dma_start3A_139] : memref<2x80x128xf32, #tpu.memory_space<vmem>> -> memref<1x80x128xf32, #tpu.memory_space<vmem>>
    %dma_start3A_141 = tpu.memref_squeeze %dma_start3A_140 : memref<1x80x128xf32, #tpu.memory_space<vmem>> -> memref<80x128xf32, #tpu.memory_space<vmem>>
    tpu.enqueue_dma source(%dma_start3A_141 : memref<80x128xf32, #tpu.memory_space<vmem>>) target(%dma_start3A_137 : memref<80x128xf32, #tpu.memory_space<vmem_shared>>) target_semaphore(%arg10 : memref<!tpu.dma_semaphore, #tpu.memory_space<semaphore_mem>>)
    %mul3A_142 = arith.constant 10000 : i32
    %mul3A_143 = arith.muli %add3A, %mul3A_142 : i32
    "tpu.region"() ({
      %run_scoped3A_289 = tpu.sem_alloc : memref<!tpu.dma_semaphore, #tpu.memory_space<semaphore_mem>>
      %dma_start3A_290 = tpu.memref_slice %arg3[%mul3A_143] : memref<320000xi32, #tpu.memory_space<hbm>> -> memref<10000xi32, #tpu.memory_space<hbm>>
      %dma_start3A_291 = tpu.memref_slice %arg3[%mul3A_143] : memref<320000xi32, #tpu.memory_space<hbm>> -> memref<10000xi32, #tpu.memory_space<hbm>>
      tpu.enqueue_dma source(%dma_start3A_291 : memref<10000xi32, #tpu.memory_space<hbm>>) target(%arg6 : memref<10000xi32, #tpu.memory_space<vmem>>) target_semaphore(%run_scoped3A_289 : memref<!tpu.dma_semaphore, #tpu.memory_space<semaphore_mem>>)
      %dma_wait3A_292 = tpu.memref_slice %arg3[%mul3A_143] : memref<320000xi32, #tpu.memory_space<hbm>> -> memref<10000xi32, #tpu.memory_space<hbm>>
      %dma_wait3A_293 = tpu.memref_slice %arg3[%mul3A_143] : memref<320000xi32, #tpu.memory_space<hbm>> -> memref<10000xi32, #tpu.memory_space<hbm>>
      tpu.wait_dma2 semaphore(%run_scoped3A_289 : memref<!tpu.dma_semaphore, #tpu.memory_space<semaphore_mem>>) src(%dma_wait3A_293 : memref<10000xi32, #tpu.memory_space<hbm>>) dst(%arg6 : memref<10000xi32, #tpu.memory_space<vmem>>)
      tpu.yield
    }) : () -> ()
    "tpu.region"() ({
      %run_scoped3A_289 = tpu.sem_alloc : memref<!tpu.dma_semaphore, #tpu.memory_space<semaphore_mem>>
      %dma_start3A_290 = arith.constant 0 : i32
      %dma_start3A_291 = arith.constant 0 : i32
      %dma_start3A_292 = tpu.memref_slice %arg4[%add3A, %dma_start3A_290, %dma_start3A_291] : memref<32x125x80xi32, #tpu.memory_space<hbm>> -> memref<1x125x80xi32, #tpu.memory_space<hbm>>
      %dma_start3A_293 = tpu.memref_squeeze %dma_start3A_292 : memref<1x125x80xi32, #tpu.memory_space<hbm>> -> memref<125x80xi32, #tpu.memory_space<hbm>>
      %dma_start3A_294 = arith.constant 0 : i32
      %dma_start3A_295 = arith.constant 0 : i32
      %dma_start3A_296 = tpu.memref_slice %arg4[%add3A, %dma_start3A_294, %dma_start3A_295] : memref<32x125x80xi32, #tpu.memory_space<hbm>> -> memref<1x125x80xi32, #tpu.memory_space<hbm>>
      %dma_start3A_297 = tpu.memref_squeeze %dma_start3A_296 : memref<1x125x80xi32, #tpu.memory_space<hbm>> -> memref<125x80xi32, #tpu.memory_space<hbm>>
      tpu.enqueue_dma source(%dma_start3A_297 : memref<125x80xi32, #tpu.memory_space<hbm>>) target(%arg7 : memref<125x80xi32, #tpu.memory_space<vmem>>) target_semaphore(%run_scoped3A_289 : memref<!tpu.dma_semaphore, #tpu.memory_space<semaphore_mem>>)
      %dma_wait3A_298 = arith.constant 0 : i32
      %dma_wait3A_299 = arith.constant 0 : i32
      %dma_wait3A_300 = tpu.memref_slice %arg4[%add3A, %dma_wait3A_298, %dma_wait3A_299] : memref<32x125x80xi32, #tpu.memory_space<hbm>> -> memref<1x125x80xi32, #tpu.memory_space<hbm>>
      %dma_wait3A_301 = tpu.memref_squeeze %dma_wait3A_300 : memref<1x125x80xi32, #tpu.memory_space<hbm>> -> memref<125x80xi32, #tpu.memory_space<hbm>>
      %dma_wait3A_302 = arith.constant 0 : i32
      %dma_wait3A_303 = arith.constant 0 : i32
      %dma_wait3A_304 = tpu.memref_slice %arg4[%add3A, %dma_wait3A_302, %dma_wait3A_303] : memref<32x125x80xi32, #tpu.memory_space<hbm>> -> memref<1x125x80xi32, #tpu.memory_space<hbm>>
      %dma_wait3A_305 = tpu.memref_squeeze %dma_wait3A_304 : memref<1x125x80xi32, #tpu.memory_space<hbm>> -> memref<125x80xi32, #tpu.memory_space<hbm>>
      tpu.wait_dma2 semaphore(%run_scoped3A_289 : memref<!tpu.dma_semaphore, #tpu.memory_space<semaphore_mem>>) src(%dma_wait3A_305 : memref<125x80xi32, #tpu.memory_space<hbm>>) dst(%arg7 : memref<125x80xi32, #tpu.memory_space<vmem>>)
      tpu.yield
    }) : () -> ()
    %dma_wait3A = arith.constant 0 : i32
    %dma_wait3A_144 = arith.constant 0 : i32
    %dma_wait3A_145 = arith.constant 0 : i32
    %dma_wait3A_146 = tpu.memref_slice %arg8[%dma_wait3A, %dma_wait3A_144, %dma_wait3A_145] : memref<2x80x128xf32, #tpu.memory_space<vmem>> -> memref<1x80x128xf32, #tpu.memory_space<vmem>>
    %dma_wait3A_147 = tpu.memref_squeeze %dma_wait3A_146 : memref<1x80x128xf32, #tpu.memory_space<vmem>> -> memref<80x128xf32, #tpu.memory_space<vmem>>
    %dma_wait3A_148 = arith.constant 0 : i32
    %dma_wait3A_149 = tpu.memref_slice %arg9[%add3A_10, %dma_wait3A_148] : memref<10240x128xf32, #tpu.memory_space<vmem_shared>> -> memref<80x128xf32, #tpu.memory_space<vmem_shared>>
    %dma_wait3A_150 = arith.constant 0 : i32
    %dma_wait3A_151 = tpu.memref_slice %arg9[%add3A_10, %dma_wait3A_150] : memref<10240x128xf32, #tpu.memory_space<vmem_shared>> -> memref<80x128xf32, #tpu.memory_space<vmem_shared>>
    %dma_wait3A_152 = arith.constant 0 : i32
    %dma_wait3A_153 = arith.constant 0 : i32
    %dma_wait3A_154 = tpu.memref_slice %arg8[%dma_wait3A, %dma_wait3A_152, %dma_wait3A_153] : memref<2x80x128xf32, #tpu.memory_space<vmem>> -> memref<1x80x128xf32, #tpu.memory_space<vmem>>
    %dma_wait3A_155 = tpu.memref_squeeze %dma_wait3A_154 : memref<1x80x128xf32, #tpu.memory_space<vmem>> -> memref<80x128xf32, #tpu.memory_space<vmem>>
    tpu.wait_dma2 semaphore(%arg10 : memref<!tpu.dma_semaphore, #tpu.memory_space<semaphore_mem>>) src(%dma_wait3A_155 : memref<80x128xf32, #tpu.memory_space<vmem>>) dst(%dma_wait3A_151 : memref<80x128xf32, #tpu.memory_space<vmem_shared>>)
    %dma_wait3A_156 = arith.constant 0 : i32
    %dma_wait3A_157 = arith.constant 0 : i32
    %dma_wait3A_158 = arith.constant 0 : i32
    %dma_wait3A_159 = tpu.memref_slice %arg8[%dma_wait3A_156, %dma_wait3A_157, %dma_wait3A_158] : memref<2x80x128xf32, #tpu.memory_space<vmem>> -> memref<1x80x128xf32, #tpu.memory_space<vmem>>
    %dma_wait3A_160 = tpu.memref_squeeze %dma_wait3A_159 : memref<1x80x128xf32, #tpu.memory_space<vmem>> -> memref<80x128xf32, #tpu.memory_space<vmem>>
    %dma_wait3A_161 = arith.constant 0 : i32
    %dma_wait3A_162 = tpu.memref_slice %arg9[%add3A_26, %dma_wait3A_161] : memref<10240x128xf32, #tpu.memory_space<vmem_shared>> -> memref<80x128xf32, #tpu.memory_space<vmem_shared>>
    %dma_wait3A_163 = arith.constant 0 : i32
    %dma_wait3A_164 = tpu.memref_slice %arg9[%add3A_26, %dma_wait3A_163] : memref<10240x128xf32, #tpu.memory_space<vmem_shared>> -> memref<80x128xf32, #tpu.memory_space<vmem_shared>>
    %dma_wait3A_165 = arith.constant 0 : i32
    %dma_wait3A_166 = arith.constant 0 : i32
    %dma_wait3A_167 = tpu.memref_slice %arg8[%dma_wait3A_156, %dma_wait3A_165, %dma_wait3A_166] : memref<2x80x128xf32, #tpu.memory_space<vmem>> -> memref<1x80x128xf32, #tpu.memory_space<vmem>>
    %dma_wait3A_168 = tpu.memref_squeeze %dma_wait3A_167 : memref<1x80x128xf32, #tpu.memory_space<vmem>> -> memref<80x128xf32, #tpu.memory_space<vmem>>
    tpu.wait_dma2 semaphore(%arg10 : memref<!tpu.dma_semaphore, #tpu.memory_space<semaphore_mem>>) src(%dma_wait3A_168 : memref<80x128xf32, #tpu.memory_space<vmem>>) dst(%dma_wait3A_164 : memref<80x128xf32, #tpu.memory_space<vmem_shared>>)
    %dma_wait3A_169 = arith.constant 0 : i32
    %dma_wait3A_170 = arith.constant 0 : i32
    %dma_wait3A_171 = arith.constant 0 : i32
    %dma_wait3A_172 = tpu.memref_slice %arg8[%dma_wait3A_169, %dma_wait3A_170, %dma_wait3A_171] : memref<2x80x128xf32, #tpu.memory_space<vmem>> -> memref<1x80x128xf32, #tpu.memory_space<vmem>>
    %dma_wait3A_173 = tpu.memref_squeeze %dma_wait3A_172 : memref<1x80x128xf32, #tpu.memory_space<vmem>> -> memref<80x128xf32, #tpu.memory_space<vmem>>
    %dma_wait3A_174 = arith.constant 0 : i32
    %dma_wait3A_175 = tpu.memref_slice %arg9[%add3A_43, %dma_wait3A_174] : memref<10240x128xf32, #tpu.memory_space<vmem_shared>> -> memref<80x128xf32, #tpu.memory_space<vmem_shared>>
    %dma_wait3A_176 = arith.constant 0 : i32
    %dma_wait3A_177 = tpu.memref_slice %arg9[%add3A_43, %dma_wait3A_176] : memref<10240x128xf32, #tpu.memory_space<vmem_shared>> -> memref<80x128xf32, #tpu.memory_space<vmem_shared>>
    %dma_wait3A_178 = arith.constant 0 : i32
    %dma_wait3A_179 = arith.constant 0 : i32
    %dma_wait3A_180 = tpu.memref_slice %arg8[%dma_wait3A_169, %dma_wait3A_178, %dma_wait3A_179] : memref<2x80x128xf32, #tpu.memory_space<vmem>> -> memref<1x80x128xf32, #tpu.memory_space<vmem>>
    %dma_wait3A_181 = tpu.memref_squeeze %dma_wait3A_180 : memref<1x80x128xf32, #tpu.memory_space<vmem>> -> memref<80x128xf32, #tpu.memory_space<vmem>>
    tpu.wait_dma2 semaphore(%arg10 : memref<!tpu.dma_semaphore, #tpu.memory_space<semaphore_mem>>) src(%dma_wait3A_181 : memref<80x128xf32, #tpu.memory_space<vmem>>) dst(%dma_wait3A_177 : memref<80x128xf32, #tpu.memory_space<vmem_shared>>)
    %dma_wait3A_182 = arith.constant 0 : i32
    %dma_wait3A_183 = arith.constant 0 : i32
    %dma_wait3A_184 = arith.constant 0 : i32
    %dma_wait3A_185 = tpu.memref_slice %arg8[%dma_wait3A_182, %dma_wait3A_183, %dma_wait3A_184] : memref<2x80x128xf32, #tpu.memory_space<vmem>> -> memref<1x80x128xf32, #tpu.memory_space<vmem>>
    %dma_wait3A_186 = tpu.memref_squeeze %dma_wait3A_185 : memref<1x80x128xf32, #tpu.memory_space<vmem>> -> memref<80x128xf32, #tpu.memory_space<vmem>>
    %dma_wait3A_187 = arith.constant 0 : i32
    %dma_wait3A_188 = tpu.memref_slice %arg9[%add3A_60, %dma_wait3A_187] : memref<10240x128xf32, #tpu.memory_space<vmem_shared>> -> memref<80x128xf32, #tpu.memory_space<vmem_shared>>
    %dma_wait3A_189 = arith.constant 0 : i32
    %dma_wait3A_190 = tpu.memref_slice %arg9[%add3A_60, %dma_wait3A_189] : memref<10240x128xf32, #tpu.memory_space<vmem_shared>> -> memref<80x128xf32, #tpu.memory_space<vmem_shared>>
    %dma_wait3A_191 = arith.constant 0 : i32
    %dma_wait3A_192 = arith.constant 0 : i32
    %dma_wait3A_193 = tpu.memref_slice %arg8[%dma_wait3A_182, %dma_wait3A_191, %dma_wait3A_192] : memref<2x80x128xf32, #tpu.memory_space<vmem>> -> memref<1x80x128xf32, #tpu.memory_space<vmem>>
    %dma_wait3A_194 = tpu.memref_squeeze %dma_wait3A_193 : memref<1x80x128xf32, #tpu.memory_space<vmem>> -> memref<80x128xf32, #tpu.memory_space<vmem>>
    tpu.wait_dma2 semaphore(%arg10 : memref<!tpu.dma_semaphore, #tpu.memory_space<semaphore_mem>>) src(%dma_wait3A_194 : memref<80x128xf32, #tpu.memory_space<vmem>>) dst(%dma_wait3A_190 : memref<80x128xf32, #tpu.memory_space<vmem_shared>>)
    %dma_wait3A_195 = arith.constant 0 : i32
    %dma_wait3A_196 = arith.constant 0 : i32
    %dma_wait3A_197 = arith.constant 0 : i32
    %dma_wait3A_198 = tpu.memref_slice %arg8[%dma_wait3A_195, %dma_wait3A_196, %dma_wait3A_197] : memref<2x80x128xf32, #tpu.memory_space<vmem>> -> memref<1x80x128xf32, #tpu.memory_space<vmem>>
    %dma_wait3A_199 = tpu.memref_squeeze %dma_wait3A_198 : memref<1x80x128xf32, #tpu.memory_space<vmem>> -> memref<80x128xf32, #tpu.memory_space<vmem>>
    %dma_wait3A_200 = arith.constant 0 : i32
    %dma_wait3A_201 = tpu.memref_slice %arg9[%add3A_77, %dma_wait3A_200] : memref<10240x128xf32, #tpu.memory_space<vmem_shared>> -> memref<80x128xf32, #tpu.memory_space<vmem_shared>>
    %dma_wait3A_202 = arith.constant 0 : i32
    %dma_wait3A_203 = tpu.memref_slice %arg9[%add3A_77, %dma_wait3A_202] : memref<10240x128xf32, #tpu.memory_space<vmem_shared>> -> memref<80x128xf32, #tpu.memory_space<vmem_shared>>
    %dma_wait3A_204 = arith.constant 0 : i32
    %dma_wait3A_205 = arith.constant 0 : i32
    %dma_wait3A_206 = tpu.memref_slice %arg8[%dma_wait3A_195, %dma_wait3A_204, %dma_wait3A_205] : memref<2x80x128xf32, #tpu.memory_space<vmem>> -> memref<1x80x128xf32, #tpu.memory_space<vmem>>
    %dma_wait3A_207 = tpu.memref_squeeze %dma_wait3A_206 : memref<1x80x128xf32, #tpu.memory_space<vmem>> -> memref<80x128xf32, #tpu.memory_space<vmem>>
    tpu.wait_dma2 semaphore(%arg10 : memref<!tpu.dma_semaphore, #tpu.memory_space<semaphore_mem>>) src(%dma_wait3A_207 : memref<80x128xf32, #tpu.memory_space<vmem>>) dst(%dma_wait3A_203 : memref<80x128xf32, #tpu.memory_space<vmem_shared>>)
    %dma_wait3A_208 = arith.constant 0 : i32
    %dma_wait3A_209 = arith.constant 0 : i32
    %dma_wait3A_210 = arith.constant 0 : i32
    %dma_wait3A_211 = tpu.memref_slice %arg8[%dma_wait3A_208, %dma_wait3A_209, %dma_wait3A_210] : memref<2x80x128xf32, #tpu.memory_space<vmem>> -> memref<1x80x128xf32, #tpu.memory_space<vmem>>
    %dma_wait3A_212 = tpu.memref_squeeze %dma_wait3A_211 : memref<1x80x128xf32, #tpu.memory_space<vmem>> -> memref<80x128xf32, #tpu.memory_space<vmem>>
    %dma_wait3A_213 = arith.constant 0 : i32
    %dma_wait3A_214 = tpu.memref_slice %arg9[%add3A_94, %dma_wait3A_213] : memref<10240x128xf32, #tpu.memory_space<vmem_shared>> -> memref<80x128xf32, #tpu.memory_space<vmem_shared>>
    %dma_wait3A_215 = arith.constant 0 : i32
    %dma_wait3A_216 = tpu.memref_slice %arg9[%add3A_94, %dma_wait3A_215] : memref<10240x128xf32, #tpu.memory_space<vmem_shared>> -> memref<80x128xf32, #tpu.memory_space<vmem_shared>>
    %dma_wait3A_217 = arith.constant 0 : i32
    %dma_wait3A_218 = arith.constant 0 : i32
    %dma_wait3A_219 = tpu.memref_slice %arg8[%dma_wait3A_208, %dma_wait3A_217, %dma_wait3A_218] : memref<2x80x128xf32, #tpu.memory_space<vmem>> -> memref<1x80x128xf32, #tpu.memory_space<vmem>>
    %dma_wait3A_220 = tpu.memref_squeeze %dma_wait3A_219 : memref<1x80x128xf32, #tpu.memory_space<vmem>> -> memref<80x128xf32, #tpu.memory_space<vmem>>
    tpu.wait_dma2 semaphore(%arg10 : memref<!tpu.dma_semaphore, #tpu.memory_space<semaphore_mem>>) src(%dma_wait3A_220 : memref<80x128xf32, #tpu.memory_space<vmem>>) dst(%dma_wait3A_216 : memref<80x128xf32, #tpu.memory_space<vmem_shared>>)
    %dma_wait3A_221 = arith.constant 0 : i32
    %dma_wait3A_222 = arith.constant 0 : i32
    %dma_wait3A_223 = arith.constant 0 : i32
    %dma_wait3A_224 = tpu.memref_slice %arg8[%dma_wait3A_221, %dma_wait3A_222, %dma_wait3A_223] : memref<2x80x128xf32, #tpu.memory_space<vmem>> -> memref<1x80x128xf32, #tpu.memory_space<vmem>>
    %dma_wait3A_225 = tpu.memref_squeeze %dma_wait3A_224 : memref<1x80x128xf32, #tpu.memory_space<vmem>> -> memref<80x128xf32, #tpu.memory_space<vmem>>
    %dma_wait3A_226 = arith.constant 0 : i32
    %dma_wait3A_227 = tpu.memref_slice %arg9[%add3A_111, %dma_wait3A_226] : memref<10240x128xf32, #tpu.memory_space<vmem_shared>> -> memref<80x128xf32, #tpu.memory_space<vmem_shared>>
    %dma_wait3A_228 = arith.constant 0 : i32
    %dma_wait3A_229 = tpu.memref_slice %arg9[%add3A_111, %dma_wait3A_228] : memref<10240x128xf32, #tpu.memory_space<vmem_shared>> -> memref<80x128xf32, #tpu.memory_space<vmem_shared>>
    %dma_wait3A_230 = arith.constant 0 : i32
    %dma_wait3A_231 = arith.constant 0 : i32
    %dma_wait3A_232 = tpu.memref_slice %arg8[%dma_wait3A_221, %dma_wait3A_230, %dma_wait3A_231] : memref<2x80x128xf32, #tpu.memory_space<vmem>> -> memref<1x80x128xf32, #tpu.memory_space<vmem>>
    %dma_wait3A_233 = tpu.memref_squeeze %dma_wait3A_232 : memref<1x80x128xf32, #tpu.memory_space<vmem>> -> memref<80x128xf32, #tpu.memory_space<vmem>>
    tpu.wait_dma2 semaphore(%arg10 : memref<!tpu.dma_semaphore, #tpu.memory_space<semaphore_mem>>) src(%dma_wait3A_233 : memref<80x128xf32, #tpu.memory_space<vmem>>) dst(%dma_wait3A_229 : memref<80x128xf32, #tpu.memory_space<vmem_shared>>)
    %dma_wait3A_234 = arith.constant 0 : i32
    %dma_wait3A_235 = arith.constant 0 : i32
    %dma_wait3A_236 = arith.constant 0 : i32
    %dma_wait3A_237 = tpu.memref_slice %arg8[%dma_wait3A_234, %dma_wait3A_235, %dma_wait3A_236] : memref<2x80x128xf32, #tpu.memory_space<vmem>> -> memref<1x80x128xf32, #tpu.memory_space<vmem>>
    %dma_wait3A_238 = tpu.memref_squeeze %dma_wait3A_237 : memref<1x80x128xf32, #tpu.memory_space<vmem>> -> memref<80x128xf32, #tpu.memory_space<vmem>>
    %dma_wait3A_239 = arith.constant 0 : i32
    %dma_wait3A_240 = tpu.memref_slice %arg9[%add3A_128, %dma_wait3A_239] : memref<10240x128xf32, #tpu.memory_space<vmem_shared>> -> memref<80x128xf32, #tpu.memory_space<vmem_shared>>
    %dma_wait3A_241 = arith.constant 0 : i32
    %dma_wait3A_242 = tpu.memref_slice %arg9[%add3A_128, %dma_wait3A_241] : memref<10240x128xf32, #tpu.memory_space<vmem_shared>> -> memref<80x128xf32, #tpu.memory_space<vmem_shared>>
    %dma_wait3A_243 = arith.constant 0 : i32
    %dma_wait3A_244 = arith.constant 0 : i32
    %dma_wait3A_245 = tpu.memref_slice %arg8[%dma_wait3A_234, %dma_wait3A_243, %dma_wait3A_244] : memref<2x80x128xf32, #tpu.memory_space<vmem>> -> memref<1x80x128xf32, #tpu.memory_space<vmem>>
    %dma_wait3A_246 = tpu.memref_squeeze %dma_wait3A_245 : memref<1x80x128xf32, #tpu.memory_space<vmem>> -> memref<80x128xf32, #tpu.memory_space<vmem>>
    tpu.wait_dma2 semaphore(%arg10 : memref<!tpu.dma_semaphore, #tpu.memory_space<semaphore_mem>>) src(%dma_wait3A_246 : memref<80x128xf32, #tpu.memory_space<vmem>>) dst(%dma_wait3A_242 : memref<80x128xf32, #tpu.memory_space<vmem_shared>>)
    %barrier3A = arith.constant 0 : index
    tpu.barrier barrier_id(%barrier3A)
    %dma_start3A_247 = arith.constant 0 : i32
    %dma_start3A_248 = arith.constant 0 : i32
    %dma_start3A_249 = arith.constant 0 : i32
    %dma_start3A_250 = tpu.memref_slice %arg8[%dma_start3A_247, %dma_start3A_248, %dma_start3A_249] : memref<2x80x128xf32, #tpu.memory_space<vmem>> -> memref<1x80x128xf32, #tpu.memory_space<vmem>>
    %dma_start3A_251 = tpu.memref_squeeze %dma_start3A_250 : memref<1x80x128xf32, #tpu.memory_space<vmem>> -> memref<80x128xf32, #tpu.memory_space<vmem>>
    %dma_start3A_252 = arith.constant 0 : i32
    %dma_start3A_253 = tpu.memref_slice %arg6[%dma_start3A_252] : memref<10000xi32, #tpu.memory_space<vmem>> -> memref<80xi32, #tpu.memory_space<vmem>>
    %dma_start3A_254 = arith.constant 0 : i32
    %dma_start3A_255 = arith.constant 0 : i32
    %dma_start3A_256 = tpu.memref_slice %arg2[%dma_start3A_254, %dma_start3A_255] : memref<10240x128xf32, #tpu.memory_space<hbm>> -> memref<10240x128xf32, #tpu.memory_space<hbm>>
    tpu.enqueue_indirect_dma source(%dma_start3A_256 : memref<10240x128xf32, #tpu.memory_space<hbm>>) target(%dma_start3A_251 : memref<80x128xf32, #tpu.memory_space<vmem>>) offsets(%dma_start3A_253 : memref<80xi32, #tpu.memory_space<vmem>>) semaphore(%arg10 : memref<!tpu.dma_semaphore, #tpu.memory_space<semaphore_mem>>)
    %dma_start3A_257 = arith.constant 1 : i32
    %dma_start3A_258 = arith.constant 0 : i32
    %dma_start3A_259 = arith.constant 0 : i32
    %dma_start3A_260 = tpu.memref_slice %arg8[%dma_start3A_257, %dma_start3A_258, %dma_start3A_259] : memref<2x80x128xf32, #tpu.memory_space<vmem>> -> memref<1x80x128xf32, #tpu.memory_space<vmem>>
    %dma_start3A_261 = tpu.memref_squeeze %dma_start3A_260 : memref<1x80x128xf32, #tpu.memory_space<vmem>> -> memref<80x128xf32, #tpu.memory_space<vmem>>
    %dma_start3A_262 = arith.constant 80 : i32
    %dma_start3A_263 = tpu.memref_slice %arg6[%dma_start3A_262] : memref<10000xi32, #tpu.memory_space<vmem>> -> memref<80xi32, #tpu.memory_space<vmem>>
    %dma_start3A_264 = arith.constant 0 : i32
    %dma_start3A_265 = arith.constant 0 : i32
    %dma_start3A_266 = tpu.memref_slice %arg2[%dma_start3A_264, %dma_start3A_265] : memref<10240x128xf32, #tpu.memory_space<hbm>> -> memref<10240x128xf32, #tpu.memory_space<hbm>>
    tpu.enqueue_indirect_dma source(%dma_start3A_266 : memref<10240x128xf32, #tpu.memory_space<hbm>>) target(%dma_start3A_261 : memref<80x128xf32, #tpu.memory_space<vmem>>) offsets(%dma_start3A_263 : memref<80xi32, #tpu.memory_space<vmem>>) semaphore(%arg10 : memref<!tpu.dma_semaphore, #tpu.memory_space<semaphore_mem>>)
    %scan3A_267 = arith.constant 0 : i32
    %scan3A_268 = arith.constant 0 : i32
    %scan3A_269 = arith.constant 62 : i32
    %scan3A_270 = arith.addi %scan3A_268, %scan3A_269 : i32
    %scan3A_271 = arith.constant 1 : i32
    scf.for %scan3A_289 = %scan3A_268 to %scan3A_270 step %scan3A_271  : i32 {
      %mul3A_290 = arith.constant 2 : i32
      %mul3A_291 = arith.muli %scan3A_289, %mul3A_290 : i32
      %add3A_292 = arith.constant 0 : i32
      %add3A_293 = arith.addi %mul3A_291, %add3A_292 : i32
      %dma_wait3A_294 = arith.constant 0 : i32
      %dma_wait3A_295 = arith.constant 0 : i32
      %dma_wait3A_296 = arith.constant 0 : i32
      %dma_wait3A_297 = tpu.memref_slice %arg8[%dma_wait3A_294, %dma_wait3A_295, %dma_wait3A_296] : memref<2x80x128xf32, #tpu.memory_space<vmem>> -> memref<1x80x128xf32, #tpu.memory_space<vmem>>
      %dma_wait3A_298 = tpu.memref_squeeze %dma_wait3A_297 : memref<1x80x128xf32, #tpu.memory_space<vmem>> -> memref<80x128xf32, #tpu.memory_space<vmem>>
      %dma_wait3A_299 = arith.constant 0 : i32
      %dma_wait3A_300 = tpu.memref_slice %arg6[%dma_wait3A_299] : memref<10000xi32, #tpu.memory_space<vmem>> -> memref<80xi32, #tpu.memory_space<vmem>>
      %dma_wait3A_301 = arith.constant 0 : i32
      %dma_wait3A_302 = arith.constant 0 : i32
      %dma_wait3A_303 = tpu.memref_slice %arg2[%dma_wait3A_301, %dma_wait3A_302] : memref<10240x128xf32, #tpu.memory_space<hbm>> -> memref<10240x128xf32, #tpu.memory_space<hbm>>
      tpu.wait_indirect_dma semaphore(%arg10 : memref<!tpu.dma_semaphore, #tpu.memory_space<semaphore_mem>>) src(%dma_wait3A_303 : memref<10240x128xf32, #tpu.memory_space<hbm>>) dst(%dma_wait3A_298 : memref<80x128xf32, #tpu.memory_space<vmem>>)
      %run_scoped3A_304 = arith.constant 0 : i32
      "tpu.region"() ({
        %run_scoped3A_331 = tpu.sem_alloc : memref<!tpu.dma_semaphore, #tpu.memory_space<semaphore_mem>>
        %dma_start3A_332 = arith.constant 0 : i32
        %dma_start3A_333 = arith.constant 0 : i32
        %dma_start3A_334 = tpu.memref_slice %arg8[%run_scoped3A_304, %dma_start3A_332, %dma_start3A_333] : memref<2x80x128xf32, #tpu.memory_space<vmem>> -> memref<1x80x128xf32, #tpu.memory_space<vmem>>
        %dma_start3A_335 = tpu.memref_squeeze %dma_start3A_334 : memref<1x80x128xf32, #tpu.memory_space<vmem>> -> memref<80x128xf32, #tpu.memory_space<vmem>>
        %dma_start3A_336 = arith.constant 0 : i32
        %dma_start3A_337 = tpu.memref_slice %arg7[%add3A_293, %dma_start3A_336] : memref<125x80xi32, #tpu.memory_space<vmem>> -> memref<1x80xi32, #tpu.memory_space<vmem>>
        %dma_start3A_338 = tpu.memref_squeeze %dma_start3A_337 : memref<1x80xi32, #tpu.memory_space<vmem>> -> memref<80xi32, #tpu.memory_space<vmem>>
        %dma_start3A_339 = arith.constant 0 : i32
        %dma_start3A_340 = arith.constant 0 : i32
        %dma_start3A_341 = tpu.memref_slice %arg9[%dma_start3A_339, %dma_start3A_340] : memref<10240x128xf32, #tpu.memory_space<vmem_shared>> -> memref<10240x128xf32, #tpu.memory_space<vmem_shared>>
        tpu.enqueue_indirect_dma source(%dma_start3A_335 : memref<80x128xf32, #tpu.memory_space<vmem>>) target(%dma_start3A_341 : memref<10240x128xf32, #tpu.memory_space<vmem_shared>>) offsets(%dma_start3A_338 : memref<80xi32, #tpu.memory_space<vmem>>) semaphore(%run_scoped3A_331 : memref<!tpu.dma_semaphore, #tpu.memory_space<semaphore_mem>>) {add = true}
        %dma_wait3A_342 = arith.constant 0 : i32
        %dma_wait3A_343 = arith.constant 0 : i32
        %dma_wait3A_344 = tpu.memref_slice %arg8[%run_scoped3A_304, %dma_wait3A_342, %dma_wait3A_343] : memref<2x80x128xf32, #tpu.memory_space<vmem>> -> memref<1x80x128xf32, #tpu.memory_space<vmem>>
        %dma_wait3A_345 = tpu.memref_squeeze %dma_wait3A_344 : memref<1x80x128xf32, #tpu.memory_space<vmem>> -> memref<80x128xf32, #tpu.memory_space<vmem>>
        %dma_wait3A_346 = arith.constant 0 : i32
        %dma_wait3A_347 = tpu.memref_slice %arg7[%add3A_293, %dma_wait3A_346] : memref<125x80xi32, #tpu.memory_space<vmem>> -> memref<1x80xi32, #tpu.memory_space<vmem>>
        %dma_wait3A_348 = tpu.memref_squeeze %dma_wait3A_347 : memref<1x80xi32, #tpu.memory_space<vmem>> -> memref<80xi32, #tpu.memory_space<vmem>>
        %dma_wait3A_349 = arith.constant 0 : i32
        %dma_wait3A_350 = arith.constant 0 : i32
        %dma_wait3A_351 = tpu.memref_slice %arg9[%dma_wait3A_349, %dma_wait3A_350] : memref<10240x128xf32, #tpu.memory_space<vmem_shared>> -> memref<10240x128xf32, #tpu.memory_space<vmem_shared>>
        tpu.wait_indirect_dma semaphore(%run_scoped3A_331 : memref<!tpu.dma_semaphore, #tpu.memory_space<semaphore_mem>>) src(%dma_wait3A_345 : memref<80x128xf32, #tpu.memory_space<vmem>>) dst(%dma_wait3A_351 : memref<10240x128xf32, #tpu.memory_space<vmem_shared>>)
        tpu.yield
      }) : () -> ()
      %add3A_305 = arith.constant 2 : i32
      %add3A_306 = arith.addi %add3A_293, %add3A_305 : i32
      %lt3A = arith.constant 125 : i32
      %lt3A_307 = arith.cmpi slt, %add3A_306, %lt3A : i32
      %convert_element_type3A = arith.extui %lt3A_307 : i1 to i32
      %cond3A = arith.constant 0 : i32
      %cond3A_308 = arith.cmpi ne, %convert_element_type3A, %cond3A : i32
      scf.if %cond3A_308 {
        %add3A_331 = arith.constant 2 : i32
        %add3A_332 = arith.addi %add3A_293, %add3A_331 : i32
        %mul3A_333 = arith.constant 80 : i32
        %mul3A_334 = arith.muli %add3A_332, %mul3A_333 : i32
        %dma_start3A_335 = arith.constant 0 : i32
        %dma_start3A_336 = arith.constant 0 : i32
        %dma_start3A_337 = arith.constant 0 : i32
        %dma_start3A_338 = tpu.memref_slice %arg8[%dma_start3A_335, %dma_start3A_336, %dma_start3A_337] : memref<2x80x128xf32, #tpu.memory_space<vmem>> -> memref<1x80x128xf32, #tpu.memory_space<vmem>>
        %dma_start3A_339 = tpu.memref_squeeze %dma_start3A_338 : memref<1x80x128xf32, #tpu.memory_space<vmem>> -> memref<80x128xf32, #tpu.memory_space<vmem>>
        %dma_start3A_340 = tpu.memref_slice %arg6[%mul3A_334] : memref<10000xi32, #tpu.memory_space<vmem>> -> memref<80xi32, #tpu.memory_space<vmem>>
        %dma_start3A_341 = arith.constant 0 : i32
        %dma_start3A_342 = arith.constant 0 : i32
        %dma_start3A_343 = tpu.memref_slice %arg2[%dma_start3A_341, %dma_start3A_342] : memref<10240x128xf32, #tpu.memory_space<hbm>> -> memref<10240x128xf32, #tpu.memory_space<hbm>>
        tpu.enqueue_indirect_dma source(%dma_start3A_343 : memref<10240x128xf32, #tpu.memory_space<hbm>>) target(%dma_start3A_339 : memref<80x128xf32, #tpu.memory_space<vmem>>) offsets(%dma_start3A_340 : memref<80xi32, #tpu.memory_space<vmem>>) semaphore(%arg10 : memref<!tpu.dma_semaphore, #tpu.memory_space<semaphore_mem>>)
      } else {
      }
      %mul3A_309 = arith.constant 2 : i32
      %mul3A_310 = arith.muli %scan3A_289, %mul3A_309 : i32
      %add3A_311 = arith.constant 1 : i32
      %add3A_312 = arith.addi %mul3A_310, %add3A_311 : i32
      %dma_wait3A_313 = arith.constant 1 : i32
      %dma_wait3A_314 = arith.constant 0 : i32
      %dma_wait3A_315 = arith.constant 0 : i32
      %dma_wait3A_316 = tpu.memref_slice %arg8[%dma_wait3A_313, %dma_wait3A_314, %dma_wait3A_315] : memref<2x80x128xf32, #tpu.memory_space<vmem>> -> memref<1x80x128xf32, #tpu.memory_space<vmem>>
      %dma_wait3A_317 = tpu.memref_squeeze %dma_wait3A_316 : memref<1x80x128xf32, #tpu.memory_space<vmem>> -> memref<80x128xf32, #tpu.memory_space<vmem>>
      %dma_wait3A_318 = arith.constant 0 : i32
      %dma_wait3A_319 = tpu.memref_slice %arg6[%dma_wait3A_318] : memref<10000xi32, #tpu.memory_space<vmem>> -> memref<80xi32, #tpu.memory_space<vmem>>
      %dma_wait3A_320 = arith.constant 0 : i32
      %dma_wait3A_321 = arith.constant 0 : i32
      %dma_wait3A_322 = tpu.memref_slice %arg2[%dma_wait3A_320, %dma_wait3A_321] : memref<10240x128xf32, #tpu.memory_space<hbm>> -> memref<10240x128xf32, #tpu.memory_space<hbm>>
      tpu.wait_indirect_dma semaphore(%arg10 : memref<!tpu.dma_semaphore, #tpu.memory_space<semaphore_mem>>) src(%dma_wait3A_322 : memref<10240x128xf32, #tpu.memory_space<hbm>>) dst(%dma_wait3A_317 : memref<80x128xf32, #tpu.memory_space<vmem>>)
      %run_scoped3A_323 = arith.constant 1 : i32
      "tpu.region"() ({
        %run_scoped3A_331 = tpu.sem_alloc : memref<!tpu.dma_semaphore, #tpu.memory_space<semaphore_mem>>
        %dma_start3A_332 = arith.constant 0 : i32
        %dma_start3A_333 = arith.constant 0 : i32
        %dma_start3A_334 = tpu.memref_slice %arg8[%run_scoped3A_323, %dma_start3A_332, %dma_start3A_333] : memref<2x80x128xf32, #tpu.memory_space<vmem>> -> memref<1x80x128xf32, #tpu.memory_space<vmem>>
        %dma_start3A_335 = tpu.memref_squeeze %dma_start3A_334 : memref<1x80x128xf32, #tpu.memory_space<vmem>> -> memref<80x128xf32, #tpu.memory_space<vmem>>
        %dma_start3A_336 = arith.constant 0 : i32
        %dma_start3A_337 = tpu.memref_slice %arg7[%add3A_312, %dma_start3A_336] : memref<125x80xi32, #tpu.memory_space<vmem>> -> memref<1x80xi32, #tpu.memory_space<vmem>>
        %dma_start3A_338 = tpu.memref_squeeze %dma_start3A_337 : memref<1x80xi32, #tpu.memory_space<vmem>> -> memref<80xi32, #tpu.memory_space<vmem>>
        %dma_start3A_339 = arith.constant 0 : i32
        %dma_start3A_340 = arith.constant 0 : i32
        %dma_start3A_341 = tpu.memref_slice %arg9[%dma_start3A_339, %dma_start3A_340] : memref<10240x128xf32, #tpu.memory_space<vmem_shared>> -> memref<10240x128xf32, #tpu.memory_space<vmem_shared>>
        tpu.enqueue_indirect_dma source(%dma_start3A_335 : memref<80x128xf32, #tpu.memory_space<vmem>>) target(%dma_start3A_341 : memref<10240x128xf32, #tpu.memory_space<vmem_shared>>) offsets(%dma_start3A_338 : memref<80xi32, #tpu.memory_space<vmem>>) semaphore(%run_scoped3A_331 : memref<!tpu.dma_semaphore, #tpu.memory_space<semaphore_mem>>) {add = true}
        %dma_wait3A_342 = arith.constant 0 : i32
        %dma_wait3A_343 = arith.constant 0 : i32
        %dma_wait3A_344 = tpu.memref_slice %arg8[%run_scoped3A_323, %dma_wait3A_342, %dma_wait3A_343] : memref<2x80x128xf32, #tpu.memory_space<vmem>> -> memref<1x80x128xf32, #tpu.memory_space<vmem>>
        %dma_wait3A_345 = tpu.memref_squeeze %dma_wait3A_344 : memref<1x80x128xf32, #tpu.memory_space<vmem>> -> memref<80x128xf32, #tpu.memory_space<vmem>>
        %dma_wait3A_346 = arith.constant 0 : i32
        %dma_wait3A_347 = tpu.memref_slice %arg7[%add3A_312, %dma_wait3A_346] : memref<125x80xi32, #tpu.memory_space<vmem>> -> memref<1x80xi32, #tpu.memory_space<vmem>>
        %dma_wait3A_348 = tpu.memref_squeeze %dma_wait3A_347 : memref<1x80xi32, #tpu.memory_space<vmem>> -> memref<80xi32, #tpu.memory_space<vmem>>
        %dma_wait3A_349 = arith.constant 0 : i32
        %dma_wait3A_350 = arith.constant 0 : i32
        %dma_wait3A_351 = tpu.memref_slice %arg9[%dma_wait3A_349, %dma_wait3A_350] : memref<10240x128xf32, #tpu.memory_space<vmem_shared>> -> memref<10240x128xf32, #tpu.memory_space<vmem_shared>>
        tpu.wait_indirect_dma semaphore(%run_scoped3A_331 : memref<!tpu.dma_semaphore, #tpu.memory_space<semaphore_mem>>) src(%dma_wait3A_345 : memref<80x128xf32, #tpu.memory_space<vmem>>) dst(%dma_wait3A_351 : memref<10240x128xf32, #tpu.memory_space<vmem_shared>>)
        tpu.yield
      }) : () -> ()
      %add3A_324 = arith.constant 2 : i32
      %add3A_325 = arith.addi %add3A_312, %add3A_324 : i32
      %lt3A_326 = arith.constant 125 : i32
      %lt3A_327 = arith.cmpi slt, %add3A_325, %lt3A_326 : i32
      %convert_element_type3A_328 = arith.extui %lt3A_327 : i1 to i32
      %cond3A_329 = arith.constant 0 : i32
      %cond3A_330 = arith.cmpi ne, %convert_element_type3A_328, %cond3A_329 : i32
      scf.if %cond3A_330 {
        %add3A_331 = arith.constant 2 : i32
        %add3A_332 = arith.addi %add3A_312, %add3A_331 : i32
        %mul3A_333 = arith.constant 80 : i32
        %mul3A_334 = arith.muli %add3A_332, %mul3A_333 : i32
        %dma_start3A_335 = arith.constant 1 : i32
        %dma_start3A_336 = arith.constant 0 : i32
        %dma_start3A_337 = arith.constant 0 : i32
        %dma_start3A_338 = tpu.memref_slice %arg8[%dma_start3A_335, %dma_start3A_336, %dma_start3A_337] : memref<2x80x128xf32, #tpu.memory_space<vmem>> -> memref<1x80x128xf32, #tpu.memory_space<vmem>>
        %dma_start3A_339 = tpu.memref_squeeze %dma_start3A_338 : memref<1x80x128xf32, #tpu.memory_space<vmem>> -> memref<80x128xf32, #tpu.memory_space<vmem>>
        %dma_start3A_340 = tpu.memref_slice %arg6[%mul3A_334] : memref<10000xi32, #tpu.memory_space<vmem>> -> memref<80xi32, #tpu.memory_space<vmem>>
        %dma_start3A_341 = arith.constant 0 : i32
        %dma_start3A_342 = arith.constant 0 : i32
        %dma_start3A_343 = tpu.memref_slice %arg2[%dma_start3A_341, %dma_start3A_342] : memref<10240x128xf32, #tpu.memory_space<hbm>> -> memref<10240x128xf32, #tpu.memory_space<hbm>>
        tpu.enqueue_indirect_dma source(%dma_start3A_343 : memref<10240x128xf32, #tpu.memory_space<hbm>>) target(%dma_start3A_339 : memref<80x128xf32, #tpu.memory_space<vmem>>) offsets(%dma_start3A_340 : memref<80xi32, #tpu.memory_space<vmem>>) semaphore(%arg10 : memref<!tpu.dma_semaphore, #tpu.memory_space<semaphore_mem>>)
      } else {
      }
    }
    %scan3A_272 = arith.constant 62 : i32
    %dma_wait3A_273 = arith.constant 0 : i32
    %dma_wait3A_274 = arith.constant 0 : i32
    %dma_wait3A_275 = arith.constant 0 : i32
    %dma_wait3A_276 = tpu.memref_slice %arg8[%dma_wait3A_273, %dma_wait3A_274, %dma_wait3A_275] : memref<2x80x128xf32, #tpu.memory_space<vmem>> -> memref<1x80x128xf32, #tpu.memory_space<vmem>>
    %dma_wait3A_277 = tpu.memref_squeeze %dma_wait3A_276 : memref<1x80x128xf32, #tpu.memory_space<vmem>> -> memref<80x128xf32, #tpu.memory_space<vmem>>
    %dma_wait3A_278 = arith.constant 0 : i32
    %dma_wait3A_279 = tpu.memref_slice %arg6[%dma_wait3A_278] : memref<10000xi32, #tpu.memory_space<vmem>> -> memref<80xi32, #tpu.memory_space<vmem>>
    %dma_wait3A_280 = arith.constant 0 : i32
    %dma_wait3A_281 = arith.constant 0 : i32
    %dma_wait3A_282 = tpu.memref_slice %arg2[%dma_wait3A_280, %dma_wait3A_281] : memref<10240x128xf32, #tpu.memory_space<hbm>> -> memref<10240x128xf32, #tpu.memory_space<hbm>>
    tpu.wait_indirect_dma semaphore(%arg10 : memref<!tpu.dma_semaphore, #tpu.memory_space<semaphore_mem>>) src(%dma_wait3A_282 : memref<10240x128xf32, #tpu.memory_space<hbm>>) dst(%dma_wait3A_277 : memref<80x128xf32, #tpu.memory_space<vmem>>)
    %run_scoped3A = arith.constant 0 : i32
    %run_scoped3A_283 = arith.constant 124 : i32
    "tpu.region"() ({
      %run_scoped3A_289 = tpu.sem_alloc : memref<!tpu.dma_semaphore, #tpu.memory_space<semaphore_mem>>
      %dma_start3A_290 = arith.constant 0 : i32
      %dma_start3A_291 = arith.constant 0 : i32
      %dma_start3A_292 = tpu.memref_slice %arg8[%run_scoped3A, %dma_start3A_290, %dma_start3A_291] : memref<2x80x128xf32, #tpu.memory_space<vmem>> -> memref<1x80x128xf32, #tpu.memory_space<vmem>>
      %dma_start3A_293 = tpu.memref_squeeze %dma_start3A_292 : memref<1x80x128xf32, #tpu.memory_space<vmem>> -> memref<80x128xf32, #tpu.memory_space<vmem>>
      %dma_start3A_294 = arith.constant 0 : i32
      %dma_start3A_295 = tpu.memref_slice %arg7[%run_scoped3A_283, %dma_start3A_294] : memref<125x80xi32, #tpu.memory_space<vmem>> -> memref<1x80xi32, #tpu.memory_space<vmem>>
      %dma_start3A_296 = tpu.memref_squeeze %dma_start3A_295 : memref<1x80xi32, #tpu.memory_space<vmem>> -> memref<80xi32, #tpu.memory_space<vmem>>
      %dma_start3A_297 = arith.constant 0 : i32
      %dma_start3A_298 = arith.constant 0 : i32
      %dma_start3A_299 = tpu.memref_slice %arg9[%dma_start3A_297, %dma_start3A_298] : memref<10240x128xf32, #tpu.memory_space<vmem_shared>> -> memref<10240x128xf32, #tpu.memory_space<vmem_shared>>
      tpu.enqueue_indirect_dma source(%dma_start3A_293 : memref<80x128xf32, #tpu.memory_space<vmem>>) target(%dma_start3A_299 : memref<10240x128xf32, #tpu.memory_space<vmem_shared>>) offsets(%dma_start3A_296 : memref<80xi32, #tpu.memory_space<vmem>>) semaphore(%run_scoped3A_289 : memref<!tpu.dma_semaphore, #tpu.memory_space<semaphore_mem>>) {add = true}
      %dma_wait3A_300 = arith.constant 0 : i32
      %dma_wait3A_301 = arith.constant 0 : i32
      %dma_wait3A_302 = tpu.memref_slice %arg8[%run_scoped3A, %dma_wait3A_300, %dma_wait3A_301] : memref<2x80x128xf32, #tpu.memory_space<vmem>> -> memref<1x80x128xf32, #tpu.memory_space<vmem>>
      %dma_wait3A_303 = tpu.memref_squeeze %dma_wait3A_302 : memref<1x80x128xf32, #tpu.memory_space<vmem>> -> memref<80x128xf32, #tpu.memory_space<vmem>>
      %dma_wait3A_304 = arith.constant 0 : i32
      %dma_wait3A_305 = tpu.memref_slice %arg7[%run_scoped3A_283, %dma_wait3A_304] : memref<125x80xi32, #tpu.memory_space<vmem>> -> memref<1x80xi32, #tpu.memory_space<vmem>>
      %dma_wait3A_306 = tpu.memref_squeeze %dma_wait3A_305 : memref<1x80xi32, #tpu.memory_space<vmem>> -> memref<80xi32, #tpu.memory_space<vmem>>
      %dma_wait3A_307 = arith.constant 0 : i32
      %dma_wait3A_308 = arith.constant 0 : i32
      %dma_wait3A_309 = tpu.memref_slice %arg9[%dma_wait3A_307, %dma_wait3A_308] : memref<10240x128xf32, #tpu.memory_space<vmem_shared>> -> memref<10240x128xf32, #tpu.memory_space<vmem_shared>>
      tpu.wait_indirect_dma semaphore(%run_scoped3A_289 : memref<!tpu.dma_semaphore, #tpu.memory_space<semaphore_mem>>) src(%dma_wait3A_303 : memref<80x128xf32, #tpu.memory_space<vmem>>) dst(%dma_wait3A_309 : memref<10240x128xf32, #tpu.memory_space<vmem_shared>>)
      tpu.yield
    }) : () -> ()
    %barrier3A_284 = arith.constant 0 : index
    tpu.barrier barrier_id(%barrier3A_284)
    %mul3A_285 = arith.constant 640 : i32
    %mul3A_286 = arith.muli %arg1, %mul3A_285 : i32
    %mul3A_287 = arith.constant 640 : i32
    %mul3A_288 = arith.muli %arg1, %mul3A_287 : i32
    "tpu.region"() ({
      %run_scoped3A_289 = tpu.sem_alloc : memref<!tpu.dma_semaphore, #tpu.memory_space<semaphore_mem>>
      %dma_start3A_290 = arith.constant 0 : i32
      %dma_start3A_291 = tpu.memref_slice %arg5[%arg0, %mul3A_288, %dma_start3A_290] : memref<2x10240x128xf32, #tpu.memory_space<hbm>> -> memref<1x640x128xf32, #tpu.memory_space<hbm>>
      %dma_start3A_292 = tpu.memref_squeeze %dma_start3A_291 : memref<1x640x128xf32, #tpu.memory_space<hbm>> -> memref<640x128xf32, #tpu.memory_space<hbm>>
      %dma_start3A_293 = arith.constant 0 : i32
      %dma_start3A_294 = tpu.memref_slice %arg9[%mul3A_286, %dma_start3A_293] : memref<10240x128xf32, #tpu.memory_space<vmem_shared>> -> memref<640x128xf32, #tpu.memory_space<vmem_shared>>
      tpu.enqueue_dma source(%dma_start3A_294 : memref<640x128xf32, #tpu.memory_space<vmem_shared>>) target(%dma_start3A_292 : memref<640x128xf32, #tpu.memory_space<hbm>>) target_semaphore(%run_scoped3A_289 : memref<!tpu.dma_semaphore, #tpu.memory_space<semaphore_mem>>)
      %dma_wait3A_295 = arith.constant 0 : i32
      %dma_wait3A_296 = tpu.memref_slice %arg5[%arg0, %mul3A_288, %dma_wait3A_295] : memref<2x10240x128xf32, #tpu.memory_space<hbm>> -> memref<1x640x128xf32, #tpu.memory_space<hbm>>
      %dma_wait3A_297 = tpu.memref_squeeze %dma_wait3A_296 : memref<1x640x128xf32, #tpu.memory_space<hbm>> -> memref<640x128xf32, #tpu.memory_space<hbm>>
      %dma_wait3A_298 = arith.constant 0 : i32
      %dma_wait3A_299 = tpu.memref_slice %arg9[%mul3A_286, %dma_wait3A_298] : memref<10240x128xf32, #tpu.memory_space<vmem_shared>> -> memref<640x128xf32, #tpu.memory_space<vmem_shared>>
      tpu.wait_dma2 semaphore(%run_scoped3A_289 : memref<!tpu.dma_semaphore, #tpu.memory_space<semaphore_mem>>) src(%dma_wait3A_299 : memref<640x128xf32, #tpu.memory_space<vmem_shared>>) dst(%dma_wait3A_297 : memref<640x128xf32, #tpu.memory_space<hbm>>)
      tpu.yield
    }) : () -> ()
    return
  }
}

#map = affine_map<(d0, d1) -> (0, 0, 0)>
#map1 = affine_map<(d0, d1) -> (0, 0)>
module attributes {stable_mosaic.version = 14 : i64} {
  func.func @_sc_deg_body(%arg0: i32, %arg1: i32, %arg2: memref<32x125x80xi32, #tpu.memory_space<hbm>>, %arg3: memref<2x10240xf32, #tpu.memory_space<hbm>>, %arg4: memref<125x80xi32, #tpu.memory_space<vmem>>, %arg5: memref<80xf32, #tpu.memory_space<vmem>>, %arg6: memref<80xf32, #tpu.memory_space<vmem>>, %arg7: memref<10240xf32, #tpu.memory_space<vmem_shared>>, %arg8: memref<!tpu.dma_semaphore, #tpu.memory_space<semaphore_mem>>) attributes {dimension_semantics = [#tpu.dimension_semantics<core_parallel>, #tpu.dimension_semantics<subcore_parallel>], iteration_bounds = array<i64: 2, 16>, scalar_prefetch = 0 : i64, scratch_operands = 5 : i64, tpu.core_type = #tpu.core_type<sc_vector_subcore>, window_params = [{transform_indices = #map}, {transform_indices = #map1}]} {
    %mul3A = arith.constant 16 : i32
    %mul3A_0 = arith.muli %arg0, %mul3A : i32
    %add3A = arith.addi %mul3A_0, %arg1 : i32
    %broadcast_in_dim3A = arith.constant 0.000000e+00 : f32
    %broadcast_in_dim3A_1 = vector.broadcast %broadcast_in_dim3A : f32 to vector<16xf32>
    %broadcast_in_dim3A_2 = arith.constant 1.000000e+00 : f32
    %broadcast_in_dim3A_3 = vector.broadcast %broadcast_in_dim3A_2 : f32 to vector<16xf32>
    %swap3A = arith.constant 0 : index
    %swap3A_4 = tpu.vector_load %arg5[%swap3A] {strides = array<i32>} : memref<80xf32, #tpu.memory_space<vmem>>, vector<16xf32>,
    %swap3A_5 = vector.shape_cast %swap3A_4 : vector<16xf32> to vector<16xf32>
    %swap3A_6 = vector.shape_cast %broadcast_in_dim3A_3 : vector<16xf32> to vector<16xf32>
    tpu.vector_store %arg5[%swap3A], %swap3A_6 {strides = array<i32>} : memref<80xf32, #tpu.memory_space<vmem>>, vector<16xf32>,
    %swap3A_7 = arith.constant 0 : index
    %swap3A_8 = tpu.vector_load %arg6[%swap3A_7] {strides = array<i32>} : memref<80xf32, #tpu.memory_space<vmem>>, vector<16xf32>,
    %swap3A_9 = vector.shape_cast %swap3A_8 : vector<16xf32> to vector<16xf32>
    %swap3A_10 = vector.shape_cast %broadcast_in_dim3A_1 : vector<16xf32> to vector<16xf32>
    tpu.vector_store %arg6[%swap3A_7], %swap3A_10 {strides = array<i32>} : memref<80xf32, #tpu.memory_space<vmem>>, vector<16xf32>,
    %swap3A_11 = arith.constant 16 : index
    %swap3A_12 = tpu.vector_load %arg5[%swap3A_11] {strides = array<i32>} : memref<80xf32, #tpu.memory_space<vmem>>, vector<16xf32>,
    %swap3A_13 = vector.shape_cast %swap3A_12 : vector<16xf32> to vector<16xf32>
    %swap3A_14 = vector.shape_cast %broadcast_in_dim3A_3 : vector<16xf32> to vector<16xf32>
    tpu.vector_store %arg5[%swap3A_11], %swap3A_14 {strides = array<i32>} : memref<80xf32, #tpu.memory_space<vmem>>, vector<16xf32>,
    %swap3A_15 = arith.constant 16 : index
    %swap3A_16 = tpu.vector_load %arg6[%swap3A_15] {strides = array<i32>} : memref<80xf32, #tpu.memory_space<vmem>>, vector<16xf32>,
    %swap3A_17 = vector.shape_cast %swap3A_16 : vector<16xf32> to vector<16xf32>
    %swap3A_18 = vector.shape_cast %broadcast_in_dim3A_1 : vector<16xf32> to vector<16xf32>
    tpu.vector_store %arg6[%swap3A_15], %swap3A_18 {strides = array<i32>} : memref<80xf32, #tpu.memory_space<vmem>>, vector<16xf32>,
    %swap3A_19 = arith.constant 32 : index
    %swap3A_20 = tpu.vector_load %arg5[%swap3A_19] {strides = array<i32>} : memref<80xf32, #tpu.memory_space<vmem>>, vector<16xf32>,
    %swap3A_21 = vector.shape_cast %swap3A_20 : vector<16xf32> to vector<16xf32>
    %swap3A_22 = vector.shape_cast %broadcast_in_dim3A_3 : vector<16xf32> to vector<16xf32>
    tpu.vector_store %arg5[%swap3A_19], %swap3A_22 {strides = array<i32>} : memref<80xf32, #tpu.memory_space<vmem>>, vector<16xf32>,
    %swap3A_23 = arith.constant 32 : index
    %swap3A_24 = tpu.vector_load %arg6[%swap3A_23] {strides = array<i32>} : memref<80xf32, #tpu.memory_space<vmem>>, vector<16xf32>,
    %swap3A_25 = vector.shape_cast %swap3A_24 : vector<16xf32> to vector<16xf32>
    %swap3A_26 = vector.shape_cast %broadcast_in_dim3A_1 : vector<16xf32> to vector<16xf32>
    tpu.vector_store %arg6[%swap3A_23], %swap3A_26 {strides = array<i32>} : memref<80xf32, #tpu.memory_space<vmem>>, vector<16xf32>,
    %swap3A_27 = arith.constant 48 : index
    %swap3A_28 = tpu.vector_load %arg5[%swap3A_27] {strides = array<i32>} : memref<80xf32, #tpu.memory_space<vmem>>, vector<16xf32>,
    %swap3A_29 = vector.shape_cast %swap3A_28 : vector<16xf32> to vector<16xf32>
    %swap3A_30 = vector.shape_cast %broadcast_in_dim3A_3 : vector<16xf32> to vector<16xf32>
    tpu.vector_store %arg5[%swap3A_27], %swap3A_30 {strides = array<i32>} : memref<80xf32, #tpu.memory_space<vmem>>, vector<16xf32>,
    %swap3A_31 = arith.constant 48 : index
    %swap3A_32 = tpu.vector_load %arg6[%swap3A_31] {strides = array<i32>} : memref<80xf32, #tpu.memory_space<vmem>>, vector<16xf32>,
    %swap3A_33 = vector.shape_cast %swap3A_32 : vector<16xf32> to vector<16xf32>
    %swap3A_34 = vector.shape_cast %broadcast_in_dim3A_1 : vector<16xf32> to vector<16xf32>
    tpu.vector_store %arg6[%swap3A_31], %swap3A_34 {strides = array<i32>} : memref<80xf32, #tpu.memory_space<vmem>>, vector<16xf32>,
    %swap3A_35 = arith.constant 64 : index
    %swap3A_36 = tpu.vector_load %arg5[%swap3A_35] {strides = array<i32>} : memref<80xf32, #tpu.memory_space<vmem>>, vector<16xf32>,
    %swap3A_37 = vector.shape_cast %swap3A_36 : vector<16xf32> to vector<16xf32>
    %swap3A_38 = vector.shape_cast %broadcast_in_dim3A_3 : vector<16xf32> to vector<16xf32>
    tpu.vector_store %arg5[%swap3A_35], %swap3A_38 {strides = array<i32>} : memref<80xf32, #tpu.memory_space<vmem>>, vector<16xf32>,
    %swap3A_39 = arith.constant 64 : index
    %swap3A_40 = tpu.vector_load %arg6[%swap3A_39] {strides = array<i32>} : memref<80xf32, #tpu.memory_space<vmem>>, vector<16xf32>,
    %swap3A_41 = vector.shape_cast %swap3A_40 : vector<16xf32> to vector<16xf32>
    %swap3A_42 = vector.shape_cast %broadcast_in_dim3A_1 : vector<16xf32> to vector<16xf32>
    tpu.vector_store %arg6[%swap3A_39], %swap3A_42 {strides = array<i32>} : memref<80xf32, #tpu.memory_space<vmem>>, vector<16xf32>,
    %mul3A_43 = arith.constant 640 : i32
    %mul3A_44 = arith.muli %arg1, %mul3A_43 : i32
    %add3A_45 = arith.constant 0 : i32
    %add3A_46 = arith.addi %mul3A_44, %add3A_45 : i32
    %dma_start3A = tpu.memref_slice %arg7[%add3A_46] : memref<10240xf32, #tpu.memory_space<vmem_shared>> -> memref<80xf32, #tpu.memory_space<vmem_shared>>
    %dma_start3A_47 = tpu.memref_slice %arg7[%add3A_46] : memref<10240xf32, #tpu.memory_space<vmem_shared>> -> memref<80xf32, #tpu.memory_space<vmem_shared>>
    tpu.enqueue_dma source(%arg6 : memref<80xf32, #tpu.memory_space<vmem>>) target(%dma_start3A_47 : memref<80xf32, #tpu.memory_space<vmem_shared>>) target_semaphore(%arg8 : memref<!tpu.dma_semaphore, #tpu.memory_space<semaphore_mem>>)
    %mul3A_48 = arith.constant 640 : i32
    %mul3A_49 = arith.muli %arg1, %mul3A_48 : i32
    %add3A_50 = arith.constant 80 : i32
    %add3A_51 = arith.addi %mul3A_49, %add3A_50 : i32
    %dma_start3A_52 = tpu.memref_slice %arg7[%add3A_51] : memref<10240xf32, #tpu.memory_space<vmem_shared>> -> memref<80xf32, #tpu.memory_space<vmem_shared>>
    %dma_start3A_53 = tpu.memref_slice %arg7[%add3A_51] : memref<10240xf32, #tpu.memory_space<vmem_shared>> -> memref<80xf32, #tpu.memory_space<vmem_shared>>
    tpu.enqueue_dma source(%arg6 : memref<80xf32, #tpu.memory_space<vmem>>) target(%dma_start3A_53 : memref<80xf32, #tpu.memory_space<vmem_shared>>) target_semaphore(%arg8 : memref<!tpu.dma_semaphore, #tpu.memory_space<semaphore_mem>>)
    %mul3A_54 = arith.constant 640 : i32
    %mul3A_55 = arith.muli %arg1, %mul3A_54 : i32
    %add3A_56 = arith.constant 160 : i32
    %add3A_57 = arith.addi %mul3A_55, %add3A_56 : i32
    %dma_start3A_58 = tpu.memref_slice %arg7[%add3A_57] : memref<10240xf32, #tpu.memory_space<vmem_shared>> -> memref<80xf32, #tpu.memory_space<vmem_shared>>
    %dma_start3A_59 = tpu.memref_slice %arg7[%add3A_57] : memref<10240xf32, #tpu.memory_space<vmem_shared>> -> memref<80xf32, #tpu.memory_space<vmem_shared>>
    tpu.enqueue_dma source(%arg6 : memref<80xf32, #tpu.memory_space<vmem>>) target(%dma_start3A_59 : memref<80xf32, #tpu.memory_space<vmem_shared>>) target_semaphore(%arg8 : memref<!tpu.dma_semaphore, #tpu.memory_space<semaphore_mem>>)
    %mul3A_60 = arith.constant 640 : i32
    %mul3A_61 = arith.muli %arg1, %mul3A_60 : i32
    %add3A_62 = arith.constant 240 : i32
    %add3A_63 = arith.addi %mul3A_61, %add3A_62 : i32
    %dma_start3A_64 = tpu.memref_slice %arg7[%add3A_63] : memref<10240xf32, #tpu.memory_space<vmem_shared>> -> memref<80xf32, #tpu.memory_space<vmem_shared>>
    %dma_start3A_65 = tpu.memref_slice %arg7[%add3A_63] : memref<10240xf32, #tpu.memory_space<vmem_shared>> -> memref<80xf32, #tpu.memory_space<vmem_shared>>
    tpu.enqueue_dma source(%arg6 : memref<80xf32, #tpu.memory_space<vmem>>) target(%dma_start3A_65 : memref<80xf32, #tpu.memory_space<vmem_shared>>) target_semaphore(%arg8 : memref<!tpu.dma_semaphore, #tpu.memory_space<semaphore_mem>>)
    %mul3A_66 = arith.constant 640 : i32
    %mul3A_67 = arith.muli %arg1, %mul3A_66 : i32
    %add3A_68 = arith.constant 320 : i32
    %add3A_69 = arith.addi %mul3A_67, %add3A_68 : i32
    %dma_start3A_70 = tpu.memref_slice %arg7[%add3A_69] : memref<10240xf32, #tpu.memory_space<vmem_shared>> -> memref<80xf32, #tpu.memory_space<vmem_shared>>
    %dma_start3A_71 = tpu.memref_slice %arg7[%add3A_69] : memref<10240xf32, #tpu.memory_space<vmem_shared>> -> memref<80xf32, #tpu.memory_space<vmem_shared>>
    tpu.enqueue_dma source(%arg6 : memref<80xf32, #tpu.memory_space<vmem>>) target(%dma_start3A_71 : memref<80xf32, #tpu.memory_space<vmem_shared>>) target_semaphore(%arg8 : memref<!tpu.dma_semaphore, #tpu.memory_space<semaphore_mem>>)
    %mul3A_72 = arith.constant 640 : i32
    %mul3A_73 = arith.muli %arg1, %mul3A_72 : i32
    %add3A_74 = arith.constant 400 : i32
    %add3A_75 = arith.addi %mul3A_73, %add3A_74 : i32
    %dma_start3A_76 = tpu.memref_slice %arg7[%add3A_75] : memref<10240xf32, #tpu.memory_space<vmem_shared>> -> memref<80xf32, #tpu.memory_space<vmem_shared>>
    %dma_start3A_77 = tpu.memref_slice %arg7[%add3A_75] : memref<10240xf32, #tpu.memory_space<vmem_shared>> -> memref<80xf32, #tpu.memory_space<vmem_shared>>
    tpu.enqueue_dma source(%arg6 : memref<80xf32, #tpu.memory_space<vmem>>) target(%dma_start3A_77 : memref<80xf32, #tpu.memory_space<vmem_shared>>) target_semaphore(%arg8 : memref<!tpu.dma_semaphore, #tpu.memory_space<semaphore_mem>>)
    %mul3A_78 = arith.constant 640 : i32
    %mul3A_79 = arith.muli %arg1, %mul3A_78 : i32
    %add3A_80 = arith.constant 480 : i32
    %add3A_81 = arith.addi %mul3A_79, %add3A_80 : i32
    %dma_start3A_82 = tpu.memref_slice %arg7[%add3A_81] : memref<10240xf32, #tpu.memory_space<vmem_shared>> -> memref<80xf32, #tpu.memory_space<vmem_shared>>
    %dma_start3A_83 = tpu.memref_slice %arg7[%add3A_81] : memref<10240xf32, #tpu.memory_space<vmem_shared>> -> memref<80xf32, #tpu.memory_space<vmem_shared>>
    tpu.enqueue_dma source(%arg6 : memref<80xf32, #tpu.memory_space<vmem>>) target(%dma_start3A_83 : memref<80xf32, #tpu.memory_space<vmem_shared>>) target_semaphore(%arg8 : memref<!tpu.dma_semaphore, #tpu.memory_space<semaphore_mem>>)
    %mul3A_84 = arith.constant 640 : i32
    %mul3A_85 = arith.muli %arg1, %mul3A_84 : i32
    %add3A_86 = arith.constant 560 : i32
    %add3A_87 = arith.addi %mul3A_85, %add3A_86 : i32
    %dma_start3A_88 = tpu.memref_slice %arg7[%add3A_87] : memref<10240xf32, #tpu.memory_space<vmem_shared>> -> memref<80xf32, #tpu.memory_space<vmem_shared>>
    %dma_start3A_89 = tpu.memref_slice %arg7[%add3A_87] : memref<10240xf32, #tpu.memory_space<vmem_shared>> -> memref<80xf32, #tpu.memory_space<vmem_shared>>
    tpu.enqueue_dma source(%arg6 : memref<80xf32, #tpu.memory_space<vmem>>) target(%dma_start3A_89 : memref<80xf32, #tpu.memory_space<vmem_shared>>) target_semaphore(%arg8 : memref<!tpu.dma_semaphore, #tpu.memory_space<semaphore_mem>>)
    "tpu.region"() ({
      %run_scoped3A = tpu.sem_alloc : memref<!tpu.dma_semaphore, #tpu.memory_space<semaphore_mem>>
      %dma_start3A_115 = arith.constant 0 : i32
      %dma_start3A_116 = arith.constant 0 : i32
      %dma_start3A_117 = tpu.memref_slice %arg2[%add3A, %dma_start3A_115, %dma_start3A_116] : memref<32x125x80xi32, #tpu.memory_space<hbm>> -> memref<1x125x80xi32, #tpu.memory_space<hbm>>
      %dma_start3A_118 = tpu.memref_squeeze %dma_start3A_117 : memref<1x125x80xi32, #tpu.memory_space<hbm>> -> memref<125x80xi32, #tpu.memory_space<hbm>>
      %dma_start3A_119 = arith.constant 0 : i32
      %dma_start3A_120 = arith.constant 0 : i32
      %dma_start3A_121 = tpu.memref_slice %arg2[%add3A, %dma_start3A_119, %dma_start3A_120] : memref<32x125x80xi32, #tpu.memory_space<hbm>> -> memref<1x125x80xi32, #tpu.memory_space<hbm>>
      %dma_start3A_122 = tpu.memref_squeeze %dma_start3A_121 : memref<1x125x80xi32, #tpu.memory_space<hbm>> -> memref<125x80xi32, #tpu.memory_space<hbm>>
      tpu.enqueue_dma source(%dma_start3A_122 : memref<125x80xi32, #tpu.memory_space<hbm>>) target(%arg4 : memref<125x80xi32, #tpu.memory_space<vmem>>) target_semaphore(%run_scoped3A : memref<!tpu.dma_semaphore, #tpu.memory_space<semaphore_mem>>)
      %dma_wait3A_123 = arith.constant 0 : i32
      %dma_wait3A_124 = arith.constant 0 : i32
      %dma_wait3A_125 = tpu.memref_slice %arg2[%add3A, %dma_wait3A_123, %dma_wait3A_124] : memref<32x125x80xi32, #tpu.memory_space<hbm>> -> memref<1x125x80xi32, #tpu.memory_space<hbm>>
      %dma_wait3A_126 = tpu.memref_squeeze %dma_wait3A_125 : memref<1x125x80xi32, #tpu.memory_space<hbm>> -> memref<125x80xi32, #tpu.memory_space<hbm>>
      %dma_wait3A_127 = arith.constant 0 : i32
      %dma_wait3A_128 = arith.constant 0 : i32
      %dma_wait3A_129 = tpu.memref_slice %arg2[%add3A, %dma_wait3A_127, %dma_wait3A_128] : memref<32x125x80xi32, #tpu.memory_space<hbm>> -> memref<1x125x80xi32, #tpu.memory_space<hbm>>
      %dma_wait3A_130 = tpu.memref_squeeze %dma_wait3A_129 : memref<1x125x80xi32, #tpu.memory_space<hbm>> -> memref<125x80xi32, #tpu.memory_space<hbm>>
      tpu.wait_dma2 semaphore(%run_scoped3A : memref<!tpu.dma_semaphore, #tpu.memory_space<semaphore_mem>>) src(%dma_wait3A_130 : memref<125x80xi32, #tpu.memory_space<hbm>>) dst(%arg4 : memref<125x80xi32, #tpu.memory_space<vmem>>)
      tpu.yield
    }) : () -> ()
    %dma_wait3A = tpu.memref_slice %arg7[%add3A_46] : memref<10240xf32, #tpu.memory_space<vmem_shared>> -> memref<80xf32, #tpu.memory_space<vmem_shared>>
    %dma_wait3A_90 = tpu.memref_slice %arg7[%add3A_46] : memref<10240xf32, #tpu.memory_space<vmem_shared>> -> memref<80xf32, #tpu.memory_space<vmem_shared>>
    tpu.wait_dma2 semaphore(%arg8 : memref<!tpu.dma_semaphore, #tpu.memory_space<semaphore_mem>>) src(%arg6 : memref<80xf32, #tpu.memory_space<vmem>>) dst(%dma_wait3A_90 : memref<80xf32, #tpu.memory_space<vmem_shared>>)
    %dma_wait3A_91 = tpu.memref_slice %arg7[%add3A_51] : memref<10240xf32, #tpu.memory_space<vmem_shared>> -> memref<80xf32, #tpu.memory_space<vmem_shared>>
    %dma_wait3A_92 = tpu.memref_slice %arg7[%add3A_51] : memref<10240xf32, #tpu.memory_space<vmem_shared>> -> memref<80xf32, #tpu.memory_space<vmem_shared>>
    tpu.wait_dma2 semaphore(%arg8 : memref<!tpu.dma_semaphore, #tpu.memory_space<semaphore_mem>>) src(%arg6 : memref<80xf32, #tpu.memory_space<vmem>>) dst(%dma_wait3A_92 : memref<80xf32, #tpu.memory_space<vmem_shared>>)
    %dma_wait3A_93 = tpu.memref_slice %arg7[%add3A_57] : memref<10240xf32, #tpu.memory_space<vmem_shared>> -> memref<80xf32, #tpu.memory_space<vmem_shared>>
    %dma_wait3A_94 = tpu.memref_slice %arg7[%add3A_57] : memref<10240xf32, #tpu.memory_space<vmem_shared>> -> memref<80xf32, #tpu.memory_space<vmem_shared>>
    tpu.wait_dma2 semaphore(%arg8 : memref<!tpu.dma_semaphore, #tpu.memory_space<semaphore_mem>>) src(%arg6 : memref<80xf32, #tpu.memory_space<vmem>>) dst(%dma_wait3A_94 : memref<80xf32, #tpu.memory_space<vmem_shared>>)
    %dma_wait3A_95 = tpu.memref_slice %arg7[%add3A_63] : memref<10240xf32, #tpu.memory_space<vmem_shared>> -> memref<80xf32, #tpu.memory_space<vmem_shared>>
    %dma_wait3A_96 = tpu.memref_slice %arg7[%add3A_63] : memref<10240xf32, #tpu.memory_space<vmem_shared>> -> memref<80xf32, #tpu.memory_space<vmem_shared>>
    tpu.wait_dma2 semaphore(%arg8 : memref<!tpu.dma_semaphore, #tpu.memory_space<semaphore_mem>>) src(%arg6 : memref<80xf32, #tpu.memory_space<vmem>>) dst(%dma_wait3A_96 : memref<80xf32, #tpu.memory_space<vmem_shared>>)
    %dma_wait3A_97 = tpu.memref_slice %arg7[%add3A_69] : memref<10240xf32, #tpu.memory_space<vmem_shared>> -> memref<80xf32, #tpu.memory_space<vmem_shared>>
    %dma_wait3A_98 = tpu.memref_slice %arg7[%add3A_69] : memref<10240xf32, #tpu.memory_space<vmem_shared>> -> memref<80xf32, #tpu.memory_space<vmem_shared>>
    tpu.wait_dma2 semaphore(%arg8 : memref<!tpu.dma_semaphore, #tpu.memory_space<semaphore_mem>>) src(%arg6 : memref<80xf32, #tpu.memory_space<vmem>>) dst(%dma_wait3A_98 : memref<80xf32, #tpu.memory_space<vmem_shared>>)
    %dma_wait3A_99 = tpu.memref_slice %arg7[%add3A_75] : memref<10240xf32, #tpu.memory_space<vmem_shared>> -> memref<80xf32, #tpu.memory_space<vmem_shared>>
    %dma_wait3A_100 = tpu.memref_slice %arg7[%add3A_75] : memref<10240xf32, #tpu.memory_space<vmem_shared>> -> memref<80xf32, #tpu.memory_space<vmem_shared>>
    tpu.wait_dma2 semaphore(%arg8 : memref<!tpu.dma_semaphore, #tpu.memory_space<semaphore_mem>>) src(%arg6 : memref<80xf32, #tpu.memory_space<vmem>>) dst(%dma_wait3A_100 : memref<80xf32, #tpu.memory_space<vmem_shared>>)
    %dma_wait3A_101 = tpu.memref_slice %arg7[%add3A_81] : memref<10240xf32, #tpu.memory_space<vmem_shared>> -> memref<80xf32, #tpu.memory_space<vmem_shared>>
    %dma_wait3A_102 = tpu.memref_slice %arg7[%add3A_81] : memref<10240xf32, #tpu.memory_space<vmem_shared>> -> memref<80xf32, #tpu.memory_space<vmem_shared>>
    tpu.wait_dma2 semaphore(%arg8 : memref<!tpu.dma_semaphore, #tpu.memory_space<semaphore_mem>>) src(%arg6 : memref<80xf32, #tpu.memory_space<vmem>>) dst(%dma_wait3A_102 : memref<80xf32, #tpu.memory_space<vmem_shared>>)
    %dma_wait3A_103 = tpu.memref_slice %arg7[%add3A_87] : memref<10240xf32, #tpu.memory_space<vmem_shared>> -> memref<80xf32, #tpu.memory_space<vmem_shared>>
    %dma_wait3A_104 = tpu.memref_slice %arg7[%add3A_87] : memref<10240xf32, #tpu.memory_space<vmem_shared>> -> memref<80xf32, #tpu.memory_space<vmem_shared>>
    tpu.wait_dma2 semaphore(%arg8 : memref<!tpu.dma_semaphore, #tpu.memory_space<semaphore_mem>>) src(%arg6 : memref<80xf32, #tpu.memory_space<vmem>>) dst(%dma_wait3A_104 : memref<80xf32, #tpu.memory_space<vmem_shared>>)
    %barrier3A = arith.constant 0 : index
    tpu.barrier barrier_id(%barrier3A)
    %scan3A = arith.constant 0 : i32
    %scan3A_105 = arith.constant 0 : i32
    %scan3A_106 = arith.constant 25 : i32
    %scan3A_107 = arith.addi %scan3A_105, %scan3A_106 : i32
    %scan3A_108 = arith.constant 1 : i32
    scf.for %scan3A_115 = %scan3A_105 to %scan3A_107 step %scan3A_108  : i32 {
      %mul3A_116 = arith.constant 5 : i32
      %mul3A_117 = arith.muli %scan3A_115, %mul3A_116 : i32
      %add3A_118 = arith.constant 0 : i32
      %add3A_119 = arith.addi %mul3A_117, %add3A_118 : i32
      %dma_start3A_120 = arith.constant 0 : i32
      %dma_start3A_121 = tpu.memref_slice %arg4[%add3A_119, %dma_start3A_120] : memref<125x80xi32, #tpu.memory_space<vmem>> -> memref<1x80xi32, #tpu.memory_space<vmem>>
      %dma_start3A_122 = tpu.memref_squeeze %dma_start3A_121 : memref<1x80xi32, #tpu.memory_space<vmem>> -> memref<80xi32, #tpu.memory_space<vmem>>
      %dma_start3A_123 = arith.constant 0 : i32
      %dma_start3A_124 = tpu.memref_slice %arg7[%dma_start3A_123] : memref<10240xf32, #tpu.memory_space<vmem_shared>> -> memref<10240xf32, #tpu.memory_space<vmem_shared>>
      tpu.enqueue_indirect_dma source(%arg5 : memref<80xf32, #tpu.memory_space<vmem>>) target(%dma_start3A_124 : memref<10240xf32, #tpu.memory_space<vmem_shared>>) offsets(%dma_start3A_122 : memref<80xi32, #tpu.memory_space<vmem>>) semaphore(%arg8 : memref<!tpu.dma_semaphore, #tpu.memory_space<semaphore_mem>>) {add = true}
      %mul3A_125 = arith.constant 5 : i32
      %mul3A_126 = arith.muli %scan3A_115, %mul3A_125 : i32
      %add3A_127 = arith.constant 1 : i32
      %add3A_128 = arith.addi %mul3A_126, %add3A_127 : i32
      %dma_start3A_129 = arith.constant 0 : i32
      %dma_start3A_130 = tpu.memref_slice %arg4[%add3A_128, %dma_start3A_129] : memref<125x80xi32, #tpu.memory_space<vmem>> -> memref<1x80xi32, #tpu.memory_space<vmem>>
      %dma_start3A_131 = tpu.memref_squeeze %dma_start3A_130 : memref<1x80xi32, #tpu.memory_space<vmem>> -> memref<80xi32, #tpu.memory_space<vmem>>
      %dma_start3A_132 = arith.constant 0 : i32
      %dma_start3A_133 = tpu.memref_slice %arg7[%dma_start3A_132] : memref<10240xf32, #tpu.memory_space<vmem_shared>> -> memref<10240xf32, #tpu.memory_space<vmem_shared>>
      tpu.enqueue_indirect_dma source(%arg5 : memref<80xf32, #tpu.memory_space<vmem>>) target(%dma_start3A_133 : memref<10240xf32, #tpu.memory_space<vmem_shared>>) offsets(%dma_start3A_131 : memref<80xi32, #tpu.memory_space<vmem>>) semaphore(%arg8 : memref<!tpu.dma_semaphore, #tpu.memory_space<semaphore_mem>>) {add = true}
      %mul3A_134 = arith.constant 5 : i32
      %mul3A_135 = arith.muli %scan3A_115, %mul3A_134 : i32
      %add3A_136 = arith.constant 2 : i32
      %add3A_137 = arith.addi %mul3A_135, %add3A_136 : i32
      %dma_start3A_138 = arith.constant 0 : i32
      %dma_start3A_139 = tpu.memref_slice %arg4[%add3A_137, %dma_start3A_138] : memref<125x80xi32, #tpu.memory_space<vmem>> -> memref<1x80xi32, #tpu.memory_space<vmem>>
      %dma_start3A_140 = tpu.memref_squeeze %dma_start3A_139 : memref<1x80xi32, #tpu.memory_space<vmem>> -> memref<80xi32, #tpu.memory_space<vmem>>
      %dma_start3A_141 = arith.constant 0 : i32
      %dma_start3A_142 = tpu.memref_slice %arg7[%dma_start3A_141] : memref<10240xf32, #tpu.memory_space<vmem_shared>> -> memref<10240xf32, #tpu.memory_space<vmem_shared>>
      tpu.enqueue_indirect_dma source(%arg5 : memref<80xf32, #tpu.memory_space<vmem>>) target(%dma_start3A_142 : memref<10240xf32, #tpu.memory_space<vmem_shared>>) offsets(%dma_start3A_140 : memref<80xi32, #tpu.memory_space<vmem>>) semaphore(%arg8 : memref<!tpu.dma_semaphore, #tpu.memory_space<semaphore_mem>>) {add = true}
      %mul3A_143 = arith.constant 5 : i32
      %mul3A_144 = arith.muli %scan3A_115, %mul3A_143 : i32
      %add3A_145 = arith.constant 3 : i32
      %add3A_146 = arith.addi %mul3A_144, %add3A_145 : i32
      %dma_start3A_147 = arith.constant 0 : i32
      %dma_start3A_148 = tpu.memref_slice %arg4[%add3A_146, %dma_start3A_147] : memref<125x80xi32, #tpu.memory_space<vmem>> -> memref<1x80xi32, #tpu.memory_space<vmem>>
      %dma_start3A_149 = tpu.memref_squeeze %dma_start3A_148 : memref<1x80xi32, #tpu.memory_space<vmem>> -> memref<80xi32, #tpu.memory_space<vmem>>
      %dma_start3A_150 = arith.constant 0 : i32
      %dma_start3A_151 = tpu.memref_slice %arg7[%dma_start3A_150] : memref<10240xf32, #tpu.memory_space<vmem_shared>> -> memref<10240xf32, #tpu.memory_space<vmem_shared>>
      tpu.enqueue_indirect_dma source(%arg5 : memref<80xf32, #tpu.memory_space<vmem>>) target(%dma_start3A_151 : memref<10240xf32, #tpu.memory_space<vmem_shared>>) offsets(%dma_start3A_149 : memref<80xi32, #tpu.memory_space<vmem>>) semaphore(%arg8 : memref<!tpu.dma_semaphore, #tpu.memory_space<semaphore_mem>>) {add = true}
      %mul3A_152 = arith.constant 5 : i32
      %mul3A_153 = arith.muli %scan3A_115, %mul3A_152 : i32
      %add3A_154 = arith.constant 4 : i32
      %add3A_155 = arith.addi %mul3A_153, %add3A_154 : i32
      %dma_start3A_156 = arith.constant 0 : i32
      %dma_start3A_157 = tpu.memref_slice %arg4[%add3A_155, %dma_start3A_156] : memref<125x80xi32, #tpu.memory_space<vmem>> -> memref<1x80xi32, #tpu.memory_space<vmem>>
      %dma_start3A_158 = tpu.memref_squeeze %dma_start3A_157 : memref<1x80xi32, #tpu.memory_space<vmem>> -> memref<80xi32, #tpu.memory_space<vmem>>
      %dma_start3A_159 = arith.constant 0 : i32
      %dma_start3A_160 = tpu.memref_slice %arg7[%dma_start3A_159] : memref<10240xf32, #tpu.memory_space<vmem_shared>> -> memref<10240xf32, #tpu.memory_space<vmem_shared>>
      tpu.enqueue_indirect_dma source(%arg5 : memref<80xf32, #tpu.memory_space<vmem>>) target(%dma_start3A_160 : memref<10240xf32, #tpu.memory_space<vmem_shared>>) offsets(%dma_start3A_158 : memref<80xi32, #tpu.memory_space<vmem>>) semaphore(%arg8 : memref<!tpu.dma_semaphore, #tpu.memory_space<semaphore_mem>>) {add = true}
      %dma_wait3A_161 = arith.constant 0 : i32
      %dma_wait3A_162 = tpu.memref_slice %arg4[%add3A_119, %dma_wait3A_161] : memref<125x80xi32, #tpu.memory_space<vmem>> -> memref<1x80xi32, #tpu.memory_space<vmem>>
      %dma_wait3A_163 = tpu.memref_squeeze %dma_wait3A_162 : memref<1x80xi32, #tpu.memory_space<vmem>> -> memref<80xi32, #tpu.memory_space<vmem>>
      %dma_wait3A_164 = arith.constant 0 : i32
      %dma_wait3A_165 = tpu.memref_slice %arg7[%dma_wait3A_164] : memref<10240xf32, #tpu.memory_space<vmem_shared>> -> memref<10240xf32, #tpu.memory_space<vmem_shared>>
      tpu.wait_indirect_dma semaphore(%arg8 : memref<!tpu.dma_semaphore, #tpu.memory_space<semaphore_mem>>) src(%arg5 : memref<80xf32, #tpu.memory_space<vmem>>) dst(%dma_wait3A_165 : memref<10240xf32, #tpu.memory_space<vmem_shared>>)
      %dma_wait3A_166 = arith.constant 0 : i32
      %dma_wait3A_167 = tpu.memref_slice %arg4[%add3A_128, %dma_wait3A_166] : memref<125x80xi32, #tpu.memory_space<vmem>> -> memref<1x80xi32, #tpu.memory_space<vmem>>
      %dma_wait3A_168 = tpu.memref_squeeze %dma_wait3A_167 : memref<1x80xi32, #tpu.memory_space<vmem>> -> memref<80xi32, #tpu.memory_space<vmem>>
      %dma_wait3A_169 = arith.constant 0 : i32
      %dma_wait3A_170 = tpu.memref_slice %arg7[%dma_wait3A_169] : memref<10240xf32, #tpu.memory_space<vmem_shared>> -> memref<10240xf32, #tpu.memory_space<vmem_shared>>
      tpu.wait_indirect_dma semaphore(%arg8 : memref<!tpu.dma_semaphore, #tpu.memory_space<semaphore_mem>>) src(%arg5 : memref<80xf32, #tpu.memory_space<vmem>>) dst(%dma_wait3A_170 : memref<10240xf32, #tpu.memory_space<vmem_shared>>)
      %dma_wait3A_171 = arith.constant 0 : i32
      %dma_wait3A_172 = tpu.memref_slice %arg4[%add3A_137, %dma_wait3A_171] : memref<125x80xi32, #tpu.memory_space<vmem>> -> memref<1x80xi32, #tpu.memory_space<vmem>>
      %dma_wait3A_173 = tpu.memref_squeeze %dma_wait3A_172 : memref<1x80xi32, #tpu.memory_space<vmem>> -> memref<80xi32, #tpu.memory_space<vmem>>
      %dma_wait3A_174 = arith.constant 0 : i32
      %dma_wait3A_175 = tpu.memref_slice %arg7[%dma_wait3A_174] : memref<10240xf32, #tpu.memory_space<vmem_shared>> -> memref<10240xf32, #tpu.memory_space<vmem_shared>>
      tpu.wait_indirect_dma semaphore(%arg8 : memref<!tpu.dma_semaphore, #tpu.memory_space<semaphore_mem>>) src(%arg5 : memref<80xf32, #tpu.memory_space<vmem>>) dst(%dma_wait3A_175 : memref<10240xf32, #tpu.memory_space<vmem_shared>>)
      %dma_wait3A_176 = arith.constant 0 : i32
      %dma_wait3A_177 = tpu.memref_slice %arg4[%add3A_146, %dma_wait3A_176] : memref<125x80xi32, #tpu.memory_space<vmem>> -> memref<1x80xi32, #tpu.memory_space<vmem>>
      %dma_wait3A_178 = tpu.memref_squeeze %dma_wait3A_177 : memref<1x80xi32, #tpu.memory_space<vmem>> -> memref<80xi32, #tpu.memory_space<vmem>>
      %dma_wait3A_179 = arith.constant 0 : i32
      %dma_wait3A_180 = tpu.memref_slice %arg7[%dma_wait3A_179] : memref<10240xf32, #tpu.memory_space<vmem_shared>> -> memref<10240xf32, #tpu.memory_space<vmem_shared>>
      tpu.wait_indirect_dma semaphore(%arg8 : memref<!tpu.dma_semaphore, #tpu.memory_space<semaphore_mem>>) src(%arg5 : memref<80xf32, #tpu.memory_space<vmem>>) dst(%dma_wait3A_180 : memref<10240xf32, #tpu.memory_space<vmem_shared>>)
      %dma_wait3A_181 = arith.constant 0 : i32
      %dma_wait3A_182 = tpu.memref_slice %arg4[%add3A_155, %dma_wait3A_181] : memref<125x80xi32, #tpu.memory_space<vmem>> -> memref<1x80xi32, #tpu.memory_space<vmem>>
      %dma_wait3A_183 = tpu.memref_squeeze %dma_wait3A_182 : memref<1x80xi32, #tpu.memory_space<vmem>> -> memref<80xi32, #tpu.memory_space<vmem>>
      %dma_wait3A_184 = arith.constant 0 : i32
      %dma_wait3A_185 = tpu.memref_slice %arg7[%dma_wait3A_184] : memref<10240xf32, #tpu.memory_space<vmem_shared>> -> memref<10240xf32, #tpu.memory_space<vmem_shared>>
      tpu.wait_indirect_dma semaphore(%arg8 : memref<!tpu.dma_semaphore, #tpu.memory_space<semaphore_mem>>) src(%arg5 : memref<80xf32, #tpu.memory_space<vmem>>) dst(%dma_wait3A_185 : memref<10240xf32, #tpu.memory_space<vmem_shared>>)
    }
    %scan3A_109 = arith.constant 25 : i32
    %barrier3A_110 = arith.constant 0 : index
    tpu.barrier barrier_id(%barrier3A_110)
    %mul3A_111 = arith.constant 640 : i32
    %mul3A_112 = arith.muli %arg1, %mul3A_111 : i32
    %mul3A_113 = arith.constant 640 : i32
    %mul3A_114 = arith.muli %arg1, %mul3A_113 : i32
    "tpu.region"() ({
      %run_scoped3A = tpu.sem_alloc : memref<!tpu.dma_semaphore, #tpu.memory_space<semaphore_mem>>
      %dma_start3A_115 = tpu.memref_slice %arg3[%arg0, %mul3A_114] : memref<2x10240xf32, #tpu.memory_space<hbm>> -> memref<1x640xf32, #tpu.memory_space<hbm>>
      %dma_start3A_116 = tpu.memref_squeeze %dma_start3A_115 : memref<1x640xf32, #tpu.memory_space<hbm>> -> memref<640xf32, #tpu.memory_space<hbm>>
      %dma_start3A_117 = tpu.memref_slice %arg7[%mul3A_112] : memref<10240xf32, #tpu.memory_space<vmem_shared>> -> memref<640xf32, #tpu.memory_space<vmem_shared>>
      tpu.enqueue_dma source(%dma_start3A_117 : memref<640xf32, #tpu.memory_space<vmem_shared>>) target(%dma_start3A_116 : memref<640xf32, #tpu.memory_space<hbm>>) target_semaphore(%run_scoped3A : memref<!tpu.dma_semaphore, #tpu.memory_space<semaphore_mem>>)
      %dma_wait3A_118 = tpu.memref_slice %arg3[%arg0, %mul3A_114] : memref<2x10240xf32, #tpu.memory_space<hbm>> -> memref<1x640xf32, #tpu.memory_space<hbm>>
      %dma_wait3A_119 = tpu.memref_squeeze %dma_wait3A_118 : memref<1x640xf32, #tpu.memory_space<hbm>> -> memref<640xf32, #tpu.memory_space<hbm>>
      %dma_wait3A_120 = tpu.memref_slice %arg7[%mul3A_112] : memref<10240xf32, #tpu.memory_space<vmem_shared>> -> memref<640xf32, #tpu.memory_space<vmem_shared>>
      tpu.wait_dma2 semaphore(%run_scoped3A : memref<!tpu.dma_semaphore, #tpu.memory_space<semaphore_mem>>) src(%dma_wait3A_120 : memref<640xf32, #tpu.memory_space<vmem_shared>>) dst(%dma_wait3A_119 : memref<640xf32, #tpu.memory_space<hbm>>)
      tpu.yield
    }) : () -> ()
    return
  }
}

module attributes {stable_mosaic.version = 14 : i64} {
  func.func @_tca_body(%arg0: i32, %arg1: memref<2048x2xf32, #tpu.memory_space<vmem>>, %arg2: memref<2048x128xf32, #tpu.memory_space<vmem>>, %arg3: memref<128x128xf32, #tpu.memory_space<vmem>>, %arg4: memref<2048x128xf32, #tpu.memory_space<vmem>>) attributes {dimension_semantics = [#tpu.dimension_semantics<arbitrary>], iteration_bounds = array<i64: 5>, scalar_prefetch = 0 : i64, scratch_operands = 0 : i64, tpu.core_type = #tpu.core_type<tc>, window_params = [{transform_indices = @transform_0, window_bounds = array<i64: 2048, 2>}, {transform_indices = @transform_1, window_bounds = array<i64: 2048, 128>}, {pipeline_mode = #tpu.pipeline_mode<synchronous>, transform_indices = @transform_2, window_bounds = array<i64: 128, 128>}, {transform_indices = @transform_3, window_bounds = array<i64: 2048, 128>}]} {
    %get3A = arith.constant 0 : index
    %get3A_0 = arith.constant 0 : index
    %get3A_1 = vector.load %arg1[%get3A, %get3A_0] : memref<2048x2xf32, #tpu.memory_space<vmem>>, vector<2048x2xf32>
    %slice3A = vector.extract_strided_slice %get3A_1 {offsets = [0, 0], sizes = [2048, 1], strides = [1, 1]} : vector<2048x2xf32> to vector<2048x1xf32>
    %slice3A_2 = vector.extract_strided_slice %get3A_1 {offsets = [0, 1], sizes = [2048, 1], strides = [1, 1]} : vector<2048x2xf32> to vector<2048x1xf32>
    %add3A = arith.addf %slice3A, %slice3A_2 : vector<2048x1xf32>
    %add3A_3 = arith.constant 1.000000e+00 : f32
    %add3A_4 = vector.broadcast %add3A_3 : f32 to vector<2048x1xf32>
    %add3A_5 = arith.addf %add3A, %add3A_4 : vector<2048x1xf32>
    %rsqrt3A = math.rsqrt %add3A_5 : vector<2048x1xf32>
    %get3A_6 = arith.constant 0 : index
    %get3A_7 = arith.constant 0 : index
    %get3A_8 = vector.load %arg2[%get3A_6, %get3A_7] : memref<2048x128xf32, #tpu.memory_space<vmem>>, vector<2048x128xf32>
    %get3A_9 = arith.constant 0 : index
    %get3A_10 = arith.constant 0 : index
    %get3A_11 = vector.load %arg3[%get3A_9, %get3A_10] : memref<128x128xf32, #tpu.memory_space<vmem>>, vector<128x128xf32>
    %dot_general3A = arith.constant dense<0.000000e+00> : vector<2048x128xf32>
    %dot_general3A_12 = tpu.matmul %get3A_8, %get3A_11, %dot_general3A {dimension_numbers = #tpu.dot_dimension_numbers<[1], [0], [0], [1], [0, 0, 1, 1], [], []>, transpose_lhs_hint = false} : vector<2048x128xf32>, vector<128x128xf32>, vector<2048x128xf32> -> vector<2048x128xf32>
    %mul3A = vector.broadcast %rsqrt3A : vector<2048x1xf32> to vector<2048x128xf32>
    %mul3A_13 = arith.mulf %dot_general3A_12, %mul3A : vector<2048x128xf32>
    %swap3A = arith.constant 0 : index
    %swap3A_14 = arith.constant 0 : index
    %swap3A_15 = vector.load %arg4[%swap3A, %swap3A_14] : memref<2048x128xf32, #tpu.memory_space<vmem>>, vector<2048x128xf32>
    tpu.vector_store %arg4[%swap3A, %swap3A_14], %mul3A_13 {strides = array<i32>} : memref<2048x128xf32, #tpu.memory_space<vmem>>, vector<2048x128xf32>,
    return
  }
  func.func @transform_0(%arg0: i32) -> (i32, i32) {
    %c0_i32 = arith.constant 0 : i32
    %c0_i32_0 = arith.constant 0 : i32
    return %arg0, %c0_i32 : i32, i32
  }
  func.func @transform_1(%arg0: i32) -> (i32, i32) {
    %c0_i32 = arith.constant 0 : i32
    %c0_i32_0 = arith.constant 0 : i32
    return %arg0, %c0_i32 : i32, i32
  }
  func.func @transform_2(%arg0: i32) -> (i32, i32) {
    %c0_i32 = arith.constant 0 : i32
    %c0_i32_0 = arith.constant 0 : i32
    %c0_i32_1 = arith.constant 0 : i32
    return %c0_i32, %c0_i32_0 : i32, i32
  }
  func.func @transform_3(%arg0: i32) -> (i32, i32) {
    %c0_i32 = arith.constant 0 : i32
    %c0_i32_0 = arith.constant 0 : i32
    return %arg0, %c0_i32 : i32, i32
  }
}

module attributes {stable_mosaic.version = 14 : i64} {
  func.func @_tcb_body(%arg0: i32, %arg1: memref<2x2048x128xf32, #tpu.memory_space<vmem>>, %arg2: memref<2048x128xf32, #tpu.memory_space<vmem>>, %arg3: memref<2048x2xf32, #tpu.memory_space<vmem>>, %arg4: memref<128xf32, #tpu.memory_space<vmem>>, %arg5: memref<128x128xf32, #tpu.memory_space<vmem>>, %arg6: memref<2048x128xf32, #tpu.memory_space<vmem>>) attributes {dimension_semantics = [#tpu.dimension_semantics<arbitrary>], iteration_bounds = array<i64: 5>, scalar_prefetch = 0 : i64, scratch_operands = 0 : i64, tpu.core_type = #tpu.core_type<tc>, window_params = [{transform_indices = @transform_0, window_bounds = array<i64: 2, 2048, 128>}, {transform_indices = @transform_1, window_bounds = array<i64: 2048, 128>}, {transform_indices = @transform_2, window_bounds = array<i64: 2048, 2>}, {pipeline_mode = #tpu.pipeline_mode<synchronous>, transform_indices = @transform_3, window_bounds = array<i64: 128>}, {pipeline_mode = #tpu.pipeline_mode<synchronous>, transform_indices = @transform_4, window_bounds = array<i64: 128, 128>}, {transform_indices = @transform_5, window_bounds = array<i64: 2048, 128>}]} {
    %get3A = arith.constant 0 : index
    %get3A_0 = arith.constant 0 : index
    %get3A_1 = vector.load %arg3[%get3A, %get3A_0] : memref<2048x2xf32, #tpu.memory_space<vmem>>, vector<2048x2xf32>
    %slice3A = vector.extract_strided_slice %get3A_1 {offsets = [0, 0], sizes = [2048, 1], strides = [1, 1]} : vector<2048x2xf32> to vector<2048x1xf32>
    %slice3A_2 = vector.extract_strided_slice %get3A_1 {offsets = [0, 1], sizes = [2048, 1], strides = [1, 1]} : vector<2048x2xf32> to vector<2048x1xf32>
    %add3A = arith.addf %slice3A, %slice3A_2 : vector<2048x1xf32>
    %add3A_3 = arith.constant 1.000000e+00 : f32
    %add3A_4 = vector.broadcast %add3A_3 : f32 to vector<2048x1xf32>
    %add3A_5 = arith.addf %add3A, %add3A_4 : vector<2048x1xf32>
    %rsqrt3A = math.rsqrt %add3A_5 : vector<2048x1xf32>
    %get3A_6 = arith.constant 0 : index
    %get3A_7 = arith.constant 0 : index
    %get3A_8 = arith.constant 0 : index
    %get3A_9 = vector.load %arg1[%get3A_6, %get3A_7, %get3A_8] : memref<2x2048x128xf32, #tpu.memory_space<vmem>>, vector<2x2048x128xf32>
    %reduce_sum3A = arith.constant dense<0.000000e+00> : vector<2048x128xf32>
    %reduce_sum3A_10 = vector.multi_reduction <add>, %get3A_9, %reduce_sum3A [0] : vector<2x2048x128xf32> to vector<2048x128xf32>
    %get3A_11 = arith.constant 0 : index
    %get3A_12 = arith.constant 0 : index
    %get3A_13 = vector.load %arg2[%get3A_11, %get3A_12] : memref<2048x128xf32, #tpu.memory_space<vmem>>, vector<2048x128xf32>
    %add3A_14 = arith.addf %reduce_sum3A_10, %get3A_13 : vector<2048x128xf32>
    %mul3A = vector.broadcast %rsqrt3A : vector<2048x1xf32> to vector<2048x128xf32>
    %mul3A_15 = arith.mulf %mul3A, %add3A_14 : vector<2048x128xf32>
    %get3A_16 = arith.constant 0 : index
    %get3A_17 = vector.load %arg4[%get3A_16] : memref<128xf32, #tpu.memory_space<vmem>>, vector<128xf32>
    %broadcast_in_dim3A = vector.shape_cast %get3A_17 : vector<128xf32> to vector<1x128xf32>
    %add3A_18 = vector.broadcast %broadcast_in_dim3A : vector<1x128xf32> to vector<2048x128xf32>
    %add3A_19 = arith.addf %mul3A_15, %add3A_18 : vector<2048x128xf32>
    %max3A = arith.constant 0.000000e+00 : f32
    %max3A_20 = vector.broadcast %max3A : f32 to vector<2048x128xf32>
    %max3A_21 = arith.maximumf %add3A_19, %max3A_20 : vector<2048x128xf32>
    %get3A_22 = arith.constant 0 : index
    %get3A_23 = arith.constant 0 : index
    %get3A_24 = vector.load %arg5[%get3A_22, %get3A_23] : memref<128x128xf32, #tpu.memory_space<vmem>>, vector<128x128xf32>
    %dot_general3A = arith.constant dense<0.000000e+00> : vector<2048x128xf32>
    %dot_general3A_25 = tpu.matmul %max3A_21, %get3A_24, %dot_general3A {dimension_numbers = #tpu.dot_dimension_numbers<[1], [0], [0], [1], [0, 0, 1, 1], [], []>, transpose_lhs_hint = false} : vector<2048x128xf32>, vector<128x128xf32>, vector<2048x128xf32> -> vector<2048x128xf32>
    %mul3A_26 = vector.broadcast %rsqrt3A : vector<2048x1xf32> to vector<2048x128xf32>
    %mul3A_27 = arith.mulf %dot_general3A_25, %mul3A_26 : vector<2048x128xf32>
    %swap3A = arith.constant 0 : index
    %swap3A_28 = arith.constant 0 : index
    %swap3A_29 = vector.load %arg6[%swap3A, %swap3A_28] : memref<2048x128xf32, #tpu.memory_space<vmem>>, vector<2048x128xf32>
    tpu.vector_store %arg6[%swap3A, %swap3A_28], %mul3A_27 {strides = array<i32>} : memref<2048x128xf32, #tpu.memory_space<vmem>>, vector<2048x128xf32>,
    return
  }
  func.func @transform_0(%arg0: i32) -> (i32, i32, i32) {
    %c0_i32 = arith.constant 0 : i32
    %c0_i32_0 = arith.constant 0 : i32
    %c0_i32_1 = arith.constant 0 : i32
    return %c0_i32, %arg0, %c0_i32_0 : i32, i32, i32
  }
  func.func @transform_1(%arg0: i32) -> (i32, i32) {
    %c0_i32 = arith.constant 0 : i32
    %c0_i32_0 = arith.constant 0 : i32
    return %arg0, %c0_i32 : i32, i32
  }
  func.func @transform_2(%arg0: i32) -> (i32, i32) {
    %c0_i32 = arith.constant 0 : i32
    %c0_i32_0 = arith.constant 0 : i32
    return %arg0, %c0_i32 : i32, i32
  }
  func.func @transform_3(%arg0: i32) -> i32 {
    %c0_i32 = arith.constant 0 : i32
    %c0_i32_0 = arith.constant 0 : i32
    return %c0_i32 : i32
  }
  func.func @transform_4(%arg0: i32) -> (i32, i32) {
    %c0_i32 = arith.constant 0 : i32
    %c0_i32_0 = arith.constant 0 : i32
    %c0_i32_1 = arith.constant 0 : i32
    return %c0_i32, %c0_i32_0 : i32, i32
  }
  func.func @transform_5(%arg0: i32) -> (i32, i32) {
    %c0_i32 = arith.constant 0 : i32
    %c0_i32_0 = arith.constant 0 : i32
    return %arg0, %c0_i32 : i32, i32
  }
}

module attributes {stable_mosaic.version = 14 : i64} {
  func.func @_tcc_body(%arg0: i32, %arg1: memref<2x2048x128xf32, #tpu.memory_space<vmem>>, %arg2: memref<2048x128xf32, #tpu.memory_space<vmem>>, %arg3: memref<2048x2xf32, #tpu.memory_space<vmem>>, %arg4: memref<128xf32, #tpu.memory_space<vmem>>, %arg5: memref<5x2048xi32, #tpu.memory_space<vmem>>, %arg6: memref<128x10xf32, #tpu.memory_space<vmem>>, %arg7: memref<10xf32, #tpu.memory_space<vmem>>, %arg8: memref<64x10xf32, #tpu.memory_space<vmem>>, %arg9: memref<64x128xf32, #tpu.memory_space<vmem>>, %arg10: memref<64x128xf32, #tpu.memory_space<vmem>>) attributes {dimension_semantics = [#tpu.dimension_semantics<arbitrary>], iteration_bounds = array<i64: 5>, scalar_prefetch = 0 : i64, scratch_operands = 2 : i64, tpu.core_type = #tpu.core_type<tc>, window_params = [{transform_indices = @transform_0, window_bounds = array<i64: 2, 2048, 128>}, {transform_indices = @transform_1, window_bounds = array<i64: 2048, 128>}, {transform_indices = @transform_2, window_bounds = array<i64: 2048, 2>}, {pipeline_mode = #tpu.pipeline_mode<synchronous>, transform_indices = @transform_3, window_bounds = array<i64: 128>}, {pipeline_mode = #tpu.pipeline_mode<synchronous>, transform_indices = @transform_4, window_bounds = array<i64: 5, 2048>}, {pipeline_mode = #tpu.pipeline_mode<synchronous>, transform_indices = @transform_5, window_bounds = array<i64: 128, 10>}, {pipeline_mode = #tpu.pipeline_mode<synchronous>, transform_indices = @transform_6, window_bounds = array<i64: 10>}, {pipeline_mode = #tpu.pipeline_mode<synchronous>, transform_indices = @transform_7, window_bounds = array<i64: 64, 10>}]} {
    %eq3A = arith.constant 0 : i32
    %eq3A_0 = arith.cmpi eq, %arg0, %eq3A : i32
    %convert_element_type3A = arith.extui %eq3A_0 : i1 to i32
    %cond3A = arith.constant 0 : i32
    %cond3A_1 = arith.cmpi ne, %convert_element_type3A, %cond3A : i32
    scf.if %cond3A_1 {
      %broadcast_in_dim3A_62 = arith.constant 0.000000e+00 : f32
      %broadcast_in_dim3A_63 = vector.broadcast %broadcast_in_dim3A_62 : f32 to vector<64x128xf32>
      %swap3A_64 = arith.constant 0 : index
      %swap3A_65 = arith.constant 0 : index
      %swap3A_66 = vector.load %arg9[%swap3A_64, %swap3A_65] : memref<64x128xf32, #tpu.memory_space<vmem>>, vector<64x128xf32>
      tpu.vector_store %arg9[%swap3A_64, %swap3A_65], %broadcast_in_dim3A_63 {strides = array<i32>} : memref<64x128xf32, #tpu.memory_space<vmem>>, vector<64x128xf32>,
      %broadcast_in_dim3A_67 = arith.constant 0.000000e+00 : f32
      %broadcast_in_dim3A_68 = vector.broadcast %broadcast_in_dim3A_67 : f32 to vector<64x128xf32>
      %swap3A_69 = arith.constant 0 : index
      %swap3A_70 = arith.constant 0 : index
      %swap3A_71 = vector.load %arg10[%swap3A_69, %swap3A_70] : memref<64x128xf32, #tpu.memory_space<vmem>>, vector<64x128xf32>
      tpu.vector_store %arg10[%swap3A_69, %swap3A_70], %broadcast_in_dim3A_68 {strides = array<i32>} : memref<64x128xf32, #tpu.memory_space<vmem>>, vector<64x128xf32>,
    } else {
    }
    %get3A = arith.constant 0 : index
    %get3A_2 = arith.constant 0 : index
    %get3A_3 = vector.load %arg3[%get3A, %get3A_2] : memref<2048x2xf32, #tpu.memory_space<vmem>>, vector<2048x2xf32>
    %slice3A = vector.extract_strided_slice %get3A_3 {offsets = [0, 0], sizes = [2048, 1], strides = [1, 1]} : vector<2048x2xf32> to vector<2048x1xf32>
    %slice3A_4 = vector.extract_strided_slice %get3A_3 {offsets = [0, 1], sizes = [2048, 1], strides = [1, 1]} : vector<2048x2xf32> to vector<2048x1xf32>
    %add3A = arith.addf %slice3A, %slice3A_4 : vector<2048x1xf32>
    %add3A_5 = arith.constant 1.000000e+00 : f32
    %add3A_6 = vector.broadcast %add3A_5 : f32 to vector<2048x1xf32>
    %add3A_7 = arith.addf %add3A, %add3A_6 : vector<2048x1xf32>
    %rsqrt3A = math.rsqrt %add3A_7 : vector<2048x1xf32>
    %get3A_8 = arith.constant 0 : index
    %get3A_9 = arith.constant 0 : index
    %get3A_10 = arith.constant 0 : index
    %get3A_11 = vector.load %arg1[%get3A_8, %get3A_9, %get3A_10] : memref<2x2048x128xf32, #tpu.memory_space<vmem>>, vector<2x2048x128xf32>
    %reduce_sum3A = arith.constant dense<0.000000e+00> : vector<2048x128xf32>
    %reduce_sum3A_12 = vector.multi_reduction <add>, %get3A_11, %reduce_sum3A [0] : vector<2x2048x128xf32> to vector<2048x128xf32>
    %get3A_13 = arith.constant 0 : index
    %get3A_14 = arith.constant 0 : index
    %get3A_15 = vector.load %arg2[%get3A_13, %get3A_14] : memref<2048x128xf32, #tpu.memory_space<vmem>>, vector<2048x128xf32>
    %add3A_16 = arith.addf %reduce_sum3A_12, %get3A_15 : vector<2048x128xf32>
    %mul3A = vector.broadcast %rsqrt3A : vector<2048x1xf32> to vector<2048x128xf32>
    %mul3A_17 = arith.mulf %mul3A, %add3A_16 : vector<2048x128xf32>
    %get3A_18 = arith.constant 0 : index
    %get3A_19 = vector.load %arg4[%get3A_18] : memref<128xf32, #tpu.memory_space<vmem>>, vector<128xf32>
    %broadcast_in_dim3A = vector.shape_cast %get3A_19 : vector<128xf32> to vector<1x128xf32>
    %add3A_20 = vector.broadcast %broadcast_in_dim3A : vector<1x128xf32> to vector<2048x128xf32>
    %add3A_21 = arith.addf %mul3A_17, %add3A_20 : vector<2048x128xf32>
    %mul3A_22 = arith.constant 2048 : i32
    %mul3A_23 = arith.muli %arg0, %mul3A_22 : i32
    %iota3A = tpu.iota {dimensions = array<i32: 0>} : vector<2048x1xi32>
    %add3A_24 = vector.broadcast %mul3A_23 : i32 to vector<2048x1xi32>
    %add3A_25 = arith.addi %add3A_24, %iota3A : vector<2048x1xi32>
    %lt3A = arith.constant 10000 : i32
    %lt3A_26 = vector.broadcast %lt3A : i32 to vector<2048x1xi32>
    %lt3A_27 = arith.cmpi slt, %add3A_25, %lt3A_26 : vector<2048x1xi32>
    %jit3A = arith.constant 0.000000e+00 : f32
    %broadcast_in_dim3A_28 = vector.shape_cast %lt3A_27 : vector<2048x1xi1> to vector<2048x1xi1>
    %broadcast_in_dim3A_29 = vector.broadcast %broadcast_in_dim3A_28 : vector<2048x1xi1> to vector<2048x128xi1>
    %broadcast_in_dim3A_30 = vector.broadcast %jit3A : f32 to vector<2048x128xf32>
    %select_n3A = arith.select %broadcast_in_dim3A_29, %add3A_21, %broadcast_in_dim3A_30 : vector<2048x128xi1>, vector<2048x128xf32>
    %get3A_31 = arith.index_cast %arg0 : i32 to index
    %get3A_32 = arith.constant 0 : index
    %get3A_33 = vector.load %arg5[%get3A_31, %get3A_32] : memref<5x2048xi32, #tpu.memory_space<vmem>>, vector<1x2048xi32>
    %iota3A_34 = tpu.iota {dimensions = array<i32: 0>} : vector<64x2048xi32>
    %eq3A_35 = vector.broadcast %get3A_33 : vector<1x2048xi32> to vector<64x2048xi32>
    %eq3A_36 = arith.cmpi eq, %iota3A_34, %eq3A_35 : vector<64x2048xi32>
    %convert_element_type3A_37 = arith.extui %eq3A_36 : vector<64x2048xi1> to vector<64x2048xi32>
    %convert_element_type3A_38 = arith.sitofp %convert_element_type3A_37 : vector<64x2048xi32> to vector<64x2048xf32>
    %get3A_39 = arith.constant 0 : index
    %get3A_40 = arith.constant 0 : index
    %get3A_41 = vector.load %arg9[%get3A_39, %get3A_40] : memref<64x128xf32, #tpu.memory_space<vmem>>, vector<64x128xf32>
    %dot_general3A = arith.constant dense<0.000000e+00> : vector<64x128xf32>
    %dot_general3A_42 = tpu.matmul %convert_element_type3A_38, %select_n3A, %dot_general3A {dimension_numbers = #tpu.dot_dimension_numbers<[1], [0], [0], [1], [0, 0, 1, 1], [], []>, transpose_lhs_hint = false} : vector<64x2048xf32>, vector<2048x128xf32>, vector<64x128xf32> -> vector<64x128xf32>
    %add3A_43 = arith.addf %get3A_41, %dot_general3A_42 : vector<64x128xf32>
    %swap3A = arith.constant 0 : index
    %swap3A_44 = arith.constant 0 : index
    %swap3A_45 = vector.load %arg9[%swap3A, %swap3A_44] : memref<64x128xf32, #tpu.memory_space<vmem>>, vector<64x128xf32>
    tpu.vector_store %arg9[%swap3A, %swap3A_44], %add3A_43 {strides = array<i32>} : memref<64x128xf32, #tpu.memory_space<vmem>>, vector<64x128xf32>,
    %get3A_46 = arith.constant 0 : index
    %get3A_47 = arith.constant 0 : index
    %get3A_48 = vector.load %arg10[%get3A_46, %get3A_47] : memref<64x128xf32, #tpu.memory_space<vmem>>, vector<64x128xf32>
    %broadcast_in_dim3A_49 = arith.constant 1.000000e+00 : f32
    %broadcast_in_dim3A_50 = vector.broadcast %broadcast_in_dim3A_49 : f32 to vector<2048x128xf32>
    %dot_general3A_51 = arith.constant dense<0.000000e+00> : vector<64x128xf32>
    %dot_general3A_52 = tpu.matmul %convert_element_type3A_38, %broadcast_in_dim3A_50, %dot_general3A_51 {dimension_numbers = #tpu.dot_dimension_numbers<[1], [0], [0], [1], [0, 0, 1, 1], [], []>, transpose_lhs_hint = false} : vector<64x2048xf32>, vector<2048x128xf32>, vector<64x128xf32> -> vector<64x128xf32>
    %add3A_53 = arith.addf %get3A_48, %dot_general3A_52 : vector<64x128xf32>
    %swap3A_54 = arith.constant 0 : index
    %swap3A_55 = arith.constant 0 : index
    %swap3A_56 = vector.load %arg10[%swap3A_54, %swap3A_55] : memref<64x128xf32, #tpu.memory_space<vmem>>, vector<64x128xf32>
    tpu.vector_store %arg10[%swap3A_54, %swap3A_55], %add3A_53 {strides = array<i32>} : memref<64x128xf32, #tpu.memory_space<vmem>>, vector<64x128xf32>,
    %eq3A_57 = arith.constant 4 : i32
    %eq3A_58 = arith.cmpi eq, %arg0, %eq3A_57 : i32
    %convert_element_type3A_59 = arith.extui %eq3A_58 : i1 to i32
    %cond3A_60 = arith.constant 0 : i32
    %cond3A_61 = arith.cmpi ne, %convert_element_type3A_59, %cond3A_60 : i32
    scf.if %cond3A_61 {
      %get3A_62 = arith.constant 0 : index
      %get3A_63 = arith.constant 0 : index
      %get3A_64 = vector.load %arg9[%get3A_62, %get3A_63] : memref<64x128xf32, #tpu.memory_space<vmem>>, vector<64x128xf32>
      %get3A_65 = arith.constant 0 : index
      %get3A_66 = arith.constant 0 : index
      %get3A_67 = vector.load %arg10[%get3A_65, %get3A_66] : memref<64x128xf32, #tpu.memory_space<vmem>>, vector<64x128xf32>
      %max3A = arith.constant 1.000000e+00 : f32
      %max3A_68 = vector.broadcast %max3A : f32 to vector<64x128xf32>
      %max3A_69 = arith.maximumf %get3A_67, %max3A_68 : vector<64x128xf32>
      %div3A = arith.divf %get3A_64, %max3A_69 : vector<64x128xf32>
      %get3A_70 = arith.constant 0 : index
      %get3A_71 = arith.constant 0 : index
      %get3A_72 = vector.load %arg6[%get3A_70, %get3A_71] : memref<128x10xf32, #tpu.memory_space<vmem>>, vector<128x10xf32>
      %dot_general3A_73 = arith.constant dense<0.000000e+00> : vector<64x10xf32>
      %dot_general3A_74 = tpu.matmul %div3A, %get3A_72, %dot_general3A_73 {dimension_numbers = #tpu.dot_dimension_numbers<[1], [0], [0], [1], [0, 0, 1, 1], [], []>, transpose_lhs_hint = false} : vector<64x128xf32>, vector<128x10xf32>, vector<64x10xf32> -> vector<64x10xf32>
      %get3A_75 = arith.constant 0 : index
      %get3A_76 = vector.load %arg7[%get3A_75] : memref<10xf32, #tpu.memory_space<vmem>>, vector<10xf32>
      %broadcast_in_dim3A_77 = vector.shape_cast %get3A_76 : vector<10xf32> to vector<1x10xf32>
      %add3A_78 = vector.broadcast %broadcast_in_dim3A_77 : vector<1x10xf32> to vector<64x10xf32>
      %add3A_79 = arith.addf %dot_general3A_74, %add3A_78 : vector<64x10xf32>
      %swap3A_80 = arith.constant 0 : index
      %swap3A_81 = arith.constant 0 : index
      %swap3A_82 = vector.load %arg8[%swap3A_80, %swap3A_81] : memref<64x10xf32, #tpu.memory_space<vmem>>, vector<64x10xf32>
      tpu.vector_store %arg8[%swap3A_80, %swap3A_81], %add3A_79 {strides = array<i32>} : memref<64x10xf32, #tpu.memory_space<vmem>>, vector<64x10xf32>,
    } else {
    }
    return
  }
  func.func @transform_0(%arg0: i32) -> (i32, i32, i32) {
    %c0_i32 = arith.constant 0 : i32
    %c0_i32_0 = arith.constant 0 : i32
    %c0_i32_1 = arith.constant 0 : i32
    return %c0_i32, %arg0, %c0_i32_0 : i32, i32, i32
  }
  func.func @transform_1(%arg0: i32) -> (i32, i32) {
    %c0_i32 = arith.constant 0 : i32
    %c0_i32_0 = arith.constant 0 : i32
    return %arg0, %c0_i32 : i32, i32
  }
  func.func @transform_2(%arg0: i32) -> (i32, i32) {
    %c0_i32 = arith.constant 0 : i32
    %c0_i32_0 = arith.constant 0 : i32
    return %arg0, %c0_i32 : i32, i32
  }
  func.func @transform_3(%arg0: i32) -> i32 {
    %c0_i32 = arith.constant 0 : i32
    %c0_i32_0 = arith.constant 0 : i32
    return %c0_i32 : i32
  }
  func.func @transform_4(%arg0: i32) -> (i32, i32) {
    %c0_i32 = arith.constant 0 : i32
    %c0_i32_0 = arith.constant 0 : i32
    %c0_i32_1 = arith.constant 0 : i32
    return %c0_i32, %c0_i32_0 : i32, i32
  }
  func.func @transform_5(%arg0: i32) -> (i32, i32) {
    %c0_i32 = arith.constant 0 : i32
    %c0_i32_0 = arith.constant 0 : i32
    %c0_i32_1 = arith.constant 0 : i32
    return %c0_i32, %c0_i32_0 : i32, i32
  }
  func.func @transform_6(%arg0: i32) -> i32 {
    %c0_i32 = arith.constant 0 : i32
    %c0_i32_0 = arith.constant 0 : i32
    return %c0_i32 : i32
  }
  func.func @transform_7(%arg0: i32) -> (i32, i32) {
    %c0_i32 = arith.constant 0 : i32
    %c0_i32_0 = arith.constant 0 : i32
    %c0_i32_1 = arith.constant 0 : i32
    return %c0_i32, %c0_i32_0 : i32, i32
  }
}

</mosaic_0001>

<sc_bundles>
// kernel: kernel.11.cloned.1.call-start
scs
__scs_entry_jumppad:
0x0: {  	(pc) =	sbr.rel $0x88, $3  }
0x1: {  	(tag) =	ssettag $0x0;
	lr =	simm.s32 $0x1  }
0x2: {  	[smem:$0x3F98] =	sst lr;
	_ =	strace $0xD0000000  }
0x3: {  	_ = 	snop  }
0x4: {  	_ = 	snop  }
0x5: {  	_ = 	snop  }
0x6: {  	_ = 	snop  }
0x7: {  	_ = 	snop  }
__scs_overlays_trampoline_lowered:
0x8: {  	[smem:$0x3FA7] =	sst s0  }
0x9: {  	[smem:$0x3FA8] =	sst s1  }
0xa: {  	[smem:$0x3FA9] =	sst s2  }
0xb: {  	[smem:$0x3FAA] =	sst s3  }
0xc: {  	[smem:$0x3FAB] =	sst s4  }
0xd: {  	[smem:$0x3FAC] =	sst s5  }
0xe: {  	[smem:$0x3FAD] =	sst s6  }
0xf: {  	[smem:$0x3FAE] =	sst s7  }
0x10: {  	[smem:$0x3FAF] =	sst s8  }
0x11: {  	[smem:$0x3FB0] =	sst s9;
	s0 =	simm.s32 @!p0 $0x0  }
0x12: {  	s1 =	sld [smem:$0x3F96];
	s0 =	simm.s32 @p0 $0x1  }
0x13: {  	[smem:$0x3FB1] =	sst s0;
	s0 =	simm.s32 @!p1 $0x0  }
0x14: {  	s2 =	sld [smem:$0x3F95];
	s0 =	simm.s32 @p1 $0x1  }
0x15: {  	[smem:$0x3FB2] =	sst s0;
	s0 =	simm.s32 @!p2 $0x0  }
0x16: {  	s3 =	sld [smem:$0x3FDB];
	s0 =	simm.s32 @p2 $0x1  }
0x17: {  	s4 =	simm.s32 $0x1BF5;
	[smem:$0x3FB4] =	sst s0  }
0x18: {  	s0 =	sld [smem:$0x3F97];
	_ =	swait.ge [sflag:s4], $0x0  }
0x19: {  	s7 =	sld [smem:$0x3F98]  }
0x1a: {  	s8 =	sadd.s32 $0xFFFFE003, lr  }
0x1b: {  	s9 =	sadd.s32 $0xFFFFFEF7, lr;
	s5 =	simm.s32 $0xFFFFFFFF;
	p2 =	slt.u32 s8, $0xFFFFF086  }
0x1c: {  	p1 =	slt.u32 s9, $0xF7A;
	s5 =	simm.s32 @!p2 $0x0  }
0x1d: {  	s5 =	simm.s32 @p1 $0x1;
	p0 =	seq.s32 s7, s2  }
0x1e: {  	s7 =	smul.u32 @!p0 $0xF7A, s2;
	p2 =	seq.s32 @!p0 s5, $0x0  }
0x1f: {  	s9 =	smul.u32 $0xF7A, s1;
	s8 =	simm.s32 @!p0 $0x1BF5;
	p2 =	por !p2, p0  }
0x20: {  	[sflag:s8] =	ssyncset.s32 @!p0 $0xFFFFF086;
	s6 =	sadd.s32 @!p0 s3, s7;
	s7 =	simm.s32 @!p0 $0x108  }
0x21: {  	s3 =	sadd.s32 s3, s9;
	s6 =	sadd.s32 @!p0 $0x88, s6;
	s7 =	simm.s32 @p2 $0x1082  }
0x22: {  	[simem:s7], [sflag:s8] =	dma.local @!p0 [hbm:s6], $0xF7A  }
0x23: {  	s9 =	sor.u32 $0xD0000000, s2;
	s6 =	simm.s32 $0x108;
	_ =	swait.ge @!p0 [sflag:s8], $0x0  }
0x24: {  	s3 =	sadd.s32 $0x88, s3;
	s6 =	simm.s32 @!p1 $0x1082;
	[sflag:s4] =	ssyncset.s32 $0xFFFFF086  }
0x25: {  	[simem:s6], [sflag:s4] =	dma.local [hbm:s3], $0xF7A  }
0x26: {  	[smem:$0x3F98] =	sst s1;
	(tag) =	ssettag s2;
	_ =	strace s9  }
0x27: {  	s1 =	sld [smem:$0x3FA8]  }
0x28: {  	s2 =	sld [smem:$0x3FA9]  }
0x29: {  	s4 =	sld [smem:$0x3FAB]  }
0x2a: {  	p0 =	seq.s32 s5, $0x0;
	s5 =	sld [smem:$0x3FAC]  }
0x2b: {  	s6 =	sld [smem:$0x3FAD]  }
0x2c: {  	s7 =	sld [smem:$0x3FAE]  }
0x2d: {  	s3 =	simm.s32 $0x108;
	s8 =	sld [smem:$0x3FAF]  }
0x2e: {  	s3 =	simm.s32 @!p0 $0x1082;
	s9 =	sld [smem:$0x3FB0]  }
0x2f: {  	lr =	sadd.s32 s0, s3;
	s0 =	sld [smem:$0x3FA7]  }
0x30: {  	s3 =	sld [smem:$0x3FAA]  }
0x31: {  	[smem:$0x3FB3] =	sst s10  }
0x32: {  	s10 =	sld [smem:$0x3FB1];
	_ =	sdelay $0x3  }
0x33: {  	p0 =	seq.s32 s10, $0x1;
	s10 =	sld [smem:$0x3FB3];
	_ =	sdelay $0x3  }
0x34: {  	[smem:$0x3FB3] =	sst s10  }
0x35: {  	s10 =	sld [smem:$0x3FB2];
	_ =	sdelay $0x3  }
0x36: {  	p1 =	seq.s32 s10, $0x1;
	s10 =	sld [smem:$0x3FB3];
	_ =	sdelay $0x3  }
0x37: {  	[smem:$0x3FB3] =	sst s10  }
0x38: {  	s10 =	sld [smem:$0x3FB4]  }
0x39: {  	_ = 	snop;
	(pc) =	sbr.ind lr, $3  }
0x3a: {  	_ = 	snop  }
0x3b: {  	_ = 	snop  }
0x3c: {  	p2 =	seq.s32 s10, $0x1;
	s10 =	sld [smem:$0x3FB3]  }
0x3d: {  	_ =	shalt  }
0x3e: {  	_ =	shalt  }
0x3f: {  	_ =	shalt  }
0x40: {  	_ =	shalt  }
0x41: {  	_ =	shalt  }
0x42: {  	_ =	shalt  }
0x43: {  	_ =	shalt  }
0x44: {  	_ =	shalt  }
0x45: {  	_ =	shalt  }
0x46: {  	_ =	shalt  }
0x47: {  	_ =	shalt  }
0x48: {  	_ =	shalt  }
0x49: {  	_ =	shalt  }
0x4a: {  	_ =	shalt  }
0x4b: {  	_ =	shalt  }
0x4c: {  	_ =	shalt  }
0x4d: {  	_ =	shalt  }
0x4e: {  	_ =	shalt  }
0x4f: {  	_ =	shalt  }
0x50: {  	_ =	shalt  }
0x51: {  	_ =	shalt  }
0x52: {  	_ =	shalt  }
0x53: {  	_ =	shalt  }
0x54: {  	_ =	shalt  }
0x55: {  	_ =	shalt  }
0x56: {  	_ =	shalt  }
0x57: {  	_ =	shalt  }
0x58: {  	_ =	shalt  }
0x59: {  	_ =	shalt  }
0x5a: {  	_ =	shalt  }
0x5b: {  	_ =	shalt  }
0x5c: {  	_ =	shalt  }
0x5d: {  	_ =	shalt  }
0x5e: {  	_ =	shalt  }
0x5f: {  	_ =	shalt  }
0x60: {  	_ =	shalt  }
0x61: {  	_ =	shalt  }
0x62: {  	_ =	shalt  }
0x63: {  	_ =	shalt  }
0x64: {  	_ =	shalt  }
0x65: {  	_ =	shalt  }
0x66: {  	_ =	shalt  }
0x67: {  	_ =	shalt  }
0x68: {  	_ =	shalt  }
0x69: {  	_ =	shalt  }
0x6a: {  	_ =	shalt  }
0x6b: {  	_ =	shalt  }
0x6c: {  	_ =	shalt  }
0x6d: {  	_ =	shalt  }
0x6e: {  	_ =	shalt  }
0x6f: {  	_ =	shalt  }
0x70: {  	_ =	shalt  }
0x71: {  	_ =	shalt  }
0x72: {  	_ =	shalt  }
0x73: {  	_ =	shalt  }
0x74: {  	_ =	shalt  }
0x75: {  	_ =	shalt  }
0x76: {  	_ =	shalt  }
0x77: {  	_ =	shalt  }
0x78: {  	_ =	shalt  }
0x79: {  	_ =	shalt  }
0x7a: {  	_ =	shalt  }
0x7b: {  	_ =	shalt  }
0x7c: {  	_ =	shalt  }
0x7d: {  	_ =	shalt  }
0x7e: {  	_ =	shalt  }
0x7f: {  	_ =	shalt  }
0x80: {  	_ =	shalt  }
0x81: {  	_ =	shalt  }
0x82: {  	_ =	shalt  }
0x83: {  	_ =	shalt  }
0x84: {  	_ =	shalt  }
0x85: {  	_ =	shalt  }
0x86: {  	_ =	shalt  }
0x87: {  	_ =	shalt  }
.Lfunc_end0:
.L_simem_size_0:
called_computation.1_lowered:
.L_overlay_start_0:
0x88: {  	s2 =	sld [smem:$0x3FD9]  }
0x89: {  	s3 =	sld [smem:$0x3FFE];
	_ =	sdelay $0x1  }
0x8a: {  	s1 =	srdreg.scid  }
0x8b: {  	s0 =	sand.u32 $0x1, s1  }
0x8c: {  	s16 =	sshll.u32 s0, $0xA;
	s2 =	sadd.s32 s3, s2  }
0x8d: {  	s2 =	sadd.s32 s2, s16  }
0x8e: {  	[smem:$0x3FBF] =	sst s2  }
0x8f: {  	_ = 	snop  }
0x90: {  	(tm) =	ssettm $0x1  }
0x91: {  	s17 =	sld [smem:$0x3FFB];
	_ =	sdelay $0x3  }
0x92: {  	_ =	strace s17  }
0x93: {  	s2 =	sld [smem:$0x3FFC];
	_ =	sdelay $0x3  }
0x94: {  	_ =	strace s2  }
0x95: {  	s2 =	sld [smem:$0x3FFD];
	_ =	sdelay $0x3  }
0x96: {  	_ =	strace s2  }
0x97: {  	_ =	strace $0x8FFFFFFF  }
0x98: {  	s18 =	sld [smem:$0x3FDB];
	_ =	sdelay $0x1  }
0x99: {  	s19 =	simm.s32 $_scs_section_size  }
0x9a: {  	s4 =	simm.s32 $_size__tile_overlayer_lowered;
	s5 =	simm.s32 $_tile_overlayer_lowered  }
0x9b: {  	s22 =	simm.s32 $0x1BFF;
	s21 =	sshll.u32 s5, $0x1;
	s2 =	sadd.s32 s19, s18  }
0x9c: {  	s6 =	simm.s32 $0x0;
	s20 =	sshll.u32 s4, $0x1;
	s4 =	sadd.s32 s21, s2  }
0x9d: {  	[timem:s6], [sflag:s22] =	dma.local [hbm:s4], s20  }
0x9e: {  	_ =	swait.ge [sflag:s22], s20  }
0x9f: {  	s3 =	ssub.s32 $0x0, s20;
	[sflag:s22] =	ssyncset.done $0x0  }
0xa0: {  	[sflag:s22] =	ssyncadd.s32 s3;
	_ =	sdelay $0x1  }
0xa1: {  	s23 =	simm.s32 $0x1B8B  }
0xa2: {  	_ =	swait.ge [sflag:s23], $0x1  }
0xa3: {  	[sflag:s23] =	ssyncset.done $0x0  }
0xa4: {  	s25 =	simm.s32 $0x1B8E;
	s24 =	sld [smem:$0x3FFE];
	[sflag:s23] =	ssyncadd.s32 $0xFFFFFFFF  }
0xa5: {  	s26 =	simm.s32 $execute0_lowered;
	[smem:$0x3FD2] =	sst s25  }
0xa6: {  	s4 =	sshll.u32 s26, $0x1;
	_ =	strace $0x80000049;
	[dreg:$0x1] =	wrdreg $0xFFFFFFFF  }
0xa7: {  	s28 =	simm.s32 $_size_execute0_lowered;
	s2 =	sadd.s32 s2, s4;
	[dreg:$0x0] =	wrdreg $0x0  }
0xa8: {  	s4 =	sshll.u32 s28, $0x1;
	[dreg:$0x2] =	wrdreg s2  }
0xa9: {  	[dreg:$0x3] =	wrdreg s4  }
0xaa: {  	[dreg:$0x4] =	wrdreg $0xC0  }
0xab: {  	_ =	task [dreg:s6], $0x5FFFF  }
0xac: {  	[dreg:$0x1] =	wrdreg $0xFFFFFFFF  }
0xad: {  	[dreg:$0x0] =	wrdreg $0x60  }
0xae: {  	[dreg:$0x2] =	wrdreg s24  }
0xaf: {  	[dreg:$0x3] =	wrdreg $0xB7800  }
0xb0: {  	[dreg:$0x4] =	wrdreg $0x9  }
0xb1: {  	_ =	task.clear_ibuf [dreg:s6], $0x5FFFF;
	_ =	strace $0x90000049  }
0xb2: {  	s29 =	simm.s32 $0x9;
	_ =	strace $0x8000004B  }
0xb3: {  	_ =	swait.ge [sflag:s29], $0x1  }
0xb4: {  	[sflag:s29] =	ssyncadd.s32 $0xFFFFFFFF  }
0xb5: {  	_ =	strace $0x9000004B  }
0xb6: {  	_ =	sfence  }
0xb7: {  	s30 =	sld [smem:$0x0];
	_ =	sdelay $0x2  }
0xb8: {  	s31 =	sshll.u32 s1, $0xD;
	s1 =	sshrl.u32 s1, $0x2  }
0xb9: {  	s3 =	sand.u32 $0x4000, s31;
	s1 =	sadd.s32 s1, s30  }
0xba: {  	s0 =	sor.u32 s3, s0;
	s1 =	sshll.u32 s1, $0x11  }
0xbb: {  	s0 =	sor.u32 s1, s0  }
0xbc: {  	s0 =	sadd.s32 $0x8F2B, s0  }
0xbd: {  	[sflag:s0] =	ssyncadd.remote.s32 $0x1  }
0xbe: {  	_ =	sfence.sel $0xFFFF  }
0xbf: {  	[dreg:$0x0] =	wrdreg $0xFFFFFFFF;
	(pc) =	sbr.abs _section_cstart, $3  }
0xc0: {  	[dreg:$0x1] =	wrdreg $0xFFFFFFFF  }
0xc1: {  	_ =	task.clear_ibuf [dreg:s6], $0x2FFFF;
	_ =	strace $0x9FFFFFFF  }
0xc2: {  	(tm) =	ssettm $0x7FFFFFFF  }
0xc3: {  	_ =	shalt  }
tec
execute0_lowered:
.L_overlay_start_1:
0x0: {  	(tag) =	ssettag $0x1  }
0x1: {  	s0 =	srdreg.scid;
	s6 =	rddreg [dreg:$0x0]  }
0x2: {  	s2 =	rddreg [dreg:$0x1];
	s3 =	simm.s32 $0x0;
	s17 =	simm.s32 $0x6780  }
0x3: {  	s18 =	simm.s32 $0x2;
	s19 =	simm.s32 $0x2780;
	s20 =	simm.s32 $0x1  }
0x4: {  	s21 =	simm.s32 $0x50;
	s22 =	simm.s32 $0x8F80;
	s23 =	simm.s32 $0x6480  }
0x5: {  	s24 =	simm.s32 $0x26C0;
	s25 =	simm.s32 $0x6500;
	s26 =	simm.s32 $0x6580  }
0x6: {  	s5 =	sand.u32 $0x1, s0;
	s0 =	stileid.u32;
	[smem:$0x7FF] =	sst s3  }
0x7: {  	s4 =	sadd.s32 $0x1C800, s6;
	s1 =	sshll.u32 s5, $0x4;
	s9 =	smul.u32 $0x140000, s5  }
0x8: {  	_ =	strace $0x8000004A;
	s10 =	smul.u32 $0x14000, s0;
	s5 =	ssub.s32 $0x2, s5  }
0x9: {  	s29 =	smul.u32 $0x50000, s0;
	s7 =	sor.u32 s0, s1;
	s31 =	sshrl.u32 s5, $0x1  }
0xa: {  	s8 =	smul.u32 $0x4E2, s7;
	s7 =	sshll.u32 s7, $0xB;
	s30 =	sadd.s32 s10, s9  }
0xb: {  	s16 =	ssub.s32 s5, s31;
	s14 =	sadd.s32 s7, s6;
	s7 =	sshrl.u32 s30, $0x3  }
0xc: {  	s16 =	smax.u32 s16, $0x1;
	s13 =	sadd.s32 s8, s6;
	s8 =	sshrl.u32 s29, $0x2  }
0xd: {  	s15 =	sadd.s32 s7, s6;
	s14 =	sadd.s32 $0xC800, s14;
	s5 =	sadd.s32 s8, s2  }
0xe: {  	s13 =	sadd.s32 $0x2A00, s13;
	s15 =	sadd.s32 $0x44800, s15;
	s6 =	sadd.s32 $0x2800, s5  }
0xf: {  	s7 =	sadd.s32 $0x5000, s5;
	s8 =	sadd.s32 $0x7800, s5;
	s9 =	sadd.s32 $0xA000, s5  }
0x10: {  	v0 =	vimm.f32 $0.0e+00;
	s10 =	sadd.s32 $0xC800, s5;
	s11 =	sadd.s32 $0xF000, s5;
	s12 =	sadd.s32 $0x11800, s5  }
.LBB2_1:
0x11: {  	s28 =	simm.s32 $0x0;
	s29 =	simm.s32 $0x200  }
.LBB2_2:
0x12: {  	p0 =	sne.s32 s29, $0x9E00;
	[tilespmem:s28+$0x67F0] =	vst v0  }
0x13: {  	[tilespmem:s28+$0x6780] =	vst v0  }
0x14: {  	[tilespmem:s28+$0x6790] =	vst v0  }
.Ltmp0:
0x15: {  	[tilespmem:s28+$0x67A0] =	vst v0;
	(pc) =	sbr.rel @p0 .LBB2_2-.Ltmp0, $4  }
0x16: {  	[tilespmem:s28+$0x67B0] =	vst v0  }
0x17: {  	[tilespmem:s28+$0x67C0] =	vst v0  }
0x18: {  	[tilespmem:s28+$0x67D0] =	vst v0  }
0x19: {  	[tilespmem:s28+$0x67E0] =	vst v0;
	s28 =	sshra.s32 s29, $0x2;
	s29 =	sadd.s32 $0x200, s29  }
0x1a: {  	[tilespmem:s28+$0x67F0] =	vst v0  }
0x1b: {  	[tilespmem:s28+$0x6780] =	vst v0  }
0x1c: {  	[tilespmem:s28+$0x6790] =	vst v0  }
0x1d: {  	[tilespmem:s28+$0x67A0] =	vst v0  }
0x1e: {  	[tilespmem:s28+$0x67B0] =	vst v0  }
0x1f: {  	[tilespmem:s28+$0x67C0] =	vst v0  }
0x20: {  	[tilespmem:s28+$0x67D0] =	vst v0  }
0x21: {  	[tilespmem:s28+$0x67E0] =	vst v0  }
0x22: {  	[spmem:s5] =	stream.linear.scatter [tilespmem:s17], [sflag:$0x1], $0x2800, $0x38;
	[tilespmem:$0x1F780] =	vst v63  }
0x23: {  	_ = 	snop  }
0x24: {  	[spmem:s6] =	stream.linear.scatter [tilespmem:s17], [sflag:$0x1], $0x2800, $0x38;
	[tilespmem:$0x1F780] =	vst v63  }
0x25: {  	_ = 	snop  }
0x26: {  	[spmem:s7] =	stream.linear.scatter [tilespmem:s17], [sflag:$0x1], $0x2800, $0x38;
	[tilespmem:$0x1F780] =	vst v63  }
0x27: {  	_ = 	snop  }
0x28: {  	[spmem:s8] =	stream.linear.scatter [tilespmem:s17], [sflag:$0x1], $0x2800, $0x38;
	[tilespmem:$0x1F780] =	vst v63  }
0x29: {  	_ = 	snop  }
0x2a: {  	[spmem:s9] =	stream.linear.scatter [tilespmem:s17], [sflag:$0x1], $0x2800, $0x38;
	[tilespmem:$0x1F780] =	vst v63  }
0x2b: {  	_ = 	snop  }
0x2c: {  	[spmem:s10] =	stream.linear.scatter [tilespmem:s17], [sflag:$0x1], $0x2800, $0x38;
	[tilespmem:$0x1F780] =	vst v63  }
0x2d: {  	_ = 	snop  }
0x2e: {  	[spmem:s11] =	stream.linear.scatter [tilespmem:s17], [sflag:$0x1], $0x2800, $0x38;
	[tilespmem:$0x1F780] =	vst v63  }
0x2f: {  	_ = 	snop  }
0x30: {  	[spmem:s12] =	stream.linear.scatter [tilespmem:s17], [sflag:$0x1], $0x2800, $0x38;
	[tilespmem:$0x1F780] =	vst v63  }
0x31: {  	s28 =	simm.s32 $0x0  }
0x32: {  	[tilespmem:s28], [sflag:$0x2] =	stream.linear.gather [hbm4b:s13+s28], $0x2710, $0x38;
	[tilespmem:$0x1F780] =	vst v63  }
0x33: {  	_ =	swait.ge [sflag:s18], $0x2710  }
0x34: {  	[sflag:s18] =	ssyncset.done $0x0  }
0x35: {  	[sflag:s18] =	ssyncadd.s32 $0xFFFFD8F0  }
0x36: {  	[tilespmem:s19], [sflag:$0x2] =	stream.linear.gather [hbm4b:s14+s28], $0x3E80, $0x38;
	[tilespmem:$0x1F780] =	vst v63  }
0x37: {  	_ =	swait.ge [sflag:s18], $0x3E80  }
0x38: {  	[sflag:s18] =	ssyncset.done $0x0  }
0x39: {  	[sflag:s18] =	ssyncadd.s32 $0xFFFFC180  }
0x3a: {  	_ =	swait.ge [sflag:s20], $0x2800  }
0x3b: {  	[sflag:s20] =	ssyncset.done $0x0  }
0x3c: {  	[sflag:s20] =	ssyncadd.s32 $0xFFFFD800  }
0x3d: {  	_ =	swait.ge [sflag:s20], $0x2800  }
0x3e: {  	[sflag:s20] =	ssyncset.done $0x0  }
0x3f: {  	[sflag:s20] =	ssyncadd.s32 $0xFFFFD800  }
0x40: {  	_ =	swait.ge [sflag:s20], $0x2800  }
0x41: {  	[sflag:s20] =	ssyncset.done $0x0  }
0x42: {  	[sflag:s20] =	ssyncadd.s32 $0xFFFFD800  }
0x43: {  	_ =	swait.ge [sflag:s20], $0x2800  }
0x44: {  	[sflag:s20] =	ssyncset.done $0x0  }
0x45: {  	[sflag:s20] =	ssyncadd.s32 $0xFFFFD800  }
0x46: {  	_ =	swait.ge [sflag:s20], $0x2800  }
0x47: {  	[sflag:s20] =	ssyncset.done $0x0  }
0x48: {  	[sflag:s20] =	ssyncadd.s32 $0xFFFFD800  }
0x49: {  	_ =	swait.ge [sflag:s20], $0x2800  }
0x4a: {  	[sflag:s20] =	ssyncset.done $0x0  }
0x4b: {  	[sflag:s20] =	ssyncadd.s32 $0xFFFFD800  }
0x4c: {  	_ =	swait.ge [sflag:s20], $0x2800  }
0x4d: {  	[sflag:s20] =	ssyncset.done $0x0  }
0x4e: {  	[sflag:s20] =	ssyncadd.s32 $0xFFFFD800  }
0x4f: {  	_ =	swait.ge [sflag:s20], $0x2800  }
0x50: {  	[sflag:s20] =	ssyncset.done $0x0  }
0x51: {  	[sflag:s20] =	ssyncadd.s32 $0xFFFFD800  }
0x52: {  	[bflag:$0x0] =	sbarrier.arrive $0xFFFF  }
0x53: {  	[tilespmem:s17], [sflag:$0x1] =	stream.indirect.gather [hbm4b:s4+s21], $0x80, s28, s21, $0xb8;
	[tilespmem:$0x1F780] =	vst v63  }
0x54: {  	_ = 	snop  }
0x55: {  	[tilespmem:s22], [sflag:$0x1] =	stream.indirect.gather [hbm4b:s4+s21], $0x80, s21, s21, $0xb8;
	[tilespmem:$0x1F780] =	vst v63  }
0x56: {  	_ =	swait.ge [sflag:s20], $0x2800  }
0x57: {  	[sflag:s20] =	ssyncset.done $0x0  }
0x58: {  	s28 =	simm.s32 $0x2780;
	[sflag:s20] =	ssyncadd.s32 $0xFFFFD800  }
0x59: {  	[spmem:s2] =	stream.indirect.scatter.add.f32 [tilespmem:s17], [sflag:$0x2], $0x80, s28, s21, $0xb8;
	[tilespmem:$0x1F780] =	vst v63  }
0x5a: {  	_ =	swait.ge [sflag:s18], $0x2800  }
0x5b: {  	[sflag:s18] =	ssyncset.done $0x0  }
0x5c: {  	s28 =	simm.s32 $0xA0;
	[sflag:s18] =	ssyncadd.s32 $0xFFFFD800  }
0x5d: {  	[tilespmem:s17], [sflag:$0x1] =	stream.indirect.gather [hbm4b:s4+s21], $0x80, s28, s21, $0xb8;
	[tilespmem:$0x1F780] =	vst v63  }
0x5e: {  	_ =	swait.ge [sflag:s20], $0x2800  }
0x5f: {  	[sflag:s20] =	ssyncset.done $0x0  }
0x60: {  	s28 =	simm.s32 $0x2800;
	[sflag:s20] =	ssyncadd.s32 $0xFFFFD800  }
0x61: {  	[spmem:s2] =	stream.indirect.scatter.add.f32 [tilespmem:s22], [sflag:$0x2], $0x80, s28, s21, $0xb8;
	[tilespmem:$0x1F780] =	vst v63  }
0x62: {  	_ =	swait.ge [sflag:s18], $0x2800  }
0x63: {  	s29 =	simm.s32 $0x400;
	[sflag:s18] =	ssyncset.done $0x0  }
0x64: {  	s30 =	simm.s32 $0x190;
	s28 =	simm.s32 $0xF0;
	[sflag:s18] =	ssyncadd.s32 $0xFFFFD800  }
.LBB2_4:
0x65: {  	[tilespmem:s22], [sflag:$0x1] =	stream.indirect.gather [hbm4b:s4+s21], $0x80, s28, s21, $0xb8;
	[tilespmem:$0x1F780] =	vst v63  }
0x66: {  	s31 =	smov.u32 s29;
	s28 =	smov.u32 s30  }
0x67: {  	p0 =	sne.s32 s29, $0xF000;
	s29 =	sadd.s32 $0x400, s29;
	_ =	swait.ge [sflag:s20], $0x2800  }
0x68: {  	s31 =	sshra.s32 s31, $0x2;
	[sflag:s20] =	ssyncset.done $0x0  }
0x69: {  	s1 =	sadd.s32 $0x2780, s31;
	[sflag:s20] =	ssyncadd.s32 $0xFFFFD800  }
0x6a: {  	[spmem:s2] =	stream.indirect.scatter.add.f32 [tilespmem:s17], [sflag:$0x2], $0x80, s1, s21, $0xb8;
	[tilespmem:$0x1F780] =	vst v63  }
0x6b: {  	_ =	swait.ge [sflag:s18], $0x2800  }
0x6c: {  	[sflag:s18] =	ssyncset.done $0x0  }
0x6d: {  	s1 =	sadd.s32 $0xFFFFFFB0, s30;
	[sflag:s18] =	ssyncadd.s32 $0xFFFFD800  }
0x6e: {  	[tilespmem:s17], [sflag:$0x1] =	stream.indirect.gather [hbm4b:s4+s21], $0x80, s1, s21, $0xb8;
	[tilespmem:$0x1F780] =	vst v63  }
0x6f: {  	_ =	swait.ge [sflag:s20], $0x2800  }
0x70: {  	[sflag:s20] =	ssyncset.done $0x0  }
.Ltmp1:
0x71: {  	s1 =	sadd.s32 $0x2800, s31;
	[sflag:s20] =	ssyncadd.s32 $0xFFFFD800;
	(pc) =	sbr.rel @p0 .LBB2_4-.Ltmp1, $4  }
0x72: {  	[spmem:s2] =	stream.indirect.scatter.add.f32 [tilespmem:s22], [sflag:$0x2], $0x80, s1, s21, $0xb8;
	[tilespmem:$0x1F780] =	vst v63  }
0x73: {  	_ =	swait.ge [sflag:s18], $0x2800  }
0x74: {  	[sflag:s18] =	ssyncset.done $0x0  }
0x75: {  	s30 =	sadd.s32 $0xA0, s30;
	[sflag:s18] =	ssyncadd.s32 $0xFFFFD800  }
0x76: {  	[tilespmem:s22], [sflag:$0x1] =	stream.indirect.gather [hbm4b:s4+s21], $0x80, s28, s21, $0xb8;
	[tilespmem:$0x1F780] =	vst v63  }
0x77: {  	_ =	swait.ge [sflag:s20], $0x2800  }
0x78: {  	[sflag:s20] =	ssyncset.done $0x0  }
0x79: {  	[sflag:s20] =	ssyncadd.s32 $0xFFFFD800  }
0x7a: {  	[spmem:s2] =	stream.indirect.scatter.add.f32 [tilespmem:s17], [sflag:$0x2], $0x80, s23, s21, $0xb8;
	[tilespmem:$0x1F780] =	vst v63  }
0x7b: {  	_ =	swait.ge [sflag:s18], $0x2800  }
0x7c: {  	[sflag:s18] =	ssyncset.done $0x0  }
0x7d: {  	[sflag:s18] =	ssyncadd.s32 $0xFFFFD800  }
0x7e: {  	[tilespmem:s17], [sflag:$0x1] =	stream.indirect.gather [hbm4b:s4+s21], $0x80, s24, s21, $0xb8;
	[tilespmem:$0x1F780] =	vst v63  }
0x7f: {  	_ =	swait.ge [sflag:s20], $0x2800  }
0x80: {  	[sflag:s20] =	ssyncset.done $0x0  }
0x81: {  	[sflag:s20] =	ssyncadd.s32 $0xFFFFD800  }
0x82: {  	[spmem:s2] =	stream.indirect.scatter.add.f32 [tilespmem:s22], [sflag:$0x2], $0x80, s25, s21, $0xb8;
	[tilespmem:$0x1F780] =	vst v63  }
0x83: {  	_ =	swait.ge [sflag:s18], $0x2800  }
0x84: {  	[sflag:s18] =	ssyncset.done $0x0  }
0x85: {  	[sflag:s18] =	ssyncadd.s32 $0xFFFFD800  }
0x86: {  	_ =	swait.ge [sflag:s20], $0x2800  }
0x87: {  	[sflag:s20] =	ssyncset.done $0x0  }
0x88: {  	[sflag:s20] =	ssyncadd.s32 $0xFFFFD800  }
0x89: {  	[spmem:s2] =	stream.indirect.scatter.add.f32 [tilespmem:s17], [sflag:$0x2], $0x80, s26, s21, $0xb8;
	[tilespmem:$0x1F780] =	vst v63  }
0x8a: {  	_ =	swait.ge [sflag:s18], $0x2800  }
0x8b: {  	s1 =	sshll.u32 s0, $0x6;
	s3 =	sadd.s32 $0x1, s3;
	[sflag:s18] =	ssyncset.done $0x0  }
0x8c: {  	s31 =	sshrl.u32 s5, $0x3;
	p0 =	sne.s32 s3, s16;
	[sflag:s18] =	ssyncadd.s32 $0xFFFFD800  }
.Ltmp2:
0x8d: {  	s1 =	sor.u32 $0x1C02, s1;
	[bflag:$0x0] =	sbarrier.arrive $0xFFFF;
	(pc) =	sbr.rel @p0 .LBB2_1-.Ltmp2, $4  }
0x8e: {  	[hbm:s15], [sflag:s1] =	dma.local [spmem:s31], $0x2800  }
0x8f: {  	_ =	swait.ge [sflag:s18], $0x2800  }
0x90: {  	[sflag:s18] =	ssyncset.done $0x0  }
0x91: {  	[sflag:s18] =	ssyncadd.s32 $0xFFFFD800  }
0x92: {  	_ =	sfence.sel $0x180000  }
0x93: {  	[bflag:$0x0] =	sbarrier.arrive $0xFFFF  }
0x94: {  	_ =	strace $0x9000004A  }
0x95: {  	[bflag:$0x2] =	sbarrier.arrive $0xFFFF  }
0x96: {  	p0 =	sne.s32 s0, $0x0;
	s0 =	rddreg [dreg:$0x2]  }
0x97: {  	s0 =	sadd.s32 @!p0 $0x100000, s0  }
0x98: {  	[sflag:s0] =	ssyncadd.tile.s32 @!p0 $0x1;
	_ =	shalt  }
.Lfunc_end2:
_tile_overlayer_lowered:
.L_overlay_start_2:
0x99: {  	(tag) =	ssettag $0x2  }
0x9a: {  	s0 =	rddreg [dreg:$0x0];
	s2 =	stileid.u32  }
0x9b: {  	s1 =	rddreg [dreg:$0x1];
	p0 =	sne.s32 s2, $0x0  }
0x9c: {  	s3 =	rddreg [dreg:$0x2];
	[bflag:$0x3] =	sbarrier.arrive $0xFFFF;
	s2 =	simm.s32 @!p0 $0x1C02  }
0x9d: {  	[timem:s3], [sflag:s2] =	dma.local @!p0 [hbm:s0], s1  }
0x9e: {  	s0 =	simm.s32 @!p0 $0x2  }
0x9f: {  	_ =	swait.ge @!p0 [sflag:s0], s1  }
0xa0: {  	s1 =	ssub.s32 @!p0 $0x0, s1;
	[sflag:s0] =	ssyncset.done @!p0 $0x0  }
0xa1: {  	[sflag:s0] =	ssyncadd.s32 @!p0 s1  }
0xa2: {  	[bflag:$0x3] =	sbarrier.arrive $0xFFFF  }
0xa3: {  	_ =	shalt  }

// kernel: kernel.14.cloned.1.call-start
scs
__scs_entry_jumppad:
0x0: {  	(pc) =	sbr.rel $0x88, $3  }
0x1: {  	(tag) =	ssettag $0x0;
	lr =	simm.s32 $0x1  }
0x2: {  	[smem:$0x3F98] =	sst lr;
	_ =	strace $0xD0000000  }
0x3: {  	_ = 	snop  }
0x4: {  	_ = 	snop  }
0x5: {  	_ = 	snop  }
0x6: {  	_ = 	snop  }
0x7: {  	_ = 	snop  }
__scs_overlays_trampoline_lowered:
0x8: {  	[smem:$0x3FA7] =	sst s0  }
0x9: {  	[smem:$0x3FA8] =	sst s1  }
0xa: {  	[smem:$0x3FA9] =	sst s2  }
0xb: {  	[smem:$0x3FAA] =	sst s3  }
0xc: {  	[smem:$0x3FAB] =	sst s4  }
0xd: {  	[smem:$0x3FAC] =	sst s5  }
0xe: {  	[smem:$0x3FAD] =	sst s6  }
0xf: {  	[smem:$0x3FAE] =	sst s7  }
0x10: {  	[smem:$0x3FAF] =	sst s8  }
0x11: {  	[smem:$0x3FB0] =	sst s9;
	s0 =	simm.s32 @!p0 $0x0  }
0x12: {  	s1 =	sld [smem:$0x3F96];
	s0 =	simm.s32 @p0 $0x1  }
0x13: {  	[smem:$0x3FB1] =	sst s0;
	s0 =	simm.s32 @!p1 $0x0  }
0x14: {  	s2 =	sld [smem:$0x3F95];
	s0 =	simm.s32 @p1 $0x1  }
0x15: {  	[smem:$0x3FB2] =	sst s0;
	s0 =	simm.s32 @!p2 $0x0  }
0x16: {  	s3 =	sld [smem:$0x3FDB];
	s0 =	simm.s32 @p2 $0x1  }
0x17: {  	s4 =	simm.s32 $0x1BF5;
	[smem:$0x3FB4] =	sst s0  }
0x18: {  	s0 =	sld [smem:$0x3F97];
	_ =	swait.ge [sflag:s4], $0x0  }
0x19: {  	s7 =	sld [smem:$0x3F98]  }
0x1a: {  	s8 =	sadd.s32 $0xFFFFE003, lr  }
0x1b: {  	s9 =	sadd.s32 $0xFFFFFEF7, lr;
	s5 =	simm.s32 $0xFFFFFFFF;
	p2 =	slt.u32 s8, $0xFFFFF086  }
0x1c: {  	p1 =	slt.u32 s9, $0xF7A;
	s5 =	simm.s32 @!p2 $0x0  }
0x1d: {  	s5 =	simm.s32 @p1 $0x1;
	p0 =	seq.s32 s7, s2  }
0x1e: {  	s7 =	smul.u32 @!p0 $0xF7A, s2;
	p2 =	seq.s32 @!p0 s5, $0x0  }
0x1f: {  	s9 =	smul.u32 $0xF7A, s1;
	s8 =	simm.s32 @!p0 $0x1BF5;
	p2 =	por !p2, p0  }
0x20: {  	[sflag:s8] =	ssyncset.s32 @!p0 $0xFFFFF086;
	s6 =	sadd.s32 @!p0 s3, s7;
	s7 =	simm.s32 @!p0 $0x108  }
0x21: {  	s3 =	sadd.s32 s3, s9;
	s6 =	sadd.s32 @!p0 $0x88, s6;
	s7 =	simm.s32 @p2 $0x1082  }
0x22: {  	[simem:s7], [sflag:s8] =	dma.local @!p0 [hbm:s6], $0xF7A  }
0x23: {  	s9 =	sor.u32 $0xD0000000, s2;
	s6 =	simm.s32 $0x108;
	_ =	swait.ge @!p0 [sflag:s8], $0x0  }
0x24: {  	s3 =	sadd.s32 $0x88, s3;
	s6 =	simm.s32 @!p1 $0x1082;
	[sflag:s4] =	ssyncset.s32 $0xFFFFF086  }
0x25: {  	[simem:s6], [sflag:s4] =	dma.local [hbm:s3], $0xF7A  }
0x26: {  	[smem:$0x3F98] =	sst s1;
	(tag) =	ssettag s2;
	_ =	strace s9  }
0x27: {  	s1 =	sld [smem:$0x3FA8]  }
0x28: {  	s2 =	sld [smem:$0x3FA9]  }
0x29: {  	s4 =	sld [smem:$0x3FAB]  }
0x2a: {  	p0 =	seq.s32 s5, $0x0;
	s5 =	sld [smem:$0x3FAC]  }
0x2b: {  	s6 =	sld [smem:$0x3FAD]  }
0x2c: {  	s7 =	sld [smem:$0x3FAE]  }
0x2d: {  	s3 =	simm.s32 $0x108;
	s8 =	sld [smem:$0x3FAF]  }
0x2e: {  	s3 =	simm.s32 @!p0 $0x1082;
	s9 =	sld [smem:$0x3FB0]  }
0x2f: {  	lr =	sadd.s32 s0, s3;
	s0 =	sld [smem:$0x3FA7]  }
0x30: {  	s3 =	sld [smem:$0x3FAA]  }
0x31: {  	[smem:$0x3FB3] =	sst s10  }
0x32: {  	s10 =	sld [smem:$0x3FB1];
	_ =	sdelay $0x3  }
0x33: {  	p0 =	seq.s32 s10, $0x1;
	s10 =	sld [smem:$0x3FB3];
	_ =	sdelay $0x3  }
0x34: {  	[smem:$0x3FB3] =	sst s10  }
0x35: {  	s10 =	sld [smem:$0x3FB2];
	_ =	sdelay $0x3  }
0x36: {  	p1 =	seq.s32 s10, $0x1;
	s10 =	sld [smem:$0x3FB3];
	_ =	sdelay $0x3  }
0x37: {  	[smem:$0x3FB3] =	sst s10  }
0x38: {  	s10 =	sld [smem:$0x3FB4]  }
0x39: {  	_ = 	snop;
	(pc) =	sbr.ind lr, $3  }
0x3a: {  	_ = 	snop  }
0x3b: {  	_ = 	snop  }
0x3c: {  	p2 =	seq.s32 s10, $0x1;
	s10 =	sld [smem:$0x3FB3]  }
0x3d: {  	_ =	shalt  }
0x3e: {  	_ =	shalt  }
0x3f: {  	_ =	shalt  }
0x40: {  	_ =	shalt  }
0x41: {  	_ =	shalt  }
0x42: {  	_ =	shalt  }
0x43: {  	_ =	shalt  }
0x44: {  	_ =	shalt  }
0x45: {  	_ =	shalt  }
0x46: {  	_ =	shalt  }
0x47: {  	_ =	shalt  }
0x48: {  	_ =	shalt  }
0x49: {  	_ =	shalt  }
0x4a: {  	_ =	shalt  }
0x4b: {  	_ =	shalt  }
0x4c: {  	_ =	shalt  }
0x4d: {  	_ =	shalt  }
0x4e: {  	_ =	shalt  }
0x4f: {  	_ =	shalt  }
0x50: {  	_ =	shalt  }
0x51: {  	_ =	shalt  }
0x52: {  	_ =	shalt  }
0x53: {  	_ =	shalt  }
0x54: {  	_ =	shalt  }
0x55: {  	_ =	shalt  }
0x56: {  	_ =	shalt  }
0x57: {  	_ =	shalt  }
0x58: {  	_ =	shalt  }
0x59: {  	_ =	shalt  }
0x5a: {  	_ =	shalt  }
0x5b: {  	_ =	shalt  }
0x5c: {  	_ =	shalt  }
0x5d: {  	_ =	shalt  }
0x5e: {  	_ =	shalt  }
0x5f: {  	_ =	shalt  }
0x60: {  	_ =	shalt  }
0x61: {  	_ =	shalt  }
0x62: {  	_ =	shalt  }
0x63: {  	_ =	shalt  }
0x64: {  	_ =	shalt  }
0x65: {  	_ =	shalt  }
0x66: {  	_ =	shalt  }
0x67: {  	_ =	shalt  }
0x68: {  	_ =	shalt  }
0x69: {  	_ =	shalt  }
0x6a: {  	_ =	shalt  }
0x6b: {  	_ =	shalt  }
0x6c: {  	_ =	shalt  }
0x6d: {  	_ =	shalt  }
0x6e: {  	_ =	shalt  }
0x6f: {  	_ =	shalt  }
0x70: {  	_ =	shalt  }
0x71: {  	_ =	shalt  }
0x72: {  	_ =	shalt  }
0x73: {  	_ =	shalt  }
0x74: {  	_ =	shalt  }
0x75: {  	_ =	shalt  }
0x76: {  	_ =	shalt  }
0x77: {  	_ =	shalt  }
0x78: {  	_ =	shalt  }
0x79: {  	_ =	shalt  }
0x7a: {  	_ =	shalt  }
0x7b: {  	_ =	shalt  }
0x7c: {  	_ =	shalt  }
0x7d: {  	_ =	shalt  }
0x7e: {  	_ =	shalt  }
0x7f: {  	_ =	shalt  }
0x80: {  	_ =	shalt  }
0x81: {  	_ =	shalt  }
0x82: {  	_ =	shalt  }
0x83: {  	_ =	shalt  }
0x84: {  	_ =	shalt  }
0x85: {  	_ =	shalt  }
0x86: {  	_ =	shalt  }
0x87: {  	_ =	shalt  }
.Lfunc_end0:
.L_simem_size_0:
called_computation.2_lowered:
.L_overlay_start_0:
0x88: {  	s2 =	sld [smem:$0x3FD9]  }
0x89: {  	s3 =	sld [smem:$0x3FFE];
	_ =	sdelay $0x1  }
0x8a: {  	s1 =	srdreg.scid  }
0x8b: {  	s0 =	sand.u32 $0x1, s1  }
0x8c: {  	s16 =	sshll.u32 s0, $0xA;
	s2 =	sadd.s32 s3, s2  }
0x8d: {  	s2 =	sadd.s32 s2, s16  }
0x8e: {  	[smem:$0x3FBF] =	sst s2  }
0x8f: {  	_ = 	snop  }
0x90: {  	(tm) =	ssettm $0x1  }
0x91: {  	s17 =	sld [smem:$0x3FFB];
	_ =	sdelay $0x3  }
0x92: {  	_ =	strace s17  }
0x93: {  	s2 =	sld [smem:$0x3FFC];
	_ =	sdelay $0x3  }
0x94: {  	_ =	strace s2  }
0x95: {  	s2 =	sld [smem:$0x3FFD];
	_ =	sdelay $0x3  }
0x96: {  	_ =	strace s2  }
0x97: {  	_ =	strace $0x8FFFFFFF  }
0x98: {  	s18 =	sld [smem:$0x3FDB];
	_ =	sdelay $0x1  }
0x99: {  	s19 =	simm.s32 $_scs_section_size  }
0x9a: {  	s4 =	simm.s32 $_size__tile_overlayer_lowered;
	s5 =	simm.s32 $_tile_overlayer_lowered  }
0x9b: {  	s22 =	simm.s32 $0x1BFF;
	s21 =	sshll.u32 s5, $0x1;
	s2 =	sadd.s32 s19, s18  }
0x9c: {  	s6 =	simm.s32 $0x0;
	s20 =	sshll.u32 s4, $0x1;
	s4 =	sadd.s32 s21, s2  }
0x9d: {  	[timem:s6], [sflag:s22] =	dma.local [hbm:s4], s20  }
0x9e: {  	_ =	swait.ge [sflag:s22], s20  }
0x9f: {  	s3 =	ssub.s32 $0x0, s20;
	[sflag:s22] =	ssyncset.done $0x0  }
0xa0: {  	[sflag:s22] =	ssyncadd.s32 s3;
	_ =	sdelay $0x1  }
0xa1: {  	s23 =	simm.s32 $0x1B8B  }
0xa2: {  	_ =	swait.ge [sflag:s23], $0x1  }
0xa3: {  	[sflag:s23] =	ssyncset.done $0x0  }
0xa4: {  	s25 =	simm.s32 $0x1B8E;
	s24 =	sld [smem:$0x3FFE];
	[sflag:s23] =	ssyncadd.s32 $0xFFFFFFFF  }
0xa5: {  	s26 =	simm.s32 $execute0_lowered;
	[smem:$0x3FD2] =	sst s25  }
0xa6: {  	s4 =	sshll.u32 s26, $0x1;
	_ =	strace $0x8000004C;
	[dreg:$0x1] =	wrdreg $0xFFFFFFFF  }
0xa7: {  	s28 =	simm.s32 $_size_execute0_lowered;
	s2 =	sadd.s32 s2, s4;
	[dreg:$0x0] =	wrdreg $0x0  }
0xa8: {  	s4 =	sshll.u32 s28, $0x1;
	[dreg:$0x2] =	wrdreg s2  }
0xa9: {  	[dreg:$0x3] =	wrdreg s4  }
0xaa: {  	[dreg:$0x4] =	wrdreg $0xC0  }
0xab: {  	_ =	task [dreg:s6], $0x5FFFF  }
0xac: {  	[dreg:$0x1] =	wrdreg $0xFFFFFFFF  }
0xad: {  	[dreg:$0x0] =	wrdreg $0x60  }
0xae: {  	[dreg:$0x2] =	wrdreg s24  }
0xaf: {  	[dreg:$0x3] =	wrdreg $0xB7800  }
0xb0: {  	[dreg:$0x4] =	wrdreg $0x9  }
0xb1: {  	_ =	task.clear_ibuf [dreg:s6], $0x5FFFF;
	_ =	strace $0x9000004C  }
0xb2: {  	s29 =	simm.s32 $0x9;
	_ =	strace $0x8000004E  }
0xb3: {  	_ =	swait.ge [sflag:s29], $0x1  }
0xb4: {  	[sflag:s29] =	ssyncadd.s32 $0xFFFFFFFF  }
0xb5: {  	_ =	strace $0x9000004E  }
0xb6: {  	_ =	sfence  }
0xb7: {  	s30 =	sld [smem:$0x0];
	_ =	sdelay $0x2  }
0xb8: {  	s31 =	sshll.u32 s1, $0xD;
	s1 =	sshrl.u32 s1, $0x2  }
0xb9: {  	s3 =	sand.u32 $0x4000, s31;
	s1 =	sadd.s32 s1, s30  }
0xba: {  	s0 =	sor.u32 s3, s0;
	s1 =	sshll.u32 s1, $0x11  }
0xbb: {  	s0 =	sor.u32 s1, s0  }
0xbc: {  	s0 =	sadd.s32 $0x8F2B, s0  }
0xbd: {  	[sflag:s0] =	ssyncadd.remote.s32 $0x1  }
0xbe: {  	_ =	sfence.sel $0xFFFF  }
0xbf: {  	[dreg:$0x0] =	wrdreg $0xFFFFFFFF;
	(pc) =	sbr.abs _section_cstart, $3  }
0xc0: {  	[dreg:$0x1] =	wrdreg $0xFFFFFFFF  }
0xc1: {  	_ =	task.clear_ibuf [dreg:s6], $0x2FFFF;
	_ =	strace $0x9FFFFFFF  }
0xc2: {  	(tm) =	ssettm $0x7FFFFFFF  }
0xc3: {  	_ =	shalt  }
tec
execute0_lowered:
.L_overlay_start_1:
0x0: {  	(tag) =	ssettag $0x1  }
0x1: {  	s0 =	srdreg.scid;
	s6 =	rddreg [dreg:$0x0]  }
0x2: {  	s2 =	rddreg [dreg:$0x1];
	s3 =	simm.s32 $0x0;
	s17 =	simm.s32 $0x6780  }
0x3: {  	s18 =	simm.s32 $0x2;
	s19 =	simm.s32 $0x2780;
	s20 =	simm.s32 $0x1  }
0x4: {  	s21 =	simm.s32 $0x50;
	s22 =	simm.s32 $0x8F80;
	s23 =	simm.s32 $0x6480  }
0x5: {  	s24 =	simm.s32 $0x26C0;
	s25 =	simm.s32 $0x6500;
	s26 =	simm.s32 $0x6580  }
0x6: {  	s5 =	sand.u32 $0x1, s0;
	s0 =	stileid.u32;
	[smem:$0x7FF] =	sst s3  }
0x7: {  	s4 =	sadd.s32 $0x1C800, s6;
	s1 =	sshll.u32 s5, $0x4;
	s9 =	smul.u32 $0x140000, s5  }
0x8: {  	_ =	strace $0x8000004D;
	s10 =	smul.u32 $0x14000, s0;
	s5 =	ssub.s32 $0x2, s5  }
0x9: {  	s29 =	smul.u32 $0x50000, s0;
	s7 =	sor.u32 s0, s1;
	s31 =	sshrl.u32 s5, $0x1  }
0xa: {  	s8 =	smul.u32 $0x4E2, s7;
	s7 =	sshll.u32 s7, $0xB;
	s30 =	sadd.s32 s10, s9  }
0xb: {  	s16 =	ssub.s32 s5, s31;
	s14 =	sadd.s32 s7, s6;
	s7 =	sshrl.u32 s30, $0x3  }
0xc: {  	s16 =	smax.u32 s16, $0x1;
	s13 =	sadd.s32 s8, s6;
	s8 =	sshrl.u32 s29, $0x2  }
0xd: {  	s15 =	sadd.s32 s7, s6;
	s14 =	sadd.s32 $0xC800, s14;
	s5 =	sadd.s32 s8, s2  }
0xe: {  	s13 =	sadd.s32 $0x2A00, s13;
	s15 =	sadd.s32 $0x44800, s15;
	s6 =	sadd.s32 $0x2800, s5  }
0xf: {  	s7 =	sadd.s32 $0x5000, s5;
	s8 =	sadd.s32 $0x7800, s5;
	s9 =	sadd.s32 $0xA000, s5  }
0x10: {  	v0 =	vimm.f32 $0.0e+00;
	s10 =	sadd.s32 $0xC800, s5;
	s11 =	sadd.s32 $0xF000, s5;
	s12 =	sadd.s32 $0x11800, s5  }
.LBB2_1:
0x11: {  	s28 =	simm.s32 $0x0;
	s29 =	simm.s32 $0x200  }
.LBB2_2:
0x12: {  	p0 =	sne.s32 s29, $0x9E00;
	[tilespmem:s28+$0x67F0] =	vst v0  }
0x13: {  	[tilespmem:s28+$0x6780] =	vst v0  }
0x14: {  	[tilespmem:s28+$0x6790] =	vst v0  }
.Ltmp0:
0x15: {  	[tilespmem:s28+$0x67A0] =	vst v0;
	(pc) =	sbr.rel @p0 .LBB2_2-.Ltmp0, $4  }
0x16: {  	[tilespmem:s28+$0x67B0] =	vst v0  }
0x17: {  	[tilespmem:s28+$0x67C0] =	vst v0  }
0x18: {  	[tilespmem:s28+$0x67D0] =	vst v0  }
0x19: {  	[tilespmem:s28+$0x67E0] =	vst v0;
	s28 =	sshra.s32 s29, $0x2;
	s29 =	sadd.s32 $0x200, s29  }
0x1a: {  	[tilespmem:s28+$0x67F0] =	vst v0  }
0x1b: {  	[tilespmem:s28+$0x6780] =	vst v0  }
0x1c: {  	[tilespmem:s28+$0x6790] =	vst v0  }
0x1d: {  	[tilespmem:s28+$0x67A0] =	vst v0  }
0x1e: {  	[tilespmem:s28+$0x67B0] =	vst v0  }
0x1f: {  	[tilespmem:s28+$0x67C0] =	vst v0  }
0x20: {  	[tilespmem:s28+$0x67D0] =	vst v0  }
0x21: {  	[tilespmem:s28+$0x67E0] =	vst v0  }
0x22: {  	[spmem:s5] =	stream.linear.scatter [tilespmem:s17], [sflag:$0x1], $0x2800, $0x38;
	[tilespmem:$0x1F780] =	vst v63  }
0x23: {  	_ = 	snop  }
0x24: {  	[spmem:s6] =	stream.linear.scatter [tilespmem:s17], [sflag:$0x1], $0x2800, $0x38;
	[tilespmem:$0x1F780] =	vst v63  }
0x25: {  	_ = 	snop  }
0x26: {  	[spmem:s7] =	stream.linear.scatter [tilespmem:s17], [sflag:$0x1], $0x2800, $0x38;
	[tilespmem:$0x1F780] =	vst v63  }
0x27: {  	_ = 	snop  }
0x28: {  	[spmem:s8] =	stream.linear.scatter [tilespmem:s17], [sflag:$0x1], $0x2800, $0x38;
	[tilespmem:$0x1F780] =	vst v63  }
0x29: {  	_ = 	snop  }
0x2a: {  	[spmem:s9] =	stream.linear.scatter [tilespmem:s17], [sflag:$0x1], $0x2800, $0x38;
	[tilespmem:$0x1F780] =	vst v63  }
0x2b: {  	_ = 	snop  }
0x2c: {  	[spmem:s10] =	stream.linear.scatter [tilespmem:s17], [sflag:$0x1], $0x2800, $0x38;
	[tilespmem:$0x1F780] =	vst v63  }
0x2d: {  	_ = 	snop  }
0x2e: {  	[spmem:s11] =	stream.linear.scatter [tilespmem:s17], [sflag:$0x1], $0x2800, $0x38;
	[tilespmem:$0x1F780] =	vst v63  }
0x2f: {  	_ = 	snop  }
0x30: {  	[spmem:s12] =	stream.linear.scatter [tilespmem:s17], [sflag:$0x1], $0x2800, $0x38;
	[tilespmem:$0x1F780] =	vst v63  }
0x31: {  	s28 =	simm.s32 $0x0  }
0x32: {  	[tilespmem:s28], [sflag:$0x2] =	stream.linear.gather [hbm4b:s13+s28], $0x2710, $0x38;
	[tilespmem:$0x1F780] =	vst v63  }
0x33: {  	_ =	swait.ge [sflag:s18], $0x2710  }
0x34: {  	[sflag:s18] =	ssyncset.done $0x0  }
0x35: {  	[sflag:s18] =	ssyncadd.s32 $0xFFFFD8F0  }
0x36: {  	[tilespmem:s19], [sflag:$0x2] =	stream.linear.gather [hbm4b:s14+s28], $0x3E80, $0x38;
	[tilespmem:$0x1F780] =	vst v63  }
0x37: {  	_ =	swait.ge [sflag:s18], $0x3E80  }
0x38: {  	[sflag:s18] =	ssyncset.done $0x0  }
0x39: {  	[sflag:s18] =	ssyncadd.s32 $0xFFFFC180  }
0x3a: {  	_ =	swait.ge [sflag:s20], $0x2800  }
0x3b: {  	[sflag:s20] =	ssyncset.done $0x0  }
0x3c: {  	[sflag:s20] =	ssyncadd.s32 $0xFFFFD800  }
0x3d: {  	_ =	swait.ge [sflag:s20], $0x2800  }
0x3e: {  	[sflag:s20] =	ssyncset.done $0x0  }
0x3f: {  	[sflag:s20] =	ssyncadd.s32 $0xFFFFD800  }
0x40: {  	_ =	swait.ge [sflag:s20], $0x2800  }
0x41: {  	[sflag:s20] =	ssyncset.done $0x0  }
0x42: {  	[sflag:s20] =	ssyncadd.s32 $0xFFFFD800  }
0x43: {  	_ =	swait.ge [sflag:s20], $0x2800  }
0x44: {  	[sflag:s20] =	ssyncset.done $0x0  }
0x45: {  	[sflag:s20] =	ssyncadd.s32 $0xFFFFD800  }
0x46: {  	_ =	swait.ge [sflag:s20], $0x2800  }
0x47: {  	[sflag:s20] =	ssyncset.done $0x0  }
0x48: {  	[sflag:s20] =	ssyncadd.s32 $0xFFFFD800  }
0x49: {  	_ =	swait.ge [sflag:s20], $0x2800  }
0x4a: {  	[sflag:s20] =	ssyncset.done $0x0  }
0x4b: {  	[sflag:s20] =	ssyncadd.s32 $0xFFFFD800  }
0x4c: {  	_ =	swait.ge [sflag:s20], $0x2800  }
0x4d: {  	[sflag:s20] =	ssyncset.done $0x0  }
0x4e: {  	[sflag:s20] =	ssyncadd.s32 $0xFFFFD800  }
0x4f: {  	_ =	swait.ge [sflag:s20], $0x2800  }
0x50: {  	[sflag:s20] =	ssyncset.done $0x0  }
0x51: {  	[sflag:s20] =	ssyncadd.s32 $0xFFFFD800  }
0x52: {  	[bflag:$0x0] =	sbarrier.arrive $0xFFFF  }
0x53: {  	[tilespmem:s17], [sflag:$0x1] =	stream.indirect.gather [hbm4b:s4+s21], $0x80, s28, s21, $0xb8;
	[tilespmem:$0x1F780] =	vst v63  }
0x54: {  	_ = 	snop  }
0x55: {  	[tilespmem:s22], [sflag:$0x1] =	stream.indirect.gather [hbm4b:s4+s21], $0x80, s21, s21, $0xb8;
	[tilespmem:$0x1F780] =	vst v63  }
0x56: {  	_ =	swait.ge [sflag:s20], $0x2800  }
0x57: {  	[sflag:s20] =	ssyncset.done $0x0  }
0x58: {  	s28 =	simm.s32 $0x2780;
	[sflag:s20] =	ssyncadd.s32 $0xFFFFD800  }
0x59: {  	[spmem:s2] =	stream.indirect.scatter.add.f32 [tilespmem:s17], [sflag:$0x2], $0x80, s28, s21, $0xb8;
	[tilespmem:$0x1F780] =	vst v63  }
0x5a: {  	_ =	swait.ge [sflag:s18], $0x2800  }
0x5b: {  	[sflag:s18] =	ssyncset.done $0x0  }
0x5c: {  	s28 =	simm.s32 $0xA0;
	[sflag:s18] =	ssyncadd.s32 $0xFFFFD800  }
0x5d: {  	[tilespmem:s17], [sflag:$0x1] =	stream.indirect.gather [hbm4b:s4+s21], $0x80, s28, s21, $0xb8;
	[tilespmem:$0x1F780] =	vst v63  }
0x5e: {  	_ =	swait.ge [sflag:s20], $0x2800  }
0x5f: {  	[sflag:s20] =	ssyncset.done $0x0  }
0x60: {  	s28 =	simm.s32 $0x2800;
	[sflag:s20] =	ssyncadd.s32 $0xFFFFD800  }
0x61: {  	[spmem:s2] =	stream.indirect.scatter.add.f32 [tilespmem:s22], [sflag:$0x2], $0x80, s28, s21, $0xb8;
	[tilespmem:$0x1F780] =	vst v63  }
0x62: {  	_ =	swait.ge [sflag:s18], $0x2800  }
0x63: {  	s29 =	simm.s32 $0x400;
	[sflag:s18] =	ssyncset.done $0x0  }
0x64: {  	s30 =	simm.s32 $0x190;
	s28 =	simm.s32 $0xF0;
	[sflag:s18] =	ssyncadd.s32 $0xFFFFD800  }
.LBB2_4:
0x65: {  	[tilespmem:s22], [sflag:$0x1] =	stream.indirect.gather [hbm4b:s4+s21], $0x80, s28, s21, $0xb8;
	[tilespmem:$0x1F780] =	vst v63  }
0x66: {  	s31 =	smov.u32 s29;
	s28 =	smov.u32 s30  }
0x67: {  	p0 =	sne.s32 s29, $0xF000;
	s29 =	sadd.s32 $0x400, s29;
	_ =	swait.ge [sflag:s20], $0x2800  }
0x68: {  	s31 =	sshra.s32 s31, $0x2;
	[sflag:s20] =	ssyncset.done $0x0  }
0x69: {  	s1 =	sadd.s32 $0x2780, s31;
	[sflag:s20] =	ssyncadd.s32 $0xFFFFD800  }
0x6a: {  	[spmem:s2] =	stream.indirect.scatter.add.f32 [tilespmem:s17], [sflag:$0x2], $0x80, s1, s21, $0xb8;
	[tilespmem:$0x1F780] =	vst v63  }
0x6b: {  	_ =	swait.ge [sflag:s18], $0x2800  }
0x6c: {  	[sflag:s18] =	ssyncset.done $0x0  }
0x6d: {  	s1 =	sadd.s32 $0xFFFFFFB0, s30;
	[sflag:s18] =	ssyncadd.s32 $0xFFFFD800  }
0x6e: {  	[tilespmem:s17], [sflag:$0x1] =	stream.indirect.gather [hbm4b:s4+s21], $0x80, s1, s21, $0xb8;
	[tilespmem:$0x1F780] =	vst v63  }
0x6f: {  	_ =	swait.ge [sflag:s20], $0x2800  }
0x70: {  	[sflag:s20] =	ssyncset.done $0x0  }
.Ltmp1:
0x71: {  	s1 =	sadd.s32 $0x2800, s31;
	[sflag:s20] =	ssyncadd.s32 $0xFFFFD800;
	(pc) =	sbr.rel @p0 .LBB2_4-.Ltmp1, $4  }
0x72: {  	[spmem:s2] =	stream.indirect.scatter.add.f32 [tilespmem:s22], [sflag:$0x2], $0x80, s1, s21, $0xb8;
	[tilespmem:$0x1F780] =	vst v63  }
0x73: {  	_ =	swait.ge [sflag:s18], $0x2800  }
0x74: {  	[sflag:s18] =	ssyncset.done $0x0  }
0x75: {  	s30 =	sadd.s32 $0xA0, s30;
	[sflag:s18] =	ssyncadd.s32 $0xFFFFD800  }
0x76: {  	[tilespmem:s22], [sflag:$0x1] =	stream.indirect.gather [hbm4b:s4+s21], $0x80, s28, s21, $0xb8;
	[tilespmem:$0x1F780] =	vst v63  }
0x77: {  	_ =	swait.ge [sflag:s20], $0x2800  }
0x78: {  	[sflag:s20] =	ssyncset.done $0x0  }
0x79: {  	[sflag:s20] =	ssyncadd.s32 $0xFFFFD800  }
0x7a: {  	[spmem:s2] =	stream.indirect.scatter.add.f32 [tilespmem:s17], [sflag:$0x2], $0x80, s23, s21, $0xb8;
	[tilespmem:$0x1F780] =	vst v63  }
0x7b: {  	_ =	swait.ge [sflag:s18], $0x2800  }
0x7c: {  	[sflag:s18] =	ssyncset.done $0x0  }
0x7d: {  	[sflag:s18] =	ssyncadd.s32 $0xFFFFD800  }
0x7e: {  	[tilespmem:s17], [sflag:$0x1] =	stream.indirect.gather [hbm4b:s4+s21], $0x80, s24, s21, $0xb8;
	[tilespmem:$0x1F780] =	vst v63  }
0x7f: {  	_ =	swait.ge [sflag:s20], $0x2800  }
0x80: {  	[sflag:s20] =	ssyncset.done $0x0  }
0x81: {  	[sflag:s20] =	ssyncadd.s32 $0xFFFFD800  }
0x82: {  	[spmem:s2] =	stream.indirect.scatter.add.f32 [tilespmem:s22], [sflag:$0x2], $0x80, s25, s21, $0xb8;
	[tilespmem:$0x1F780] =	vst v63  }
0x83: {  	_ =	swait.ge [sflag:s18], $0x2800  }
0x84: {  	[sflag:s18] =	ssyncset.done $0x0  }
0x85: {  	[sflag:s18] =	ssyncadd.s32 $0xFFFFD800  }
0x86: {  	_ =	swait.ge [sflag:s20], $0x2800  }
0x87: {  	[sflag:s20] =	ssyncset.done $0x0  }
0x88: {  	[sflag:s20] =	ssyncadd.s32 $0xFFFFD800  }
0x89: {  	[spmem:s2] =	stream.indirect.scatter.add.f32 [tilespmem:s17], [sflag:$0x2], $0x80, s26, s21, $0xb8;
	[tilespmem:$0x1F780] =	vst v63  }
0x8a: {  	_ =	swait.ge [sflag:s18], $0x2800  }
0x8b: {  	s1 =	sshll.u32 s0, $0x6;
	s3 =	sadd.s32 $0x1, s3;
	[sflag:s18] =	ssyncset.done $0x0  }
0x8c: {  	s31 =	sshrl.u32 s5, $0x3;
	p0 =	sne.s32 s3, s16;
	[sflag:s18] =	ssyncadd.s32 $0xFFFFD800  }
.Ltmp2:
0x8d: {  	s1 =	sor.u32 $0x1C02, s1;
	[bflag:$0x0] =	sbarrier.arrive $0xFFFF;
	(pc) =	sbr.rel @p0 .LBB2_1-.Ltmp2, $4  }
0x8e: {  	[hbm:s15], [sflag:s1] =	dma.local [spmem:s31], $0x2800  }
0x8f: {  	_ =	swait.ge [sflag:s18], $0x2800  }
0x90: {  	[sflag:s18] =	ssyncset.done $0x0  }
0x91: {  	[sflag:s18] =	ssyncadd.s32 $0xFFFFD800  }
0x92: {  	_ =	sfence.sel $0x180000  }
0x93: {  	[bflag:$0x0] =	sbarrier.arrive $0xFFFF  }
0x94: {  	_ =	strace $0x9000004D  }
0x95: {  	[bflag:$0x2] =	sbarrier.arrive $0xFFFF  }
0x96: {  	p0 =	sne.s32 s0, $0x0;
	s0 =	rddreg [dreg:$0x2]  }
0x97: {  	s0 =	sadd.s32 @!p0 $0x100000, s0  }
0x98: {  	[sflag:s0] =	ssyncadd.tile.s32 @!p0 $0x1;
	_ =	shalt  }
.Lfunc_end2:
_tile_overlayer_lowered:
.L_overlay_start_2:
0x99: {  	(tag) =	ssettag $0x2  }
0x9a: {  	s0 =	rddreg [dreg:$0x0];
	s2 =	stileid.u32  }
0x9b: {  	s1 =	rddreg [dreg:$0x1];
	p0 =	sne.s32 s2, $0x0  }
0x9c: {  	s3 =	rddreg [dreg:$0x2];
	[bflag:$0x3] =	sbarrier.arrive $0xFFFF;
	s2 =	simm.s32 @!p0 $0x1C02  }
0x9d: {  	[timem:s3], [sflag:s2] =	dma.local @!p0 [hbm:s0], s1  }
0x9e: {  	s0 =	simm.s32 @!p0 $0x2  }
0x9f: {  	_ =	swait.ge @!p0 [sflag:s0], s1  }
0xa0: {  	s1 =	ssub.s32 @!p0 $0x0, s1;
	[sflag:s0] =	ssyncset.done @!p0 $0x0  }
0xa1: {  	[sflag:s0] =	ssyncadd.s32 @!p0 s1  }
0xa2: {  	[bflag:$0x3] =	sbarrier.arrive $0xFFFF  }
0xa3: {  	_ =	shalt  }

// kernel: kernel.8.cloned.1.call-start
scs
__scs_entry_jumppad:
0x0: {  	(pc) =	sbr.rel $0x88, $3  }
0x1: {  	(tag) =	ssettag $0x0;
	lr =	simm.s32 $0x1  }
0x2: {  	[smem:$0x3F98] =	sst lr;
	_ =	strace $0xD0000000  }
0x3: {  	_ = 	snop  }
0x4: {  	_ = 	snop  }
0x5: {  	_ = 	snop  }
0x6: {  	_ = 	snop  }
0x7: {  	_ = 	snop  }
__scs_overlays_trampoline_lowered:
0x8: {  	[smem:$0x3FA7] =	sst s0  }
0x9: {  	[smem:$0x3FA8] =	sst s1  }
0xa: {  	[smem:$0x3FA9] =	sst s2  }
0xb: {  	[smem:$0x3FAA] =	sst s3  }
0xc: {  	[smem:$0x3FAB] =	sst s4  }
0xd: {  	[smem:$0x3FAC] =	sst s5  }
0xe: {  	[smem:$0x3FAD] =	sst s6  }
0xf: {  	[smem:$0x3FAE] =	sst s7  }
0x10: {  	[smem:$0x3FAF] =	sst s8  }
0x11: {  	[smem:$0x3FB0] =	sst s9;
	s0 =	simm.s32 @!p0 $0x0  }
0x12: {  	s1 =	sld [smem:$0x3F96];
	s0 =	simm.s32 @p0 $0x1  }
0x13: {  	[smem:$0x3FB1] =	sst s0;
	s0 =	simm.s32 @!p1 $0x0  }
0x14: {  	s2 =	sld [smem:$0x3F95];
	s0 =	simm.s32 @p1 $0x1  }
0x15: {  	[smem:$0x3FB2] =	sst s0;
	s0 =	simm.s32 @!p2 $0x0  }
0x16: {  	s3 =	sld [smem:$0x3FDB];
	s0 =	simm.s32 @p2 $0x1  }
0x17: {  	s4 =	simm.s32 $0x1BF5;
	[smem:$0x3FB4] =	sst s0  }
0x18: {  	s0 =	sld [smem:$0x3F97];
	_ =	swait.ge [sflag:s4], $0x0  }
0x19: {  	s7 =	sld [smem:$0x3F98]  }
0x1a: {  	s8 =	sadd.s32 $0xFFFFE003, lr  }
0x1b: {  	s9 =	sadd.s32 $0xFFFFFEF7, lr;
	s5 =	simm.s32 $0xFFFFFFFF;
	p2 =	slt.u32 s8, $0xFFFFF086  }
0x1c: {  	p1 =	slt.u32 s9, $0xF7A;
	s5 =	simm.s32 @!p2 $0x0  }
0x1d: {  	s5 =	simm.s32 @p1 $0x1;
	p0 =	seq.s32 s7, s2  }
0x1e: {  	s7 =	smul.u32 @!p0 $0xF7A, s2;
	p2 =	seq.s32 @!p0 s5, $0x0  }
0x1f: {  	s9 =	smul.u32 $0xF7A, s1;
	s8 =	simm.s32 @!p0 $0x1BF5;
	p2 =	por !p2, p0  }
0x20: {  	[sflag:s8] =	ssyncset.s32 @!p0 $0xFFFFF086;
	s6 =	sadd.s32 @!p0 s3, s7;
	s7 =	simm.s32 @!p0 $0x108  }
0x21: {  	s3 =	sadd.s32 s3, s9;
	s6 =	sadd.s32 @!p0 $0x88, s6;
	s7 =	simm.s32 @p2 $0x1082  }
0x22: {  	[simem:s7], [sflag:s8] =	dma.local @!p0 [hbm:s6], $0xF7A  }
0x23: {  	s9 =	sor.u32 $0xD0000000, s2;
	s6 =	simm.s32 $0x108;
	_ =	swait.ge @!p0 [sflag:s8], $0x0  }
0x24: {  	s3 =	sadd.s32 $0x88, s3;
	s6 =	simm.s32 @!p1 $0x1082;
	[sflag:s4] =	ssyncset.s32 $0xFFFFF086  }
0x25: {  	[simem:s6], [sflag:s4] =	dma.local [hbm:s3], $0xF7A  }
0x26: {  	[smem:$0x3F98] =	sst s1;
	(tag) =	ssettag s2;
	_ =	strace s9  }
0x27: {  	s1 =	sld [smem:$0x3FA8]  }
0x28: {  	s2 =	sld [smem:$0x3FA9]  }
0x29: {  	s4 =	sld [smem:$0x3FAB]  }
0x2a: {  	p0 =	seq.s32 s5, $0x0;
	s5 =	sld [smem:$0x3FAC]  }
0x2b: {  	s6 =	sld [smem:$0x3FAD]  }
0x2c: {  	s7 =	sld [smem:$0x3FAE]  }
0x2d: {  	s3 =	simm.s32 $0x108;
	s8 =	sld [smem:$0x3FAF]  }
0x2e: {  	s3 =	simm.s32 @!p0 $0x1082;
	s9 =	sld [smem:$0x3FB0]  }
0x2f: {  	lr =	sadd.s32 s0, s3;
	s0 =	sld [smem:$0x3FA7]  }
0x30: {  	s3 =	sld [smem:$0x3FAA]  }
0x31: {  	[smem:$0x3FB3] =	sst s10  }
0x32: {  	s10 =	sld [smem:$0x3FB1];
	_ =	sdelay $0x3  }
0x33: {  	p0 =	seq.s32 s10, $0x1;
	s10 =	sld [smem:$0x3FB3];
	_ =	sdelay $0x3  }
0x34: {  	[smem:$0x3FB3] =	sst s10  }
0x35: {  	s10 =	sld [smem:$0x3FB2];
	_ =	sdelay $0x3  }
0x36: {  	p1 =	seq.s32 s10, $0x1;
	s10 =	sld [smem:$0x3FB3];
	_ =	sdelay $0x3  }
0x37: {  	[smem:$0x3FB3] =	sst s10  }
0x38: {  	s10 =	sld [smem:$0x3FB4]  }
0x39: {  	_ = 	snop;
	(pc) =	sbr.ind lr, $3  }
0x3a: {  	_ = 	snop  }
0x3b: {  	_ = 	snop  }
0x3c: {  	p2 =	seq.s32 s10, $0x1;
	s10 =	sld [smem:$0x3FB3]  }
0x3d: {  	_ =	shalt  }
0x3e: {  	_ =	shalt  }
0x3f: {  	_ =	shalt  }
0x40: {  	_ =	shalt  }
0x41: {  	_ =	shalt  }
0x42: {  	_ =	shalt  }
0x43: {  	_ =	shalt  }
0x44: {  	_ =	shalt  }
0x45: {  	_ =	shalt  }
0x46: {  	_ =	shalt  }
0x47: {  	_ =	shalt  }
0x48: {  	_ =	shalt  }
0x49: {  	_ =	shalt  }
0x4a: {  	_ =	shalt  }
0x4b: {  	_ =	shalt  }
0x4c: {  	_ =	shalt  }
0x4d: {  	_ =	shalt  }
0x4e: {  	_ =	shalt  }
0x4f: {  	_ =	shalt  }
0x50: {  	_ =	shalt  }
0x51: {  	_ =	shalt  }
0x52: {  	_ =	shalt  }
0x53: {  	_ =	shalt  }
0x54: {  	_ =	shalt  }
0x55: {  	_ =	shalt  }
0x56: {  	_ =	shalt  }
0x57: {  	_ =	shalt  }
0x58: {  	_ =	shalt  }
0x59: {  	_ =	shalt  }
0x5a: {  	_ =	shalt  }
0x5b: {  	_ =	shalt  }
0x5c: {  	_ =	shalt  }
0x5d: {  	_ =	shalt  }
0x5e: {  	_ =	shalt  }
0x5f: {  	_ =	shalt  }
0x60: {  	_ =	shalt  }
0x61: {  	_ =	shalt  }
0x62: {  	_ =	shalt  }
0x63: {  	_ =	shalt  }
0x64: {  	_ =	shalt  }
0x65: {  	_ =	shalt  }
0x66: {  	_ =	shalt  }
0x67: {  	_ =	shalt  }
0x68: {  	_ =	shalt  }
0x69: {  	_ =	shalt  }
0x6a: {  	_ =	shalt  }
0x6b: {  	_ =	shalt  }
0x6c: {  	_ =	shalt  }
0x6d: {  	_ =	shalt  }
0x6e: {  	_ =	shalt  }
0x6f: {  	_ =	shalt  }
0x70: {  	_ =	shalt  }
0x71: {  	_ =	shalt  }
0x72: {  	_ =	shalt  }
0x73: {  	_ =	shalt  }
0x74: {  	_ =	shalt  }
0x75: {  	_ =	shalt  }
0x76: {  	_ =	shalt  }
0x77: {  	_ =	shalt  }
0x78: {  	_ =	shalt  }
0x79: {  	_ =	shalt  }
0x7a: {  	_ =	shalt  }
0x7b: {  	_ =	shalt  }
0x7c: {  	_ =	shalt  }
0x7d: {  	_ =	shalt  }
0x7e: {  	_ =	shalt  }
0x7f: {  	_ =	shalt  }
0x80: {  	_ =	shalt  }
0x81: {  	_ =	shalt  }
0x82: {  	_ =	shalt  }
0x83: {  	_ =	shalt  }
0x84: {  	_ =	shalt  }
0x85: {  	_ =	shalt  }
0x86: {  	_ =	shalt  }
0x87: {  	_ =	shalt  }
.Lfunc_end0:
.L_simem_size_0:
called_computation_lowered:
.L_overlay_start_0:
0x88: {  	s2 =	sld [smem:$0x3FD9]  }
0x89: {  	s3 =	sld [smem:$0x3FFE];
	_ =	sdelay $0x1  }
0x8a: {  	s1 =	srdreg.scid  }
0x8b: {  	s0 =	sand.u32 $0x1, s1  }
0x8c: {  	s16 =	sshll.u32 s0, $0xA;
	s2 =	sadd.s32 s3, s2  }
0x8d: {  	s2 =	sadd.s32 s2, s16  }
0x8e: {  	[smem:$0x3FBF] =	sst s2  }
0x8f: {  	_ = 	snop  }
0x90: {  	(tm) =	ssettm $0x1  }
0x91: {  	s17 =	sld [smem:$0x3FFB];
	_ =	sdelay $0x3  }
0x92: {  	_ =	strace s17  }
0x93: {  	s2 =	sld [smem:$0x3FFC];
	_ =	sdelay $0x3  }
0x94: {  	_ =	strace s2  }
0x95: {  	s2 =	sld [smem:$0x3FFD];
	_ =	sdelay $0x3  }
0x96: {  	_ =	strace s2  }
0x97: {  	_ =	strace $0x8FFFFFFF  }
0x98: {  	s18 =	sld [smem:$0x3FDB];
	_ =	sdelay $0x1  }
0x99: {  	s19 =	simm.s32 $_scs_section_size  }
0x9a: {  	s4 =	simm.s32 $_size__tile_overlayer_lowered;
	s5 =	simm.s32 $_tile_overlayer_lowered  }
0x9b: {  	s22 =	simm.s32 $0x1BFF;
	s21 =	sshll.u32 s5, $0x1;
	s2 =	sadd.s32 s19, s18  }
0x9c: {  	s6 =	simm.s32 $0x0;
	s20 =	sshll.u32 s4, $0x1;
	s4 =	sadd.s32 s21, s2  }
0x9d: {  	[timem:s6], [sflag:s22] =	dma.local [hbm:s4], s20  }
0x9e: {  	_ =	swait.ge [sflag:s22], s20  }
0x9f: {  	s3 =	ssub.s32 $0x0, s20;
	[sflag:s22] =	ssyncset.done $0x0  }
0xa0: {  	[sflag:s22] =	ssyncadd.s32 s3;
	_ =	sdelay $0x1  }
0xa1: {  	s23 =	simm.s32 $0x1B8B  }
0xa2: {  	_ =	swait.ge [sflag:s23], $0x1  }
0xa3: {  	[sflag:s23] =	ssyncset.done $0x0  }
0xa4: {  	s25 =	simm.s32 $0x1B8E;
	s24 =	sld [smem:$0x3FFE];
	[sflag:s23] =	ssyncadd.s32 $0xFFFFFFFF  }
0xa5: {  	s26 =	simm.s32 $execute0_lowered;
	[smem:$0x3FD2] =	sst s25  }
0xa6: {  	s4 =	sshll.u32 s26, $0x1;
	_ =	strace $0x80000046;
	[dreg:$0x1] =	wrdreg $0xFFFFFFFF  }
0xa7: {  	s28 =	simm.s32 $_size_execute0_lowered;
	s2 =	sadd.s32 s2, s4;
	[dreg:$0x0] =	wrdreg $0x0  }
0xa8: {  	s4 =	sshll.u32 s28, $0x1;
	[dreg:$0x2] =	wrdreg s2  }
0xa9: {  	[dreg:$0x3] =	wrdreg s4  }
0xaa: {  	[dreg:$0x4] =	wrdreg $0xC0  }
0xab: {  	_ =	task [dreg:s6], $0x5FFFF  }
0xac: {  	[dreg:$0x1] =	wrdreg $0xFFFFFFFF  }
0xad: {  	[dreg:$0x0] =	wrdreg $0x60  }
0xae: {  	[dreg:$0x2] =	wrdreg s24  }
0xaf: {  	[dreg:$0x3] =	wrdreg $0x41000  }
0xb0: {  	[dreg:$0x4] =	wrdreg $0x9  }
0xb1: {  	_ =	task.clear_ibuf [dreg:s6], $0x5FFFF;
	_ =	strace $0x90000046  }
0xb2: {  	s29 =	simm.s32 $0x9;
	_ =	strace $0x80000048  }
0xb3: {  	_ =	swait.ge [sflag:s29], $0x1  }
0xb4: {  	[sflag:s29] =	ssyncadd.s32 $0xFFFFFFFF  }
0xb5: {  	_ =	strace $0x90000048  }
0xb6: {  	_ =	sfence  }
0xb7: {  	s30 =	sld [smem:$0x0];
	_ =	sdelay $0x2  }
0xb8: {  	s31 =	sshll.u32 s1, $0xD;
	s1 =	sshrl.u32 s1, $0x2  }
0xb9: {  	s3 =	sand.u32 $0x4000, s31;
	s1 =	sadd.s32 s1, s30  }
0xba: {  	s0 =	sor.u32 s3, s0;
	s1 =	sshll.u32 s1, $0x11  }
0xbb: {  	s0 =	sor.u32 s1, s0  }
0xbc: {  	s0 =	sadd.s32 $0x8F2B, s0  }
0xbd: {  	[sflag:s0] =	ssyncadd.remote.s32 $0x1  }
0xbe: {  	_ =	sfence.sel $0xFFFF  }
0xbf: {  	[dreg:$0x0] =	wrdreg $0xFFFFFFFF;
	(pc) =	sbr.abs _section_cstart, $3  }
0xc0: {  	[dreg:$0x1] =	wrdreg $0xFFFFFFFF  }
0xc1: {  	_ =	task.clear_ibuf [dreg:s6], $0x2FFFF;
	_ =	strace $0x9FFFFFFF  }
0xc2: {  	(tm) =	ssettm $0x7FFFFFFF  }
0xc3: {  	_ =	shalt  }
tec
execute0_lowered:
.L_overlay_start_1:
0x0: {  	(tag) =	ssettag $0x1  }
0x1: {  	s4 =	rddreg [dreg:$0x0]  }
0x2: {  	s2 =	rddreg [dreg:$0x1]  }
0x3: {  	s0 =	rddreg [dreg:$0x2]  }
0x4: {  	s3 =	simm.s32 $0x0;
	s1 =	stileid.u32;
	s5 =	srdreg.scid  }
0x5: {  	s15 =	simm.s32 $0x4080;
	s16 =	simm.s32 $0x2;
	s17 =	simm.s32 $0x1  }
0x6: {  	s18 =	simm.s32 $0x50;
	s19 =	simm.s32 $0x4000;
	s22 =	simm.s32 $0x20  }
0x7: {  	s23 =	simm.s32 $0x10;
	s24 =	simm.s32 $0x0;
	[smem:$0x7FF] =	sst s3  }
0x8: {  	s9 =	sand.u32 $0x1, s5;
	s28 =	smul.u32 $0x500, s1;
	s6 =	sshll.u32 s1, $0xB  }
0x9: {  	s8 =	smul.u32 $0xA00, s1;
	s20 =	sshll.u32 s1, $0x6;
	s7 =	sshll.u32 s9, $0x7  }
0xa: {  	_ =	strace $0x80000047;
	s11 =	sadd.s32 s6, s4;
	s29 =	ssub.s32 $0x2, s9  }
0xb: {  	s12 =	sshll.u32 s9, $0xF;
	s20 =	sor.u32 $0x1C02, s20;
	s5 =	sor.u32 s7, s28  }
0xc: {  	s30 =	sshrl.u32 s8, $0x2;
	s31 =	sshrl.u32 s29, $0x1;
	s12 =	sadd.s32 s12, s11  }
0xd: {  	s5 =	sshrl.u32 s5, $0x3;
	s14 =	ssub.s32 s29, s31;
	s12 =	sadd.s32 $0xC800, s12  }
0xe: {  	s13 =	sadd.s32 s5, s4;
	s4 =	sadd.s32 s30, s2;
	s14 =	smax.u32 s14, $0x1  }
0xf: {  	s5 =	sadd.s32 $0x50, s4;
	s6 =	sadd.s32 $0xA0, s4;
	s7 =	sadd.s32 $0xF0, s4  }
0x10: {  	s8 =	sadd.s32 $0x140, s4;
	s9 =	sadd.s32 $0x190, s4;
	s10 =	sadd.s32 $0x1E0, s4  }
0x11: {  	v0 =	vimm.f32 $1.000000000e+00;
	v1 =	vimm.f32 $0.0e+00;
	s11 =	sadd.s32 $0x230, s4;
	s13 =	sadd.s32 $0x1C800, s13;
	s21 =	sshrl.u32 s4, $0x3  }
.LBB2_1:
0x12: {  	[tilespmem:$0x4000] =	vst v0  }
0x13: {  	[tilespmem:$0x4080] =	vst v1  }
0x14: {  	[tilespmem:$0x4010] =	vst v0  }
0x15: {  	[tilespmem:$0x4090] =	vst v1  }
0x16: {  	[tilespmem:$0x4020] =	vst v0  }
0x17: {  	[tilespmem:$0x40A0] =	vst v1  }
0x18: {  	[tilespmem:$0x4030] =	vst v0  }
0x19: {  	[tilespmem:$0x40B0] =	vst v1  }
0x1a: {  	[tilespmem:$0x4040] =	vst v0  }
0x1b: {  	[tilespmem:$0x40C0] =	vst v1  }
0x1c: {  	[spmem:s4] =	stream.linear.scatter [tilespmem:s15], [sflag:$0x1], $0x50, $0x38;
	[tilespmem:$0x4380] =	vst v63  }
0x1d: {  	_ = 	snop  }
0x1e: {  	[spmem:s5] =	stream.linear.scatter [tilespmem:s15], [sflag:$0x1], $0x50, $0x38;
	[tilespmem:$0x4380] =	vst v63  }
0x1f: {  	_ = 	snop  }
0x20: {  	[spmem:s6] =	stream.linear.scatter [tilespmem:s15], [sflag:$0x1], $0x50, $0x38;
	[tilespmem:$0x4380] =	vst v63  }
0x21: {  	_ = 	snop  }
0x22: {  	[spmem:s7] =	stream.linear.scatter [tilespmem:s15], [sflag:$0x1], $0x50, $0x38;
	[tilespmem:$0x4380] =	vst v63  }
0x23: {  	_ = 	snop  }
0x24: {  	[spmem:s8] =	stream.linear.scatter [tilespmem:s15], [sflag:$0x1], $0x50, $0x38;
	[tilespmem:$0x4380] =	vst v63  }
0x25: {  	_ = 	snop  }
0x26: {  	[spmem:s9] =	stream.linear.scatter [tilespmem:s15], [sflag:$0x1], $0x50, $0x38;
	[tilespmem:$0x4380] =	vst v63  }
0x27: {  	_ = 	snop  }
0x28: {  	[spmem:s10] =	stream.linear.scatter [tilespmem:s15], [sflag:$0x1], $0x50, $0x38;
	[tilespmem:$0x4380] =	vst v63  }
0x29: {  	_ = 	snop  }
0x2a: {  	[spmem:s11] =	stream.linear.scatter [tilespmem:s15], [sflag:$0x1], $0x50, $0x38;
	[tilespmem:$0x4380] =	vst v63  }
0x2b: {  	_ = 	snop  }
0x2c: {  	[tilespmem:s3], [sflag:$0x2] =	stream.linear.gather [hbm4b:s12+s3], $0x3E80, $0x38;
	[tilespmem:$0x4380] =	vst v63  }
0x2d: {  	_ =	swait.ge [sflag:s16], $0x3E80  }
0x2e: {  	[sflag:s16] =	ssyncset.done $0x0  }
0x2f: {  	[sflag:s16] =	ssyncadd.s32 $0xFFFFC180  }
0x30: {  	_ =	swait.ge [sflag:s17], $0x50  }
0x31: {  	[sflag:s17] =	ssyncset.done $0x0  }
0x32: {  	[sflag:s17] =	ssyncadd.s32 $0xFFFFFFB0  }
0x33: {  	_ =	swait.ge [sflag:s17], $0x50  }
0x34: {  	[sflag:s17] =	ssyncset.done $0x0  }
0x35: {  	[sflag:s17] =	ssyncadd.s32 $0xFFFFFFB0  }
0x36: {  	_ =	swait.ge [sflag:s17], $0x50  }
0x37: {  	[sflag:s17] =	ssyncset.done $0x0  }
0x38: {  	[sflag:s17] =	ssyncadd.s32 $0xFFFFFFB0  }
0x39: {  	_ =	swait.ge [sflag:s17], $0x50  }
0x3a: {  	[sflag:s17] =	ssyncset.done $0x0  }
0x3b: {  	[sflag:s17] =	ssyncadd.s32 $0xFFFFFFB0  }
0x3c: {  	_ =	swait.ge [sflag:s17], $0x50  }
0x3d: {  	[sflag:s17] =	ssyncset.done $0x0  }
0x3e: {  	[sflag:s17] =	ssyncadd.s32 $0xFFFFFFB0  }
0x3f: {  	_ =	swait.ge [sflag:s17], $0x50  }
0x40: {  	[sflag:s17] =	ssyncset.done $0x0  }
0x41: {  	[sflag:s17] =	ssyncadd.s32 $0xFFFFFFB0  }
0x42: {  	_ =	swait.ge [sflag:s17], $0x50  }
0x43: {  	[sflag:s17] =	ssyncset.done $0x0  }
0x44: {  	[sflag:s17] =	ssyncadd.s32 $0xFFFFFFB0  }
0x45: {  	_ =	swait.ge [sflag:s17], $0x50  }
0x46: {  	[sflag:s17] =	ssyncset.done $0x0  }
0x47: {  	[sflag:s17] =	ssyncadd.s32 $0xFFFFFFB0  }
0x48: {  	s25 =	simm.s32 $0x0;
	[bflag:$0x0] =	sbarrier.arrive $0xFFFF  }
0x49: {  	[spmem:s2] =	stream.indirect.scatter.add.f32 [tilespmem:s19], [sflag:$0x1], $0x1, s25, s18, $0xb8;
	[tilespmem:$0x4380] =	vst v63  }
0x4a: {  	s28 =	simm.s32 $0x80  }
0x4b: {  	[spmem:s2] =	stream.indirect.scatter.add.f32 [tilespmem:s19], [sflag:$0x1], $0x1, s28, s18, $0xb8;
	[tilespmem:$0x4380] =	vst v63  }
0x4c: {  	s29 =	simm.s32 $0x100  }
0x4d: {  	[spmem:s2] =	stream.indirect.scatter.add.f32 [tilespmem:s19], [sflag:$0x1], $0x1, s29, s18, $0xb8;
	[tilespmem:$0x4380] =	vst v63  }
0x4e: {  	s30 =	simm.s32 $0x180  }
0x4f: {  	[spmem:s2] =	stream.indirect.scatter.add.f32 [tilespmem:s19], [sflag:$0x1], $0x1, s30, s18, $0xb8;
	[tilespmem:$0x4380] =	vst v63  }
0x50: {  	s31 =	simm.s32 $0x200  }
0x51: {  	[spmem:s2] =	stream.indirect.scatter.add.f32 [tilespmem:s19], [sflag:$0x1], $0x1, s31, s18, $0xb8;
	[tilespmem:$0x4380] =	vst v63  }
0x52: {  	_ =	swait.ge [sflag:s17], $0x50  }
0x53: {  	[sflag:s17] =	ssyncset.done $0x0  }
0x54: {  	[sflag:s17] =	ssyncadd.s32 $0xFFFFFFB0  }
0x55: {  	_ =	swait.ge [sflag:s17], $0x50  }
0x56: {  	[sflag:s17] =	ssyncset.done $0x0  }
0x57: {  	[sflag:s17] =	ssyncadd.s32 $0xFFFFFFB0  }
0x58: {  	_ =	swait.ge [sflag:s17], $0x50  }
0x59: {  	[sflag:s17] =	ssyncset.done $0x0  }
0x5a: {  	[sflag:s17] =	ssyncadd.s32 $0xFFFFFFB0  }
0x5b: {  	_ =	swait.ge [sflag:s17], $0x50  }
0x5c: {  	[sflag:s17] =	ssyncset.done $0x0  }
0x5d: {  	[sflag:s17] =	ssyncadd.s32 $0xFFFFFFB0  }
0x5e: {  	_ =	swait.ge [sflag:s17], $0x50  }
0x5f: {  	s26 =	simm.s32 $0x1400;
	s25 =	simm.s32 $0xA00;
	[sflag:s17] =	ssyncset.done $0x0  }
.LBB2_2:
0x60: {  	s28 =	sshra.s32 s25, $0x2  }
0x61: {  	[sflag:s17] =	ssyncadd.s32 $0xFFFFFFB0;
	s25 =	smov.u32 s26;
	s29 =	sadd.s32 $0xA00, s26  }
0x62: {  	[spmem:s2] =	stream.indirect.scatter.add.f32 [tilespmem:s19], [sflag:$0x1], $0x1, s28, s18, $0xb8;
	[tilespmem:$0x4380] =	vst v63  }
0x63: {  	p0 =	sne.s32 s26, $0xF000;
	s26 =	sadd.s32 $0x80, s28  }
0x64: {  	[spmem:s2] =	stream.indirect.scatter.add.f32 [tilespmem:s19], [sflag:$0x1], $0x1, s26, s18, $0xb8;
	[tilespmem:$0x4380] =	vst v63  }
0x65: {  	s26 =	sadd.s32 $0x100, s28  }
0x66: {  	[spmem:s2] =	stream.indirect.scatter.add.f32 [tilespmem:s19], [sflag:$0x1], $0x1, s26, s18, $0xb8;
	[tilespmem:$0x4380] =	vst v63  }
0x67: {  	s26 =	sadd.s32 $0x180, s28  }
0x68: {  	[spmem:s2] =	stream.indirect.scatter.add.f32 [tilespmem:s19], [sflag:$0x1], $0x1, s26, s18, $0xb8;
	[tilespmem:$0x4380] =	vst v63  }
0x69: {  	s26 =	sadd.s32 $0x200, s28  }
0x6a: {  	[spmem:s2] =	stream.indirect.scatter.add.f32 [tilespmem:s19], [sflag:$0x1], $0x1, s26, s18, $0xb8;
	[tilespmem:$0x4380] =	vst v63  }
0x6b: {  	_ =	swait.ge [sflag:s17], $0x50  }
0x6c: {  	[sflag:s17] =	ssyncset.done $0x0  }
0x6d: {  	[sflag:s17] =	ssyncadd.s32 $0xFFFFFFB0  }
0x6e: {  	_ =	swait.ge [sflag:s17], $0x50  }
0x6f: {  	[sflag:s17] =	ssyncset.done $0x0  }
0x70: {  	[sflag:s17] =	ssyncadd.s32 $0xFFFFFFB0  }
0x71: {  	_ =	swait.ge [sflag:s17], $0x50  }
0x72: {  	[sflag:s17] =	ssyncset.done $0x0  }
0x73: {  	[sflag:s17] =	ssyncadd.s32 $0xFFFFFFB0  }
.Ltmp0:
0x74: {  	_ =	swait.ge [sflag:s17], $0x50;
	(pc) =	sbr.rel @p0 .LBB2_2-.Ltmp0, $4  }
0x75: {  	[sflag:s17] =	ssyncset.done $0x0  }
0x76: {  	[sflag:s17] =	ssyncadd.s32 $0xFFFFFFB0  }
0x77: {  	_ =	swait.ge [sflag:s17], $0x50  }
0x78: {  	s26 =	smov.u32 s29;
	[sflag:s17] =	ssyncset.done $0x0  }
0x79: {  	s25 =	sshra.s32 s25, $0x2;
	[sflag:s17] =	ssyncadd.s32 $0xFFFFFFB0  }
0x7a: {  	[spmem:s2] =	stream.indirect.scatter.add.f32 [tilespmem:s19], [sflag:$0x1], $0x1, s25, s18, $0xb8;
	[tilespmem:$0x4380] =	vst v63  }
0x7b: {  	s26 =	sadd.s32 $0x80, s25  }
0x7c: {  	[spmem:s2] =	stream.indirect.scatter.add.f32 [tilespmem:s19], [sflag:$0x1], $0x1, s26, s18, $0xb8;
	[tilespmem:$0x4380] =	vst v63  }
0x7d: {  	s30 =	sadd.s32 $0x100, s25  }
0x7e: {  	[spmem:s2] =	stream.indirect.scatter.add.f32 [tilespmem:s19], [sflag:$0x1], $0x1, s30, s18, $0xb8;
	[tilespmem:$0x4380] =	vst v63  }
0x7f: {  	s31 =	sadd.s32 $0x180, s25  }
0x80: {  	[spmem:s2] =	stream.indirect.scatter.add.f32 [tilespmem:s19], [sflag:$0x1], $0x1, s31, s18, $0xb8;
	[tilespmem:$0x4380] =	vst v63  }
0x81: {  	s25 =	sadd.s32 $0x200, s25  }
0x82: {  	[spmem:s2] =	stream.indirect.scatter.add.f32 [tilespmem:s19], [sflag:$0x1], $0x1, s25, s18, $0xb8;
	[tilespmem:$0x4380] =	vst v63  }
0x83: {  	_ =	swait.ge [sflag:s17], $0x50  }
0x84: {  	[sflag:s17] =	ssyncset.done $0x0  }
0x85: {  	[sflag:s17] =	ssyncadd.s32 $0xFFFFFFB0  }
0x86: {  	_ =	swait.ge [sflag:s17], $0x50  }
0x87: {  	[sflag:s17] =	ssyncset.done $0x0  }
0x88: {  	[sflag:s17] =	ssyncadd.s32 $0xFFFFFFB0  }
0x89: {  	_ =	swait.ge [sflag:s17], $0x50  }
0x8a: {  	[sflag:s17] =	ssyncset.done $0x0  }
0x8b: {  	[sflag:s17] =	ssyncadd.s32 $0xFFFFFFB0  }
0x8c: {  	_ =	swait.ge [sflag:s17], $0x50  }
0x8d: {  	[sflag:s17] =	ssyncset.done $0x0  }
0x8e: {  	[sflag:s17] =	ssyncadd.s32 $0xFFFFFFB0  }
0x8f: {  	_ =	swait.ge [sflag:s17], $0x50  }
0x90: {  	s24 =	sadd.s32 $0x1, s24;
	[sflag:s17] =	ssyncset.done $0x0  }
0x91: {  	p0 =	sne.s32 s24, s14;
	[sflag:s17] =	ssyncadd.s32 $0xFFFFFFB0  }
.Ltmp1:
0x92: {  	[bflag:$0x0] =	sbarrier.arrive $0xFFFF;
	(pc) =	sbr.rel @p0 .LBB2_1-.Ltmp1, $4  }
0x93: {  	[hbm:s13@s22], [sflag:s20] =	dma.strided [spmem:s21@s23], $0x50, s17, $0x10   }
0x94: {  	_ =	swait.ge [sflag:s16], $0x50  }
0x95: {  	[sflag:s16] =	ssyncset.done $0x0  }
0x96: {  	[sflag:s16] =	ssyncadd.s32 $0xFFFFFFB0  }
0x97: {  	_ =	sfence.sel $0x180000  }
0x98: {  	[bflag:$0x0] =	sbarrier.arrive $0xFFFF  }
0x99: {  	p0 =	sne.s32 s1, $0x0;
	_ =	strace $0x90000047  }
0x9a: {  	s0 =	sadd.s32 @!p0 $0x100000, s0;
	[bflag:$0x2] =	sbarrier.arrive $0xFFFF  }
0x9b: {  	[sflag:s0] =	ssyncadd.tile.s32 @!p0 $0x1;
	_ =	shalt  }
.Lfunc_end2:
_tile_overlayer_lowered:
.L_overlay_start_2:
0x9c: {  	(tag) =	ssettag $0x2  }
0x9d: {  	s0 =	rddreg [dreg:$0x0];
	s2 =	stileid.u32  }
0x9e: {  	s1 =	rddreg [dreg:$0x1];
	p0 =	sne.s32 s2, $0x0  }
0x9f: {  	s3 =	rddreg [dreg:$0x2];
	[bflag:$0x3] =	sbarrier.arrive $0xFFFF;
	s2 =	simm.s32 @!p0 $0x1C02  }
0xa0: {  	[timem:s3], [sflag:s2] =	dma.local @!p0 [hbm:s0], s1  }
0xa1: {  	s0 =	simm.s32 @!p0 $0x2  }
0xa2: {  	_ =	swait.ge @!p0 [sflag:s0], s1  }
0xa3: {  	s1 =	ssub.s32 @!p0 $0x0, s1;
	[sflag:s0] =	ssyncset.done @!p0 $0x0  }
0xa4: {  	[sflag:s0] =	ssyncadd.s32 @!p0 s1  }
0xa5: {  	[bflag:$0x3] =	sbarrier.arrive $0xFFFF  }
0xa6: {  	_ =	shalt  }

</sc_bundles>
